<compile_context>
chip_gen: v7x
topology: tpu7x:2x2x1
jax: 0.10.2.dev20260603
libtpu: 0.0.44.dev20260713+nightly
codegen_flags: <defaults>
</compile_context>

<pallas_src>
import functools

import jax
import jax.numpy as jnp
from jax import lax
from jax.experimental import pallas as pl
from jax.experimental.pallas import tpu as pltpu
from jax.experimental.pallas import tpu_sc as plsc

_N = 10000
_E = 320000
_HID = 128
_NG = 16
_R_MAX = 5.0
_POLY_P = 5.0
_AVG_NEIGH = 32.0

_NC = 2
_NS = 16
_NW = _NC * _NS
_CH = 128
_NCHUNK = 80
_IG = 16
_NGRP = _NCHUNK // _IG
_EPW = _CH * _NCHUNK
_EP = _EPW * _NW
_BE = 2048
_NEB = _EP // _BE
_BN = 1000
_NNB = _N // _BN
_NPT = 640

_mesh = plsc.VectorSubcoreMesh(
    core_axis_name="c", subcore_axis_name="s", num_cores=_NC, num_subcores=_NS)


def _node_slice(sid):
    return sid * _NPT


_SEG = 1024
_NSEG = _EPW // _SEG


def _gather_table_body(table, srcp, dstp, gsrc, gdst,
                       sidx, didx, rows_s, rows_d, gsem):
    wid = lax.axis_index("s") * _NC + lax.axis_index("c")
    base = wid * _EPW

    def seg(sg, carry):
        sb = base + sg * _SEG
        pltpu.sync_copy(srcp.at[pl.ds(sb, _SEG)], sidx)
        pltpu.sync_copy(dstp.at[pl.ds(sb, _SEG)], didx)

        def fire(j, c):
            o = j * _CH
            pltpu.async_copy(table.at[sidx.at[pl.ds(o, _CH)]],
                             rows_s.at[pl.ds(o, _CH)], gsem).wait()
            pltpu.async_copy(table.at[didx.at[pl.ds(o, _CH)]],
                             rows_d.at[pl.ds(o, _CH)], gsem).wait()
            return c

        lax.fori_loop(0, _SEG // _CH, fire, 0)
        pltpu.sync_copy(rows_s, gsrc.at[pl.ds(sb, _SEG)])
        pltpu.sync_copy(rows_d, gdst.at[pl.ds(sb, _SEG)])
        return carry

    lax.fori_loop(0, _NSEG, seg, 0)


_gather_table = functools.partial(
    pl.kernel,
    out_type=(jax.ShapeDtypeStruct((_EP, 4), jnp.float32),
              jax.ShapeDtypeStruct((_EP, 4), jnp.float32)),
    mesh=_mesh,
    compiler_params=pltpu.CompilerParams(use_tc_tiling_on_sc=False),
    scratch_types=(
        pltpu.VMEM((_SEG,), jnp.int32),
        pltpu.VMEM((_SEG,), jnp.int32),
        pltpu.VMEM((_SEG, 4), jnp.float32),
        pltpu.VMEM((_SEG, 4), jnp.float32),
        pltpu.SemaphoreType.DMA,
    ),
)(_gather_table_body)


def _edge_block_math(gs, gd, cs, wr1, wr2, wshl, blk):
    vec = gd[:, :3] - gs[:, :3] + cs
    r2 = jnp.sum(vec * vec, axis=1) + 1e-12
    r = jnp.sqrt(r2)
    inv = 1.0 / r
    x, y, z = vec[:, 0] * inv, vec[:, 1] * inv, vec[:, 2] * inv
    w = [wshl[0, c] for c in range(16)]
    ang = (w[0]
           + w[1] * x + w[2] * y + w[3] * z
           + w[4] * x * y + w[5] * y * z + w[6] * (3.0 * z * z - 1.0)
           + w[7] * x * z + w[8] * (x * x - y * y)
           + w[9] * y * (3.0 * x * x - y * y) + w[10] * x * y * z
           + w[11] * y * (5.0 * z * z - 1.0) + w[12] * z * (5.0 * z * z - 3.0)
           + w[13] * x * (5.0 * z * z - 1.0) + w[14] * z * (x * x - y * y)
           + w[15] * x * (x * x - 3.0 * y * y))
    rr = jnp.maximum(r, 1e-6)
    pref = jnp.sqrt(2.0 / _R_MAX) / rr
    cols = [(pref * jnp.sin(rr * (n * jnp.pi / _R_MAX)))[:, None]
            for n in range(1, 9)]
    rb = jnp.concatenate(cols, axis=1)
    u = jnp.clip(r / _R_MAX, 0.0, 1.0)
    p = _POLY_P
    u2 = u * u
    u4 = u2 * u2
    u5 = u4 * u
    u6 = u5 * u
    u7 = u6 * u
    cut = (1.0 - ((p + 1.0) * (p + 2.0) / 2.0) * u5
           + p * (p + 2.0) * u6 - (p * (p + 1.0) / 2.0) * u7)
    ef = rb * cut[:, None]
    s = jax.nn.silu(jnp.dot(ef, wr1, preferred_element_type=jnp.float32))
    tp = jnp.dot(s, wr2, preferred_element_type=jnp.float32)
    row = blk * _BE + lax.broadcasted_iota(jnp.int32, (_BE,), 0)
    valid = (row < _E).astype(jnp.float32)
    return tp * (ang * valid)[:, None], gs[:, 3]


def _edge_tc0_body(gs_ref, gd_ref, cs_ref, wr1_ref, wr2_ref, wsh_ref,
                   we_ref, msg_ref):
    blk = pl.program_id(0)
    wa, t = _edge_block_math(gs_ref[...], gd_ref[...], cs_ref[...],
                             wr1_ref[...], wr2_ref[...], wsh_ref[...], blk)
    oh = (t[:, None] ==
          lax.broadcasted_iota(jnp.int32, (_BE, 4), 1).astype(jnp.float32)
          ).astype(jnp.float32)
    nf = jnp.dot(oh, we_ref[...], preferred_element_type=jnp.float32)
    msg_ref[...] = nf * wa


def _edge_tc1_body(gs_ref, gd_ref, cs_ref, wr1_ref, wr2_ref, wsh_ref,
                   msg_ref):
    blk = pl.program_id(0)
    wa, _ = _edge_block_math(gs_ref[...], gd_ref[...], cs_ref[...],
                             wr1_ref[...], wr2_ref[...], wsh_ref[...], blk)
    msg_ref[...] = wa


def _edge_specs(with_embed):
    in_specs = [
        pl.BlockSpec((_BE, 4), lambda i: (i, 0)),
        pl.BlockSpec((_BE, 4), lambda i: (i, 0)),
        pl.BlockSpec((_BE, 3), lambda i: (i, 0)),
        pl.BlockSpec((8, 64), lambda i: (0, 0)),
        pl.BlockSpec((64, _HID), lambda i: (0, 0)),
        pl.BlockSpec((1, 16), lambda i: (0, 0)),
    ]
    if with_embed:
        in_specs.append(pl.BlockSpec((4, _HID), lambda i: (0, 0)))
    return in_specs


_edge_tc0 = pl.pallas_call(
    _edge_tc0_body,
    grid=(_NEB,),
    in_specs=_edge_specs(True),
    out_specs=pl.BlockSpec((_BE, _HID), lambda i: (i, 0)),
    out_shape=jax.ShapeDtypeStruct((_EP, _HID), jnp.float32),
)

_edge_tc1 = pl.pallas_call(
    _edge_tc1_body,
    grid=(_NEB,),
    in_specs=_edge_specs(False),
    out_specs=pl.BlockSpec((_BE, _HID), lambda i: (i, 0)),
    out_shape=jax.ShapeDtypeStruct((_EP, _HID), jnp.float32),
)


def _zero_and_dump(sid, cid, zrows, agg_sh, aggp, dump):
    start = _node_slice(sid)

    @pl.when(sid < _NS - 1)
    def _():
        if dump:
            pltpu.sync_copy(agg_sh.at[pl.ds(start, _NPT)],
                            aggp.at[cid, pl.ds(start, _NPT)])
        else:
            pltpu.sync_copy(zrows.at[pl.ds(start, _NPT)],
                            agg_sh.at[pl.ds(start, _NPT)])

    @pl.when(sid == _NS - 1)
    def _():
        if dump:
            pltpu.sync_copy(agg_sh.at[pl.ds(start, _N - 15 * _NPT)],
                            aggp.at[cid, pl.ds(start, _N - 15 * _NPT)])
        else:
            pltpu.sync_copy(zrows.at[pl.ds(start, _N - 15 * _NPT)],
                            agg_sh.at[pl.ds(start, _N - 15 * _NPT)])


def _scatter0_body(msg, dst2d, zrows, aggp,
                   didx2, mrow, agg_sh):
    cid = lax.axis_index("c")
    sid = lax.axis_index("s")
    wid = sid * _NC + cid
    base = wid * _EPW
    _zero_and_dump(sid, cid, zrows, agg_sh, aggp, dump=False)
    plsc.subcore_barrier()

    def group(g, c0):
        pltpu.sync_copy(dst2d.at[pl.ds(wid * _NCHUNK + g * _IG, _IG)], didx2)

        def step(j, c):
            jj = g * _IG + j
            pltpu.sync_copy(msg.at[pl.ds(base + jj * _CH, _CH)], mrow)
            pltpu.sync_copy(mrow, agg_sh.at[didx2.at[j]], add=True)
            return c

        lax.fori_loop(0, _IG, step, 0)
        return c0

    lax.fori_loop(0, _NGRP, group, 0)
    plsc.subcore_barrier()
    _zero_and_dump(sid, cid, zrows, agg_sh, aggp, dump=True)


_scatter0 = functools.partial(
    pl.kernel,
    out_type=jax.ShapeDtypeStruct((_NC, _N, _HID), jnp.float32),
    mesh=_mesh,
    scratch_types=(
        pltpu.VMEM((_IG, _CH), jnp.int32),
        pltpu.VMEM((_CH, _HID), jnp.float32),
        pltpu.VMEM_SHARED((_N, _HID), jnp.float32),
    ),
)(_scatter0_body)


def _gathermul1_body(nf, we, src2d, dst2d, zrows, aggp,
                     sidx2, didx2, grow, wrow, agg_sh, gsem):
    cid = lax.axis_index("c")
    sid = lax.axis_index("s")
    wid = sid * _NC + cid
    base = wid * _EPW
    _zero_and_dump(sid, cid, zrows, agg_sh, aggp, dump=False)
    plsc.subcore_barrier()

    def group(g, c0):
        pltpu.sync_copy(src2d.at[pl.ds(wid * _NCHUNK + g * _IG, _IG)], sidx2)
        pltpu.sync_copy(dst2d.at[pl.ds(wid * _NCHUNK + g * _IG, _IG)], didx2)

        def step(j, c):
            jj = g * _IG + j
            pltpu.async_copy(nf.at[sidx2.at[j]], grow, gsem)
            pltpu.sync_copy(we.at[pl.ds(base + jj * _CH, _CH)], wrow)
            pltpu.make_async_copy(nf.at[pl.ds(0, _CH)], grow, gsem).wait()

            def mul_row(i, c2):
                for k in range(_HID // 16):
                    sl = pl.ds(k * 16, 16)
                    grow[i, sl] = grow[i, sl] * wrow[i, sl]
                return c2

            lax.fori_loop(0, _CH, mul_row, 0)
            pltpu.sync_copy(grow, agg_sh.at[didx2.at[j]], add=True)
            return c

        lax.fori_loop(0, _IG, step, 0)
        return c0

    lax.fori_loop(0, _NGRP, group, 0)
    plsc.subcore_barrier()
    _zero_and_dump(sid, cid, zrows, agg_sh, aggp, dump=True)


_gathermul1 = functools.partial(
    pl.kernel,
    out_type=jax.ShapeDtypeStruct((_NC, _N, _HID), jnp.float32),
    mesh=_mesh,
    scratch_types=(
        pltpu.VMEM((_IG, _CH), jnp.int32),
        pltpu.VMEM((_IG, _CH), jnp.int32),
        pltpu.VMEM((_CH, _HID), jnp.float32),
        pltpu.VMEM((_CH, _HID), jnp.float32),
        pltpu.VMEM_SHARED((_N, _HID), jnp.float32),
        pltpu.SemaphoreType.DMA,
    ),
)(_gathermul1_body)


def _node_common(aggp0, aggp1, nf, oh, wsk, wlin, wp):
    agg = (aggp0 + aggp1) * (1.0 / _AVG_NEIGH)
    h = jnp.dot(agg, wlin, preferred_element_type=jnp.float32)
    sc = jnp.zeros_like(h)
    for t in range(4):
        sc = sc + jnp.dot(nf, wsk[t], preferred_element_type=jnp.float32) \
            * oh[:, t][:, None]
    w1 = jnp.dot(oh, wp[0], preferred_element_type=jnp.float32)
    w2 = jnp.dot(oh, wp[1], preferred_element_type=jnp.float32)
    w3 = jnp.dot(oh, wp[2], preferred_element_type=jnp.float32)
    hp = (w1 + (w2 + w3 * h) * h) * h
    return hp, sc


def _node_tc0_body(aggp_ref, t_ref, b_ref, wemb_ref, wsk_ref, wlin_ref,
                   wp_ref, wprod_ref, wro0_ref, nfo_ref, eseg_ref):
    i = pl.program_id(0)
    t = t_ref[...]
    oh = (t == lax.broadcasted_iota(jnp.int32, (_BN, 4), 1)).astype(jnp.float32)
    nf = jnp.dot(oh, wemb_ref[...], preferred_element_type=jnp.float32)
    hp, sc = _node_common(aggp_ref[0], aggp_ref[1], nf, oh,
                          wsk_ref, wlin_ref[...], wp_ref)
    nfo = jnp.dot(hp, wprod_ref[...], preferred_element_type=jnp.float32) + sc
    nfo_ref[...] = nfo
    e = jnp.dot(nfo, wro0_ref[...], preferred_element_type=jnp.float32)
    ohg = (b_ref[...] == lax.broadcasted_iota(jnp.int32, (_BN, _NG), 1)
           ).astype(jnp.float32)
    eblk = jnp.dot(e.T, ohg, preferred_element_type=jnp.float32)

    @pl.when(i == 0)
    def _():
        eseg_ref[...] = jnp.zeros_like(eseg_ref)

    eseg_ref[...] += eblk


def _node_tc1_body(aggp_ref, t_ref, b_ref, nf_ref, e0_ref, wsk_ref, wlin_ref,
                   wp_ref, wprod_ref, wro1a_ref, wro1b_ref, nfo_ref, eseg_ref):
    i = pl.program_id(0)
    t = t_ref[...]
    oh = (t == lax.broadcasted_iota(jnp.int32, (_BN, 4), 1)).astype(jnp.float32)
    hp, sc = _node_common(aggp_ref[0], aggp_ref[1], nf_ref[...], oh,
                          wsk_ref, wlin_ref[...], wp_ref)
    nfo = jnp.dot(hp, wprod_ref[...], preferred_element_type=jnp.float32) + sc
    nfo_ref[...] = nfo
    ha = jax.nn.silu(jnp.dot(nfo, wro1a_ref[...],
                             preferred_element_type=jnp.float32))
    e = jnp.dot(ha, wro1b_ref[...], preferred_element_type=jnp.float32)
    ohg = (b_ref[...] == lax.broadcasted_iota(jnp.int32, (_BN, _NG), 1)
           ).astype(jnp.float32)
    eblk = jnp.dot(e.T, ohg, preferred_element_type=jnp.float32)

    @pl.when(i == 0)
    def _():
        eseg_ref[...] = e0_ref[...]

    eseg_ref[...] += eblk


_node_tc0 = pl.pallas_call(
    _node_tc0_body,
    grid=(_NNB,),
    in_specs=[
        pl.BlockSpec((_NC, _BN, _HID), lambda i: (0, i, 0)),
        pl.BlockSpec((_BN, 1), lambda i: (i, 0)),
        pl.BlockSpec((_BN, 1), lambda i: (i, 0)),
        pl.BlockSpec((4, _HID), lambda i: (0, 0)),
        pl.BlockSpec((4, _HID, _HID), lambda i: (0, 0, 0)),
        pl.BlockSpec((_HID, _HID), lambda i: (0, 0)),
        pl.BlockSpec((3, 4, _HID), lambda i: (0, 0, 0)),
        pl.BlockSpec((_HID, _HID), lambda i: (0, 0)),
        pl.BlockSpec((_HID, 1), lambda i: (0, 0)),
    ],
    out_specs=[
        pl.BlockSpec((_BN, _HID), lambda i: (i, 0)),
        pl.BlockSpec((1, _NG), lambda i: (0, 0)),
    ],
    out_shape=[
        jax.ShapeDtypeStruct((_N, _HID), jnp.float32),
        jax.ShapeDtypeStruct((1, _NG), jnp.float32),
    ],
)

_node_tc1 = pl.pallas_call(
    _node_tc1_body,
    grid=(_NNB,),
    in_specs=[
        pl.BlockSpec((_NC, _BN, _HID), lambda i: (0, i, 0)),
        pl.BlockSpec((_BN, 1), lambda i: (i, 0)),
        pl.BlockSpec((_BN, 1), lambda i: (i, 0)),
        pl.BlockSpec((_BN, _HID), lambda i: (i, 0)),
        pl.BlockSpec((1, _NG), lambda i: (0, 0)),
        pl.BlockSpec((4, _HID, _HID), lambda i: (0, 0, 0)),
        pl.BlockSpec((_HID, _HID), lambda i: (0, 0)),
        pl.BlockSpec((3, 4, _HID), lambda i: (0, 0, 0)),
        pl.BlockSpec((_HID, _HID), lambda i: (0, 0)),
        pl.BlockSpec((_HID, 16), lambda i: (0, 0)),
        pl.BlockSpec((16, 1), lambda i: (0, 0)),
    ],
    out_specs=[
        pl.BlockSpec((_BN, _HID), lambda i: (i, 0)),
        pl.BlockSpec((1, _NG), lambda i: (0, 0)),
    ],
    out_shape=[
        jax.ShapeDtypeStruct((_N, _HID), jnp.float32),
        jax.ShapeDtypeStruct((1, _NG), jnp.float32),
    ],
)


def kernel(pos, atom_types, edge_index, batch, ptr, cell_shifts, W_embed,
           Wr1, Wr2, wsh, Wsk, Wlin, Wp, Wprod, Wro0, Wro1a, Wro1b):
    src = edge_index[0].astype(jnp.int32)
    dst = edge_index[1].astype(jnp.int32)
    srcp = jnp.zeros((_EP,), jnp.int32).at[:_E].set(src)
    dstp = jnp.zeros((_EP,), jnp.int32).at[:_E].set(dst)
    src2d = srcp.reshape(_EP // _CH, _CH)
    dst2d = dstp.reshape(_EP // _CH, _CH)
    csp = jnp.zeros((_EP, 3), jnp.float32).at[:_E].set(cell_shifts)
    table = jnp.concatenate(
        [pos, atom_types.astype(jnp.float32)[:, None]], axis=1)
    zrows = jnp.zeros((_N, _HID), jnp.float32)
    t2d = atom_types.astype(jnp.int32)[:, None]
    b2d = batch.astype(jnp.int32)[:, None]
    wsh2d = wsh.reshape(2, 1, 16)

    gsrc, gdst = _gather_table(table, srcp, dstp)

    msg0 = _edge_tc0(gsrc, gdst, csp, Wr1[0], Wr2[0], wsh2d[0], W_embed)
    aggp0 = _scatter0(msg0, dst2d, zrows)
    nf1, e0 = _node_tc0(aggp0, t2d, b2d, W_embed, Wsk[0], Wlin[0],
                        Wp[0], Wprod[0], Wro0)

    we1 = _edge_tc1(gsrc, gdst, csp, Wr1[1], Wr2[1], wsh2d[1])
    aggp1 = _gathermul1(nf1, we1, src2d, dst2d, zrows)
    _, e1 = _node_tc1(aggp1, t2d, b2d, nf1, e0, Wsk[1], Wlin[1],
                      Wp[1], Wprod[1], Wro1a, Wro1b)

    return e1.reshape(_NG)

# --- scband reference (transcript-rebuilt; emitter-appended) ---
"""Pipeline reference for scband-standard-mace-21139829031607 (READ-ONLY COPY).

The authoritative reference and input builder live on the scoring server;
editing this copy changes nothing except your own understanding.
"""

import jax, jax.numpy as jnp
import numpy as np

N = 10000
E = 320000
N_TYPES = 4
HID = 128
R_MAX = 5.0
NUM_BESSEL = 8
POLY_P = 5.0
AVG_NEIGH = 32.0
NUM_GRAPHS = 16


def _sph(v):
    # real spherical harmonics up to l=3 (16 components), unnormalized polynomial form
    x, y, z = v[:, 0], v[:, 1], v[:, 2]
    return jnp.stack([
        jnp.ones_like(x),
        x, y, z,
        x * y, y * z, 3.0 * z * z - 1.0, x * z, x * x - y * y,
        y * (3.0 * x * x - y * y), x * y * z, y * (5.0 * z * z - 1.0),
        z * (5.0 * z * z - 3.0), x * (5.0 * z * z - 1.0), z * (x * x - y * y), x * (x * x - 3.0 * y * y),
    ], axis=1)


def _bessel(r):
    # Bessel radial basis with polynomial envelope cutoff
    n = jnp.arange(1, NUM_BESSEL + 1, dtype=jnp.float32)
    rr = jnp.clip(r, 1e-6, None)
    rb = jnp.sqrt(2.0 / R_MAX) * jnp.sin(rr[:, None] * n[None, :] * jnp.pi / R_MAX) / rr[:, None]
    u = jnp.clip(r / R_MAX, 0.0, 1.0)
    p = POLY_P
    cut = 1.0 - ((p + 1.0) * (p + 2.0) / 2.0) * u ** p + p * (p + 2.0) * u ** (p + 1.0) - (p * (p + 1.0) / 2.0) * u ** (p + 2.0)
    return rb * cut[:, None]


def setup_inputs(seed: int = 0):
    key = jax.random.key(seed)
    ks = jax.random.split(key, 20)
    pos = jax.random.normal(ks[0], (N, 3), dtype=jnp.float32) * 5.0
    atom_types = jax.random.randint(ks[1], (N,), 0, N_TYPES)
    edge_index = jax.random.randint(ks[2], (2, E), 0, N)
    batch = jnp.sort(jax.random.randint(ks[3], (N,), 0, NUM_GRAPHS))
    ptr = jnp.arange(NUM_GRAPHS + 1, dtype=jnp.int64 if jax.config.read('jax_enable_x64') else jnp.int32)
    cell_shifts = jnp.zeros((E, 3), dtype=jnp.float32)
    s = 0.1
    W_embed = jax.random.normal(ks[4], (N_TYPES, HID), dtype=jnp.float32) * s
    Wr1 = jax.random.normal(ks[5], (2, NUM_BESSEL, 64), dtype=jnp.float32) * s
    Wr2 = jax.random.normal(ks[6], (2, 64, HID), dtype=jnp.float32) * s
    wsh = jax.random.normal(ks[7], (2, 16), dtype=jnp.float32) * s
    Wsk = jax.random.normal(ks[8], (2, N_TYPES, HID, HID), dtype=jnp.float32) * (1.0 / np.sqrt(HID))
    Wlin = jax.random.normal(ks[9], (2, HID, HID), dtype=jnp.float32) * (1.0 / np.sqrt(HID))
    Wp = jax.random.normal(ks[10], (2, 3, N_TYPES, HID), dtype=jnp.float32) * s
    Wprod = jax.random.normal(ks[11], (2, HID, HID), dtype=jnp.float32) * (1.0 / np.sqrt(HID))
    Wro0 = jax.random.normal(ks[12], (HID, 1), dtype=jnp.float32) * s
    Wro1a = jax.random.normal(ks[13], (HID, 16), dtype=jnp.float32) * s
    Wro1b = jax.random.normal(ks[14], (16, 1), dtype=jnp.float32) * s
    return {"pos": pos, "atom_types": atom_types, "edge_index": edge_index, "batch": batch,
            "ptr": ptr, "cell_shifts": cell_shifts, "W_embed": W_embed, "Wr1": Wr1, "Wr2": Wr2,
            "wsh": wsh, "Wsk": Wsk, "Wlin": Wlin, "Wp": Wp, "Wprod": Wprod,
            "Wro0": Wro0, "Wro1a": Wro1a, "Wro1b": Wro1b}


def reference(pos, atom_types, edge_index, batch, ptr, cell_shifts, W_embed, Wr1, Wr2, wsh, Wsk, Wlin, Wp, Wprod, Wro0, Wro1a, Wro1b):
    node_attrs = jax.nn.one_hot(atom_types, N_TYPES, dtype=jnp.float32)
    node_feats = node_attrs @ W_embed
    src, dst = edge_index[0], edge_index[1]
    vec = pos[dst] - pos[src] + cell_shifts
    lengths = jnp.sqrt(jnp.sum(vec * vec, axis=1) + 1e-12)
    unit = vec / lengths[:, None]
    edge_attrs = _sph(unit)
    edge_feats = _bessel(lengths)
    num_graphs = NUM_GRAPHS
    pair_energy = jnp.zeros((num_graphs,), dtype=jnp.float32)
    energies = [pair_energy]
    for l in range(2):
        # interaction: radially-weighted message from src nodes, modulated by spherical harmonics
        tp_w = jax.nn.silu(edge_feats @ Wr1[l]) @ Wr2[l]
        ang = edge_attrs @ wsh[l]
        msg = node_feats[src] * tp_w * ang[:, None]
        agg = jnp.zeros((pos.shape[0], HID), dtype=jnp.float32).at[dst].add(msg) / AVG_NEIGH
        # species-dependent skip connection
        sc = jnp.einsum('na,aji,nj->ni', node_attrs, Wsk[l], node_feats)
        h = agg @ Wlin[l]
        # product basis (symmetric contraction up to correlation order 3, per-species weights)
        w1 = node_attrs @ Wp[l, 0]
        w2 = node_attrs @ Wp[l, 1]
        w3 = node_attrs @ Wp[l, 2]
        hp = w1 * h + w2 * h * h + w3 * h * h * h
        node_feats = hp @ Wprod[l] + sc
        # readout
        if l == 0:
            node_energies = (node_feats @ Wro0)[:, 0]
        else:
            node_energies = (jax.nn.silu(node_feats @ Wro1a) @ Wro1b)[:, 0]
        energies.append(jax.ops.segment_sum(node_energies, batch, num_segments=num_graphs))
    contributions = jnp.stack(energies, axis=-1)
    total_energy = jnp.sum(contributions, axis=-1)
    return total_energy

if __name__ == "__main__":
    import jax
    _d = setup_inputs()
    print(jax.jit(kernel)(*tuple(_d.values())))

</pallas_src>

<mosaic_0001>
#map = affine_map<(d0, d1) -> (0, 0)>
#map1 = affine_map<(d0, d1) -> (0, 0, 0)>
module attributes {stable_mosaic.version = 14 : i64} {
  func.func @_gathermul1_body(%arg0: i32, %arg1: i32, %arg2: memref<10000x128xf32, #tpu.memory_space<hbm>>, %arg3: memref<327680x128xf32, #tpu.memory_space<hbm>>, %arg4: memref<2560x128xi32, #tpu.memory_space<hbm>>, %arg5: memref<2560x128xi32, #tpu.memory_space<hbm>>, %arg6: memref<10000x128xf32, #tpu.memory_space<hbm>>, %arg7: memref<2x10000x128xf32, #tpu.memory_space<hbm>>, %arg8: memref<16x128xi32, #tpu.memory_space<vmem>>, %arg9: memref<16x128xi32, #tpu.memory_space<vmem>>, %arg10: memref<128x128xf32, #tpu.memory_space<vmem>>, %arg11: memref<128x128xf32, #tpu.memory_space<vmem>>, %arg12: memref<10000x128xf32, #tpu.memory_space<vmem_shared>>, %arg13: memref<!tpu.dma_semaphore, #tpu.memory_space<semaphore_mem>>) attributes {dimension_semantics = [#tpu.dimension_semantics<core_parallel>, #tpu.dimension_semantics<subcore_parallel>], iteration_bounds = array<i64: 2, 16>, scalar_prefetch = 0 : i64, scratch_operands = 6 : i64, tpu.core_type = #tpu.core_type<sc_vector_subcore>, window_params = [{transform_indices = #map}, {transform_indices = #map}, {transform_indices = #map}, {transform_indices = #map}, {transform_indices = #map}, {transform_indices = #map1}]} {
    %mul3A = arith.constant 2 : i32
    %mul3A_0 = arith.muli %arg1, %mul3A : i32
    %add3A = arith.addi %mul3A_0, %arg0 : i32
    %mul3A_1 = arith.constant 10240 : i32
    %mul3A_2 = arith.muli %add3A, %mul3A_1 : i32
    %mul3A_3 = arith.constant 640 : i32
    %mul3A_4 = arith.muli %arg1, %mul3A_3 : i32
    %lt3A = arith.constant 15 : i32
    %lt3A_5 = arith.cmpi slt, %arg1, %lt3A : i32
    %convert_element_type3A = arith.extui %lt3A_5 : i1 to i32
    %cond3A = arith.constant 0 : i32
    %cond3A_6 = arith.cmpi ne, %convert_element_type3A, %cond3A : i32
    scf.if %cond3A_6 {
      "tpu.region"() ({
        %run_scoped3A = tpu.sem_alloc : memref<!tpu.dma_semaphore, #tpu.memory_space<semaphore_mem>>
        %dma_start3A = arith.constant 0 : i32
        %dma_start3A_29 = tpu.memref_slice %arg12[%mul3A_4, %dma_start3A] : memref<10000x128xf32, #tpu.memory_space<vmem_shared>> -> memref<640x128xf32, #tpu.memory_space<vmem_shared>>
        %dma_start3A_30 = arith.constant 0 : i32
        %dma_start3A_31 = tpu.memref_slice %arg6[%mul3A_4, %dma_start3A_30] : memref<10000x128xf32, #tpu.memory_space<hbm>> -> memref<640x128xf32, #tpu.memory_space<hbm>>
        tpu.enqueue_dma source(%dma_start3A_31 : memref<640x128xf32, #tpu.memory_space<hbm>>) target(%dma_start3A_29 : memref<640x128xf32, #tpu.memory_space<vmem_shared>>) target_semaphore(%run_scoped3A : memref<!tpu.dma_semaphore, #tpu.memory_space<semaphore_mem>>)
        %dma_wait3A = arith.constant 0 : i32
        %dma_wait3A_32 = tpu.memref_slice %arg12[%mul3A_4, %dma_wait3A] : memref<10000x128xf32, #tpu.memory_space<vmem_shared>> -> memref<640x128xf32, #tpu.memory_space<vmem_shared>>
        %dma_wait3A_33 = arith.constant 0 : i32
        %dma_wait3A_34 = tpu.memref_slice %arg6[%mul3A_4, %dma_wait3A_33] : memref<10000x128xf32, #tpu.memory_space<hbm>> -> memref<640x128xf32, #tpu.memory_space<hbm>>
        tpu.wait_dma2 semaphore(%run_scoped3A : memref<!tpu.dma_semaphore, #tpu.memory_space<semaphore_mem>>) src(%dma_wait3A_34 : memref<640x128xf32, #tpu.memory_space<hbm>>) dst(%dma_wait3A_32 : memref<640x128xf32, #tpu.memory_space<vmem_shared>>)
        tpu.yield
      }) : () -> ()
    } else {
    }
    %eq3A = arith.constant 15 : i32
    %eq3A_7 = arith.cmpi eq, %arg1, %eq3A : i32
    %convert_element_type3A_8 = arith.extui %eq3A_7 : i1 to i32
    %cond3A_9 = arith.constant 0 : i32
    %cond3A_10 = arith.cmpi ne, %convert_element_type3A_8, %cond3A_9 : i32
    scf.if %cond3A_10 {
      "tpu.region"() ({
        %run_scoped3A = tpu.sem_alloc : memref<!tpu.dma_semaphore, #tpu.memory_space<semaphore_mem>>
        %dma_start3A = arith.constant 0 : i32
        %dma_start3A_29 = tpu.memref_slice %arg12[%mul3A_4, %dma_start3A] : memref<10000x128xf32, #tpu.memory_space<vmem_shared>> -> memref<400x128xf32, #tpu.memory_space<vmem_shared>>
        %dma_start3A_30 = arith.constant 0 : i32
        %dma_start3A_31 = tpu.memref_slice %arg6[%mul3A_4, %dma_start3A_30] : memref<10000x128xf32, #tpu.memory_space<hbm>> -> memref<400x128xf32, #tpu.memory_space<hbm>>
        tpu.enqueue_dma source(%dma_start3A_31 : memref<400x128xf32, #tpu.memory_space<hbm>>) target(%dma_start3A_29 : memref<400x128xf32, #tpu.memory_space<vmem_shared>>) target_semaphore(%run_scoped3A : memref<!tpu.dma_semaphore, #tpu.memory_space<semaphore_mem>>)
        %dma_wait3A = arith.constant 0 : i32
        %dma_wait3A_32 = tpu.memref_slice %arg12[%mul3A_4, %dma_wait3A] : memref<10000x128xf32, #tpu.memory_space<vmem_shared>> -> memref<400x128xf32, #tpu.memory_space<vmem_shared>>
        %dma_wait3A_33 = arith.constant 0 : i32
        %dma_wait3A_34 = tpu.memref_slice %arg6[%mul3A_4, %dma_wait3A_33] : memref<10000x128xf32, #tpu.memory_space<hbm>> -> memref<400x128xf32, #tpu.memory_space<hbm>>
        tpu.wait_dma2 semaphore(%run_scoped3A : memref<!tpu.dma_semaphore, #tpu.memory_space<semaphore_mem>>) src(%dma_wait3A_34 : memref<400x128xf32, #tpu.memory_space<hbm>>) dst(%dma_wait3A_32 : memref<400x128xf32, #tpu.memory_space<vmem_shared>>)
        tpu.yield
      }) : () -> ()
    } else {
    }
    %barrier3A = arith.constant 0 : index
    tpu.barrier barrier_id(%barrier3A)
    %scan3A = arith.constant 0 : i32
    %scan3A_11 = arith.constant 0 : i32
    %scan3A_12 = arith.constant 5 : i32
    %scan3A_13 = arith.addi %scan3A_11, %scan3A_12 : i32
    %scan3A_14 = arith.constant 1 : i32
    scf.for %scan3A_29 = %scan3A_11 to %scan3A_13 step %scan3A_14  : i32 {
      %mul3A_30 = arith.constant 80 : i32
      %mul3A_31 = arith.muli %add3A, %mul3A_30 : i32
      %mul3A_32 = arith.constant 16 : i32
      %mul3A_33 = arith.muli %scan3A_29, %mul3A_32 : i32
      %add3A_34 = arith.addi %mul3A_31, %mul3A_33 : i32
      "tpu.region"() ({
        %run_scoped3A = tpu.sem_alloc : memref<!tpu.dma_semaphore, #tpu.memory_space<semaphore_mem>>
        %dma_start3A = arith.constant 0 : i32
        %dma_start3A_46 = tpu.memref_slice %arg4[%add3A_34, %dma_start3A] : memref<2560x128xi32, #tpu.memory_space<hbm>> -> memref<16x128xi32, #tpu.memory_space<hbm>>
        %dma_start3A_47 = arith.constant 0 : i32
        %dma_start3A_48 = tpu.memref_slice %arg4[%add3A_34, %dma_start3A_47] : memref<2560x128xi32, #tpu.memory_space<hbm>> -> memref<16x128xi32, #tpu.memory_space<hbm>>
        tpu.enqueue_dma source(%dma_start3A_48 : memref<16x128xi32, #tpu.memory_space<hbm>>) target(%arg8 : memref<16x128xi32, #tpu.memory_space<vmem>>) target_semaphore(%run_scoped3A : memref<!tpu.dma_semaphore, #tpu.memory_space<semaphore_mem>>)
        %dma_wait3A = arith.constant 0 : i32
        %dma_wait3A_49 = tpu.memref_slice %arg4[%add3A_34, %dma_wait3A] : memref<2560x128xi32, #tpu.memory_space<hbm>> -> memref<16x128xi32, #tpu.memory_space<hbm>>
        %dma_wait3A_50 = arith.constant 0 : i32
        %dma_wait3A_51 = tpu.memref_slice %arg4[%add3A_34, %dma_wait3A_50] : memref<2560x128xi32, #tpu.memory_space<hbm>> -> memref<16x128xi32, #tpu.memory_space<hbm>>
        tpu.wait_dma2 semaphore(%run_scoped3A : memref<!tpu.dma_semaphore, #tpu.memory_space<semaphore_mem>>) src(%dma_wait3A_51 : memref<16x128xi32, #tpu.memory_space<hbm>>) dst(%arg8 : memref<16x128xi32, #tpu.memory_space<vmem>>)
        tpu.yield
      }) : () -> ()
      %mul3A_35 = arith.constant 80 : i32
      %mul3A_36 = arith.muli %add3A, %mul3A_35 : i32
      %mul3A_37 = arith.constant 16 : i32
      %mul3A_38 = arith.muli %scan3A_29, %mul3A_37 : i32
      %add3A_39 = arith.addi %mul3A_36, %mul3A_38 : i32
      "tpu.region"() ({
        %run_scoped3A = tpu.sem_alloc : memref<!tpu.dma_semaphore, #tpu.memory_space<semaphore_mem>>
        %dma_start3A = arith.constant 0 : i32
        %dma_start3A_46 = tpu.memref_slice %arg5[%add3A_39, %dma_start3A] : memref<2560x128xi32, #tpu.memory_space<hbm>> -> memref<16x128xi32, #tpu.memory_space<hbm>>
        %dma_start3A_47 = arith.constant 0 : i32
        %dma_start3A_48 = tpu.memref_slice %arg5[%add3A_39, %dma_start3A_47] : memref<2560x128xi32, #tpu.memory_space<hbm>> -> memref<16x128xi32, #tpu.memory_space<hbm>>
        tpu.enqueue_dma source(%dma_start3A_48 : memref<16x128xi32, #tpu.memory_space<hbm>>) target(%arg9 : memref<16x128xi32, #tpu.memory_space<vmem>>) target_semaphore(%run_scoped3A : memref<!tpu.dma_semaphore, #tpu.memory_space<semaphore_mem>>)
        %dma_wait3A = arith.constant 0 : i32
        %dma_wait3A_49 = tpu.memref_slice %arg5[%add3A_39, %dma_wait3A] : memref<2560x128xi32, #tpu.memory_space<hbm>> -> memref<16x128xi32, #tpu.memory_space<hbm>>
        %dma_wait3A_50 = arith.constant 0 : i32
        %dma_wait3A_51 = tpu.memref_slice %arg5[%add3A_39, %dma_wait3A_50] : memref<2560x128xi32, #tpu.memory_space<hbm>> -> memref<16x128xi32, #tpu.memory_space<hbm>>
        tpu.wait_dma2 semaphore(%run_scoped3A : memref<!tpu.dma_semaphore, #tpu.memory_space<semaphore_mem>>) src(%dma_wait3A_51 : memref<16x128xi32, #tpu.memory_space<hbm>>) dst(%arg9 : memref<16x128xi32, #tpu.memory_space<vmem>>)
        tpu.yield
      }) : () -> ()
      %scan3A_40 = arith.constant 0 : i32
      %scan3A_41 = arith.constant 0 : i32
      %scan3A_42 = arith.constant 16 : i32
      %scan3A_43 = arith.addi %scan3A_41, %scan3A_42 : i32
      %scan3A_44 = arith.constant 1 : i32
      scf.for %scan3A_46 = %scan3A_41 to %scan3A_43 step %scan3A_44  : i32 {
        %mul3A_47 = arith.constant 16 : i32
        %mul3A_48 = arith.muli %scan3A_29, %mul3A_47 : i32
        %add3A_49 = arith.addi %mul3A_48, %scan3A_46 : i32
        %dma_start3A = arith.constant 0 : i32
        %dma_start3A_50 = tpu.memref_slice %arg8[%scan3A_46, %dma_start3A] : memref<16x128xi32, #tpu.memory_space<vmem>> -> memref<1x128xi32, #tpu.memory_space<vmem>>
        %dma_start3A_51 = tpu.memref_squeeze %dma_start3A_50 : memref<1x128xi32, #tpu.memory_space<vmem>> -> memref<128xi32, #tpu.memory_space<vmem>>
        %dma_start3A_52 = arith.constant 0 : i32
        %dma_start3A_53 = arith.constant 0 : i32
        %dma_start3A_54 = tpu.memref_slice %arg2[%dma_start3A_52, %dma_start3A_53] : memref<10000x128xf32, #tpu.memory_space<hbm>> -> memref<10000x128xf32, #tpu.memory_space<hbm>>
        tpu.enqueue_indirect_dma source(%dma_start3A_54 : memref<10000x128xf32, #tpu.memory_space<hbm>>) target(%arg10 : memref<128x128xf32, #tpu.memory_space<vmem>>) offsets(%dma_start3A_51 : memref<128xi32, #tpu.memory_space<vmem>>) semaphore(%arg13 : memref<!tpu.dma_semaphore, #tpu.memory_space<semaphore_mem>>)
        %mul3A_55 = arith.constant 128 : i32
        %mul3A_56 = arith.muli %add3A_49, %mul3A_55 : i32
        %add3A_57 = arith.addi %mul3A_2, %mul3A_56 : i32
        "tpu.region"() ({
          %run_scoped3A = tpu.sem_alloc : memref<!tpu.dma_semaphore, #tpu.memory_space<semaphore_mem>>
          %dma_start3A_69 = arith.constant 0 : i32
          %dma_start3A_70 = tpu.memref_slice %arg3[%add3A_57, %dma_start3A_69] : memref<327680x128xf32, #tpu.memory_space<hbm>> -> memref<128x128xf32, #tpu.memory_space<hbm>>
          %dma_start3A_71 = arith.constant 0 : i32
          %dma_start3A_72 = tpu.memref_slice %arg3[%add3A_57, %dma_start3A_71] : memref<327680x128xf32, #tpu.memory_space<hbm>> -> memref<128x128xf32, #tpu.memory_space<hbm>>
          tpu.enqueue_dma source(%dma_start3A_72 : memref<128x128xf32, #tpu.memory_space<hbm>>) target(%arg11 : memref<128x128xf32, #tpu.memory_space<vmem>>) target_semaphore(%run_scoped3A : memref<!tpu.dma_semaphore, #tpu.memory_space<semaphore_mem>>)
          %dma_wait3A_73 = arith.constant 0 : i32
          %dma_wait3A_74 = tpu.memref_slice %arg3[%add3A_57, %dma_wait3A_73] : memref<327680x128xf32, #tpu.memory_space<hbm>> -> memref<128x128xf32, #tpu.memory_space<hbm>>
          %dma_wait3A_75 = arith.constant 0 : i32
          %dma_wait3A_76 = tpu.memref_slice %arg3[%add3A_57, %dma_wait3A_75] : memref<327680x128xf32, #tpu.memory_space<hbm>> -> memref<128x128xf32, #tpu.memory_space<hbm>>
          tpu.wait_dma2 semaphore(%run_scoped3A : memref<!tpu.dma_semaphore, #tpu.memory_space<semaphore_mem>>) src(%dma_wait3A_76 : memref<128x128xf32, #tpu.memory_space<hbm>>) dst(%arg11 : memref<128x128xf32, #tpu.memory_space<vmem>>)
          tpu.yield
        }) : () -> ()
        %dma_wait3A = arith.constant 0 : i32
        %dma_wait3A_58 = arith.constant 0 : i32
        %dma_wait3A_59 = tpu.memref_slice %arg2[%dma_wait3A, %dma_wait3A_58] : memref<10000x128xf32, #tpu.memory_space<hbm>> -> memref<128x128xf32, #tpu.memory_space<hbm>>
        %dma_wait3A_60 = arith.constant 0 : i32
        %dma_wait3A_61 = arith.constant 0 : i32
        %dma_wait3A_62 = tpu.memref_slice %arg2[%dma_wait3A_60, %dma_wait3A_61] : memref<10000x128xf32, #tpu.memory_space<hbm>> -> memref<128x128xf32, #tpu.memory_space<hbm>>
        tpu.wait_dma2 semaphore(%arg13 : memref<!tpu.dma_semaphore, #tpu.memory_space<semaphore_mem>>) src(%dma_wait3A_62 : memref<128x128xf32, #tpu.memory_space<hbm>>) dst(%arg10 : memref<128x128xf32, #tpu.memory_space<vmem>>)
        %scan3A_63 = arith.constant 0 : i32
        %scan3A_64 = arith.constant 0 : i32
        %scan3A_65 = arith.constant 128 : i32
        %scan3A_66 = arith.addi %scan3A_64, %scan3A_65 : i32
        %scan3A_67 = arith.constant 1 : i32
        scf.for %scan3A_69 = %scan3A_64 to %scan3A_66 step %scan3A_67  : i32 {
          %get3A = arith.index_cast %scan3A_69 : i32 to index
          %get3A_70 = arith.constant 0 : index
          %get3A_71 = tpu.vector_load %arg10[%get3A, %get3A_70] {strides = array<i32>} : memref<128x128xf32, #tpu.memory_space<vmem>>, vector<1x16xf32>,
          %get3A_72 = vector.shape_cast %get3A_71 : vector<1x16xf32> to vector<16xf32>
          %get3A_73 = arith.index_cast %scan3A_69 : i32 to index
          %get3A_74 = arith.constant 0 : index
          %get3A_75 = tpu.vector_load %arg11[%get3A_73, %get3A_74] {strides = array<i32>} : memref<128x128xf32, #tpu.memory_space<vmem>>, vector<1x16xf32>,
          %get3A_76 = vector.shape_cast %get3A_75 : vector<1x16xf32> to vector<16xf32>
          %mul3A_77 = arith.mulf %get3A_72, %get3A_76 : vector<16xf32>
          %swap3A = arith.index_cast %scan3A_69 : i32 to index
          %swap3A_78 = arith.constant 0 : index
          %swap3A_79 = tpu.vector_load %arg10[%swap3A, %swap3A_78] {strides = array<i32>} : memref<128x128xf32, #tpu.memory_space<vmem>>, vector<1x16xf32>,
          %swap3A_80 = vector.shape_cast %swap3A_79 : vector<1x16xf32> to vector<16xf32>
          %swap3A_81 = vector.shape_cast %mul3A_77 : vector<16xf32> to vector<1x16xf32>
          tpu.vector_store %arg10[%swap3A, %swap3A_78], %swap3A_81 {strides = array<i32>} : memref<128x128xf32, #tpu.memory_space<vmem>>, vector<1x16xf32>,
          %get3A_82 = arith.index_cast %scan3A_69 : i32 to index
          %get3A_83 = arith.constant 16 : index
          %get3A_84 = tpu.vector_load %arg10[%get3A_82, %get3A_83] {strides = array<i32>} : memref<128x128xf32, #tpu.memory_space<vmem>>, vector<1x16xf32>,
          %get3A_85 = vector.shape_cast %get3A_84 : vector<1x16xf32> to vector<16xf32>
          %get3A_86 = arith.index_cast %scan3A_69 : i32 to index
          %get3A_87 = arith.constant 16 : index
          %get3A_88 = tpu.vector_load %arg11[%get3A_86, %get3A_87] {strides = array<i32>} : memref<128x128xf32, #tpu.memory_space<vmem>>, vector<1x16xf32>,
          %get3A_89 = vector.shape_cast %get3A_88 : vector<1x16xf32> to vector<16xf32>
          %mul3A_90 = arith.mulf %get3A_85, %get3A_89 : vector<16xf32>
          %swap3A_91 = arith.index_cast %scan3A_69 : i32 to index
          %swap3A_92 = arith.constant 16 : index
          %swap3A_93 = tpu.vector_load %arg10[%swap3A_91, %swap3A_92] {strides = array<i32>} : memref<128x128xf32, #tpu.memory_space<vmem>>, vector<1x16xf32>,
          %swap3A_94 = vector.shape_cast %swap3A_93 : vector<1x16xf32> to vector<16xf32>
          %swap3A_95 = vector.shape_cast %mul3A_90 : vector<16xf32> to vector<1x16xf32>
          tpu.vector_store %arg10[%swap3A_91, %swap3A_92], %swap3A_95 {strides = array<i32>} : memref<128x128xf32, #tpu.memory_space<vmem>>, vector<1x16xf32>,
          %get3A_96 = arith.index_cast %scan3A_69 : i32 to index
          %get3A_97 = arith.constant 32 : index
          %get3A_98 = tpu.vector_load %arg10[%get3A_96, %get3A_97] {strides = array<i32>} : memref<128x128xf32, #tpu.memory_space<vmem>>, vector<1x16xf32>,
          %get3A_99 = vector.shape_cast %get3A_98 : vector<1x16xf32> to vector<16xf32>
          %get3A_100 = arith.index_cast %scan3A_69 : i32 to index
          %get3A_101 = arith.constant 32 : index
          %get3A_102 = tpu.vector_load %arg11[%get3A_100, %get3A_101] {strides = array<i32>} : memref<128x128xf32, #tpu.memory_space<vmem>>, vector<1x16xf32>,
          %get3A_103 = vector.shape_cast %get3A_102 : vector<1x16xf32> to vector<16xf32>
          %mul3A_104 = arith.mulf %get3A_99, %get3A_103 : vector<16xf32>
          %swap3A_105 = arith.index_cast %scan3A_69 : i32 to index
          %swap3A_106 = arith.constant 32 : index
          %swap3A_107 = tpu.vector_load %arg10[%swap3A_105, %swap3A_106] {strides = array<i32>} : memref<128x128xf32, #tpu.memory_space<vmem>>, vector<1x16xf32>,
          %swap3A_108 = vector.shape_cast %swap3A_107 : vector<1x16xf32> to vector<16xf32>
          %swap3A_109 = vector.shape_cast %mul3A_104 : vector<16xf32> to vector<1x16xf32>
          tpu.vector_store %arg10[%swap3A_105, %swap3A_106], %swap3A_109 {strides = array<i32>} : memref<128x128xf32, #tpu.memory_space<vmem>>, vector<1x16xf32>,
          %get3A_110 = arith.index_cast %scan3A_69 : i32 to index
          %get3A_111 = arith.constant 48 : index
          %get3A_112 = tpu.vector_load %arg10[%get3A_110, %get3A_111] {strides = array<i32>} : memref<128x128xf32, #tpu.memory_space<vmem>>, vector<1x16xf32>,
          %get3A_113 = vector.shape_cast %get3A_112 : vector<1x16xf32> to vector<16xf32>
          %get3A_114 = arith.index_cast %scan3A_69 : i32 to index
          %get3A_115 = arith.constant 48 : index
          %get3A_116 = tpu.vector_load %arg11[%get3A_114, %get3A_115] {strides = array<i32>} : memref<128x128xf32, #tpu.memory_space<vmem>>, vector<1x16xf32>,
          %get3A_117 = vector.shape_cast %get3A_116 : vector<1x16xf32> to vector<16xf32>
          %mul3A_118 = arith.mulf %get3A_113, %get3A_117 : vector<16xf32>
          %swap3A_119 = arith.index_cast %scan3A_69 : i32 to index
          %swap3A_120 = arith.constant 48 : index
          %swap3A_121 = tpu.vector_load %arg10[%swap3A_119, %swap3A_120] {strides = array<i32>} : memref<128x128xf32, #tpu.memory_space<vmem>>, vector<1x16xf32>,
          %swap3A_122 = vector.shape_cast %swap3A_121 : vector<1x16xf32> to vector<16xf32>
          %swap3A_123 = vector.shape_cast %mul3A_118 : vector<16xf32> to vector<1x16xf32>
          tpu.vector_store %arg10[%swap3A_119, %swap3A_120], %swap3A_123 {strides = array<i32>} : memref<128x128xf32, #tpu.memory_space<vmem>>, vector<1x16xf32>,
          %get3A_124 = arith.index_cast %scan3A_69 : i32 to index
          %get3A_125 = arith.constant 64 : index
          %get3A_126 = tpu.vector_load %arg10[%get3A_124, %get3A_125] {strides = array<i32>} : memref<128x128xf32, #tpu.memory_space<vmem>>, vector<1x16xf32>,
          %get3A_127 = vector.shape_cast %get3A_126 : vector<1x16xf32> to vector<16xf32>
          %get3A_128 = arith.index_cast %scan3A_69 : i32 to index
          %get3A_129 = arith.constant 64 : index
          %get3A_130 = tpu.vector_load %arg11[%get3A_128, %get3A_129] {strides = array<i32>} : memref<128x128xf32, #tpu.memory_space<vmem>>, vector<1x16xf32>,
          %get3A_131 = vector.shape_cast %get3A_130 : vector<1x16xf32> to vector<16xf32>
          %mul3A_132 = arith.mulf %get3A_127, %get3A_131 : vector<16xf32>
          %swap3A_133 = arith.index_cast %scan3A_69 : i32 to index
          %swap3A_134 = arith.constant 64 : index
          %swap3A_135 = tpu.vector_load %arg10[%swap3A_133, %swap3A_134] {strides = array<i32>} : memref<128x128xf32, #tpu.memory_space<vmem>>, vector<1x16xf32>,
          %swap3A_136 = vector.shape_cast %swap3A_135 : vector<1x16xf32> to vector<16xf32>
          %swap3A_137 = vector.shape_cast %mul3A_132 : vector<16xf32> to vector<1x16xf32>
          tpu.vector_store %arg10[%swap3A_133, %swap3A_134], %swap3A_137 {strides = array<i32>} : memref<128x128xf32, #tpu.memory_space<vmem>>, vector<1x16xf32>,
          %get3A_138 = arith.index_cast %scan3A_69 : i32 to index
          %get3A_139 = arith.constant 80 : index
          %get3A_140 = tpu.vector_load %arg10[%get3A_138, %get3A_139] {strides = array<i32>} : memref<128x128xf32, #tpu.memory_space<vmem>>, vector<1x16xf32>,
          %get3A_141 = vector.shape_cast %get3A_140 : vector<1x16xf32> to vector<16xf32>
          %get3A_142 = arith.index_cast %scan3A_69 : i32 to index
          %get3A_143 = arith.constant 80 : index
          %get3A_144 = tpu.vector_load %arg11[%get3A_142, %get3A_143] {strides = array<i32>} : memref<128x128xf32, #tpu.memory_space<vmem>>, vector<1x16xf32>,
          %get3A_145 = vector.shape_cast %get3A_144 : vector<1x16xf32> to vector<16xf32>
          %mul3A_146 = arith.mulf %get3A_141, %get3A_145 : vector<16xf32>
          %swap3A_147 = arith.index_cast %scan3A_69 : i32 to index
          %swap3A_148 = arith.constant 80 : index
          %swap3A_149 = tpu.vector_load %arg10[%swap3A_147, %swap3A_148] {strides = array<i32>} : memref<128x128xf32, #tpu.memory_space<vmem>>, vector<1x16xf32>,
          %swap3A_150 = vector.shape_cast %swap3A_149 : vector<1x16xf32> to vector<16xf32>
          %swap3A_151 = vector.shape_cast %mul3A_146 : vector<16xf32> to vector<1x16xf32>
          tpu.vector_store %arg10[%swap3A_147, %swap3A_148], %swap3A_151 {strides = array<i32>} : memref<128x128xf32, #tpu.memory_space<vmem>>, vector<1x16xf32>,
          %get3A_152 = arith.index_cast %scan3A_69 : i32 to index
          %get3A_153 = arith.constant 96 : index
          %get3A_154 = tpu.vector_load %arg10[%get3A_152, %get3A_153] {strides = array<i32>} : memref<128x128xf32, #tpu.memory_space<vmem>>, vector<1x16xf32>,
          %get3A_155 = vector.shape_cast %get3A_154 : vector<1x16xf32> to vector<16xf32>
          %get3A_156 = arith.index_cast %scan3A_69 : i32 to index
          %get3A_157 = arith.constant 96 : index
          %get3A_158 = tpu.vector_load %arg11[%get3A_156, %get3A_157] {strides = array<i32>} : memref<128x128xf32, #tpu.memory_space<vmem>>, vector<1x16xf32>,
          %get3A_159 = vector.shape_cast %get3A_158 : vector<1x16xf32> to vector<16xf32>
          %mul3A_160 = arith.mulf %get3A_155, %get3A_159 : vector<16xf32>
          %swap3A_161 = arith.index_cast %scan3A_69 : i32 to index
          %swap3A_162 = arith.constant 96 : index
          %swap3A_163 = tpu.vector_load %arg10[%swap3A_161, %swap3A_162] {strides = array<i32>} : memref<128x128xf32, #tpu.memory_space<vmem>>, vector<1x16xf32>,
          %swap3A_164 = vector.shape_cast %swap3A_163 : vector<1x16xf32> to vector<16xf32>
          %swap3A_165 = vector.shape_cast %mul3A_160 : vector<16xf32> to vector<1x16xf32>
          tpu.vector_store %arg10[%swap3A_161, %swap3A_162], %swap3A_165 {strides = array<i32>} : memref<128x128xf32, #tpu.memory_space<vmem>>, vector<1x16xf32>,
          %get3A_166 = arith.index_cast %scan3A_69 : i32 to index
          %get3A_167 = arith.constant 112 : index
          %get3A_168 = tpu.vector_load %arg10[%get3A_166, %get3A_167] {strides = array<i32>} : memref<128x128xf32, #tpu.memory_space<vmem>>, vector<1x16xf32>,
          %get3A_169 = vector.shape_cast %get3A_168 : vector<1x16xf32> to vector<16xf32>
          %get3A_170 = arith.index_cast %scan3A_69 : i32 to index
          %get3A_171 = arith.constant 112 : index
          %get3A_172 = tpu.vector_load %arg11[%get3A_170, %get3A_171] {strides = array<i32>} : memref<128x128xf32, #tpu.memory_space<vmem>>, vector<1x16xf32>,
          %get3A_173 = vector.shape_cast %get3A_172 : vector<1x16xf32> to vector<16xf32>
          %mul3A_174 = arith.mulf %get3A_169, %get3A_173 : vector<16xf32>
          %swap3A_175 = arith.index_cast %scan3A_69 : i32 to index
          %swap3A_176 = arith.constant 112 : index
          %swap3A_177 = tpu.vector_load %arg10[%swap3A_175, %swap3A_176] {strides = array<i32>} : memref<128x128xf32, #tpu.memory_space<vmem>>, vector<1x16xf32>,
          %swap3A_178 = vector.shape_cast %swap3A_177 : vector<1x16xf32> to vector<16xf32>
          %swap3A_179 = vector.shape_cast %mul3A_174 : vector<16xf32> to vector<1x16xf32>
          tpu.vector_store %arg10[%swap3A_175, %swap3A_176], %swap3A_179 {strides = array<i32>} : memref<128x128xf32, #tpu.memory_space<vmem>>, vector<1x16xf32>,
        }
        %scan3A_68 = arith.constant 128 : i32
        "tpu.region"() ({
          %run_scoped3A = tpu.sem_alloc : memref<!tpu.dma_semaphore, #tpu.memory_space<semaphore_mem>>
          %dma_start3A_69 = arith.constant 0 : i32
          %dma_start3A_70 = tpu.memref_slice %arg9[%scan3A_46, %dma_start3A_69] : memref<16x128xi32, #tpu.memory_space<vmem>> -> memref<1x128xi32, #tpu.memory_space<vmem>>
          %dma_start3A_71 = tpu.memref_squeeze %dma_start3A_70 : memref<1x128xi32, #tpu.memory_space<vmem>> -> memref<128xi32, #tpu.memory_space<vmem>>
          %dma_start3A_72 = arith.constant 0 : i32
          %dma_start3A_73 = arith.constant 0 : i32
          %dma_start3A_74 = tpu.memref_slice %arg12[%dma_start3A_72, %dma_start3A_73] : memref<10000x128xf32, #tpu.memory_space<vmem_shared>> -> memref<10000x128xf32, #tpu.memory_space<vmem_shared>>
          tpu.enqueue_indirect_dma source(%arg10 : memref<128x128xf32, #tpu.memory_space<vmem>>) target(%dma_start3A_74 : memref<10000x128xf32, #tpu.memory_space<vmem_shared>>) offsets(%dma_start3A_71 : memref<128xi32, #tpu.memory_space<vmem>>) semaphore(%run_scoped3A : memref<!tpu.dma_semaphore, #tpu.memory_space<semaphore_mem>>) {add = true}
          %dma_wait3A_75 = arith.constant 0 : i32
          %dma_wait3A_76 = tpu.memref_slice %arg9[%scan3A_46, %dma_wait3A_75] : memref<16x128xi32, #tpu.memory_space<vmem>> -> memref<1x128xi32, #tpu.memory_space<vmem>>
          %dma_wait3A_77 = tpu.memref_squeeze %dma_wait3A_76 : memref<1x128xi32, #tpu.memory_space<vmem>> -> memref<128xi32, #tpu.memory_space<vmem>>
          %dma_wait3A_78 = arith.constant 0 : i32
          %dma_wait3A_79 = arith.constant 0 : i32
          %dma_wait3A_80 = tpu.memref_slice %arg12[%dma_wait3A_78, %dma_wait3A_79] : memref<10000x128xf32, #tpu.memory_space<vmem_shared>> -> memref<10000x128xf32, #tpu.memory_space<vmem_shared>>
          tpu.wait_indirect_dma semaphore(%run_scoped3A : memref<!tpu.dma_semaphore, #tpu.memory_space<semaphore_mem>>) src(%arg10 : memref<128x128xf32, #tpu.memory_space<vmem>>) dst(%dma_wait3A_80 : memref<10000x128xf32, #tpu.memory_space<vmem_shared>>)
          tpu.yield
        }) : () -> ()
      }
      %scan3A_45 = arith.constant 16 : i32
    }
    %scan3A_15 = arith.constant 5 : i32
    %barrier3A_16 = arith.constant 0 : index
    tpu.barrier barrier_id(%barrier3A_16)
    %mul3A_17 = arith.constant 640 : i32
    %mul3A_18 = arith.muli %arg1, %mul3A_17 : i32
    %lt3A_19 = arith.constant 15 : i32
    %lt3A_20 = arith.cmpi slt, %arg1, %lt3A_19 : i32
    %convert_element_type3A_21 = arith.extui %lt3A_20 : i1 to i32
    %cond3A_22 = arith.constant 0 : i32
    %cond3A_23 = arith.cmpi ne, %convert_element_type3A_21, %cond3A_22 : i32
    scf.if %cond3A_23 {
      "tpu.region"() ({
        %run_scoped3A = tpu.sem_alloc : memref<!tpu.dma_semaphore, #tpu.memory_space<semaphore_mem>>
        %dma_start3A = arith.constant 0 : i32
        %dma_start3A_29 = tpu.memref_slice %arg7[%arg0, %mul3A_18, %dma_start3A] : memref<2x10000x128xf32, #tpu.memory_space<hbm>> -> memref<1x640x128xf32, #tpu.memory_space<hbm>>
        %dma_start3A_30 = tpu.memref_squeeze %dma_start3A_29 : memref<1x640x128xf32, #tpu.memory_space<hbm>> -> memref<640x128xf32, #tpu.memory_space<hbm>>
        %dma_start3A_31 = arith.constant 0 : i32
        %dma_start3A_32 = tpu.memref_slice %arg12[%mul3A_18, %dma_start3A_31] : memref<10000x128xf32, #tpu.memory_space<vmem_shared>> -> memref<640x128xf32, #tpu.memory_space<vmem_shared>>
        tpu.enqueue_dma source(%dma_start3A_32 : memref<640x128xf32, #tpu.memory_space<vmem_shared>>) target(%dma_start3A_30 : memref<640x128xf32, #tpu.memory_space<hbm>>) target_semaphore(%run_scoped3A : memref<!tpu.dma_semaphore, #tpu.memory_space<semaphore_mem>>)
        %dma_wait3A = arith.constant 0 : i32
        %dma_wait3A_33 = tpu.memref_slice %arg7[%arg0, %mul3A_18, %dma_wait3A] : memref<2x10000x128xf32, #tpu.memory_space<hbm>> -> memref<1x640x128xf32, #tpu.memory_space<hbm>>
        %dma_wait3A_34 = tpu.memref_squeeze %dma_wait3A_33 : memref<1x640x128xf32, #tpu.memory_space<hbm>> -> memref<640x128xf32, #tpu.memory_space<hbm>>
        %dma_wait3A_35 = arith.constant 0 : i32
        %dma_wait3A_36 = tpu.memref_slice %arg12[%mul3A_18, %dma_wait3A_35] : memref<10000x128xf32, #tpu.memory_space<vmem_shared>> -> memref<640x128xf32, #tpu.memory_space<vmem_shared>>
        tpu.wait_dma2 semaphore(%run_scoped3A : memref<!tpu.dma_semaphore, #tpu.memory_space<semaphore_mem>>) src(%dma_wait3A_36 : memref<640x128xf32, #tpu.memory_space<vmem_shared>>) dst(%dma_wait3A_34 : memref<640x128xf32, #tpu.memory_space<hbm>>)
        tpu.yield
      }) : () -> ()
    } else {
    }
    %eq3A_24 = arith.constant 15 : i32
    %eq3A_25 = arith.cmpi eq, %arg1, %eq3A_24 : i32
    %convert_element_type3A_26 = arith.extui %eq3A_25 : i1 to i32
    %cond3A_27 = arith.constant 0 : i32
    %cond3A_28 = arith.cmpi ne, %convert_element_type3A_26, %cond3A_27 : i32
    scf.if %cond3A_28 {
      "tpu.region"() ({
        %run_scoped3A = tpu.sem_alloc : memref<!tpu.dma_semaphore, #tpu.memory_space<semaphore_mem>>
        %dma_start3A = arith.constant 0 : i32
        %dma_start3A_29 = tpu.memref_slice %arg7[%arg0, %mul3A_18, %dma_start3A] : memref<2x10000x128xf32, #tpu.memory_space<hbm>> -> memref<1x400x128xf32, #tpu.memory_space<hbm>>
        %dma_start3A_30 = tpu.memref_squeeze %dma_start3A_29 : memref<1x400x128xf32, #tpu.memory_space<hbm>> -> memref<400x128xf32, #tpu.memory_space<hbm>>
        %dma_start3A_31 = arith.constant 0 : i32
        %dma_start3A_32 = tpu.memref_slice %arg12[%mul3A_18, %dma_start3A_31] : memref<10000x128xf32, #tpu.memory_space<vmem_shared>> -> memref<400x128xf32, #tpu.memory_space<vmem_shared>>
        tpu.enqueue_dma source(%dma_start3A_32 : memref<400x128xf32, #tpu.memory_space<vmem_shared>>) target(%dma_start3A_30 : memref<400x128xf32, #tpu.memory_space<hbm>>) target_semaphore(%run_scoped3A : memref<!tpu.dma_semaphore, #tpu.memory_space<semaphore_mem>>)
        %dma_wait3A = arith.constant 0 : i32
        %dma_wait3A_33 = tpu.memref_slice %arg7[%arg0, %mul3A_18, %dma_wait3A] : memref<2x10000x128xf32, #tpu.memory_space<hbm>> -> memref<1x400x128xf32, #tpu.memory_space<hbm>>
        %dma_wait3A_34 = tpu.memref_squeeze %dma_wait3A_33 : memref<1x400x128xf32, #tpu.memory_space<hbm>> -> memref<400x128xf32, #tpu.memory_space<hbm>>
        %dma_wait3A_35 = arith.constant 0 : i32
        %dma_wait3A_36 = tpu.memref_slice %arg12[%mul3A_18, %dma_wait3A_35] : memref<10000x128xf32, #tpu.memory_space<vmem_shared>> -> memref<400x128xf32, #tpu.memory_space<vmem_shared>>
        tpu.wait_dma2 semaphore(%run_scoped3A : memref<!tpu.dma_semaphore, #tpu.memory_space<semaphore_mem>>) src(%dma_wait3A_36 : memref<400x128xf32, #tpu.memory_space<vmem_shared>>) dst(%dma_wait3A_34 : memref<400x128xf32, #tpu.memory_space<hbm>>)
        tpu.yield
      }) : () -> ()
    } else {
    }
    return
  }
}

#map = affine_map<(d0, d1) -> (0, 0)>
#map1 = affine_map<(d0, d1) -> (0)>
module attributes {stable_mosaic.version = 14 : i64} {
  func.func @_gather_table_body(%arg0: i32, %arg1: i32, %arg2: memref<10000x4xf32, #tpu.memory_space<hbm>>, %arg3: memref<327680xi32, #tpu.memory_space<hbm>>, %arg4: memref<327680xi32, #tpu.memory_space<hbm>>, %arg5: memref<327680x4xf32, #tpu.memory_space<hbm>>, %arg6: memref<327680x4xf32, #tpu.memory_space<hbm>>, %arg7: memref<1024xi32, #tpu.memory_space<vmem>>, %arg8: memref<1024xi32, #tpu.memory_space<vmem>>, %arg9: memref<1024x4xf32, #tpu.memory_space<vmem>>, %arg10: memref<1024x4xf32, #tpu.memory_space<vmem>>, %arg11: memref<!tpu.dma_semaphore, #tpu.memory_space<semaphore_mem>>) attributes {dimension_semantics = [#tpu.dimension_semantics<core_parallel>, #tpu.dimension_semantics<subcore_parallel>], iteration_bounds = array<i64: 2, 16>, scalar_prefetch = 0 : i64, scratch_operands = 5 : i64, tpu.core_type = #tpu.core_type<sc_vector_subcore>, window_params = [{transform_indices = #map}, {transform_indices = #map1}, {transform_indices = #map1}, {transform_indices = #map}, {transform_indices = #map}]} {
    %mul3A = arith.constant 2 : i32
    %mul3A_0 = arith.muli %arg1, %mul3A : i32
    %add3A = arith.addi %mul3A_0, %arg0 : i32
    %mul3A_1 = arith.constant 10240 : i32
    %mul3A_2 = arith.muli %add3A, %mul3A_1 : i32
    %scan3A = arith.constant 0 : i32
    %scan3A_3 = arith.constant 0 : i32
    %scan3A_4 = arith.constant 10 : i32
    %scan3A_5 = arith.addi %scan3A_3, %scan3A_4 : i32
    %scan3A_6 = arith.constant 1 : i32
    scf.for %scan3A_8 = %scan3A_3 to %scan3A_5 step %scan3A_6  : i32 {
      %mul3A_9 = arith.constant 1024 : i32
      %mul3A_10 = arith.muli %scan3A_8, %mul3A_9 : i32
      %add3A_11 = arith.addi %mul3A_2, %mul3A_10 : i32
      "tpu.region"() ({
        %run_scoped3A = tpu.sem_alloc : memref<!tpu.dma_semaphore, #tpu.memory_space<semaphore_mem>>
        %dma_start3A = tpu.memref_slice %arg3[%add3A_11] : memref<327680xi32, #tpu.memory_space<hbm>> -> memref<1024xi32, #tpu.memory_space<hbm>>
        %dma_start3A_18 = tpu.memref_slice %arg3[%add3A_11] : memref<327680xi32, #tpu.memory_space<hbm>> -> memref<1024xi32, #tpu.memory_space<hbm>>
        tpu.enqueue_dma source(%dma_start3A_18 : memref<1024xi32, #tpu.memory_space<hbm>>) target(%arg7 : memref<1024xi32, #tpu.memory_space<vmem>>) target_semaphore(%run_scoped3A : memref<!tpu.dma_semaphore, #tpu.memory_space<semaphore_mem>>)
        %dma_wait3A = tpu.memref_slice %arg3[%add3A_11] : memref<327680xi32, #tpu.memory_space<hbm>> -> memref<1024xi32, #tpu.memory_space<hbm>>
        %dma_wait3A_19 = tpu.memref_slice %arg3[%add3A_11] : memref<327680xi32, #tpu.memory_space<hbm>> -> memref<1024xi32, #tpu.memory_space<hbm>>
        tpu.wait_dma2 semaphore(%run_scoped3A : memref<!tpu.dma_semaphore, #tpu.memory_space<semaphore_mem>>) src(%dma_wait3A_19 : memref<1024xi32, #tpu.memory_space<hbm>>) dst(%arg7 : memref<1024xi32, #tpu.memory_space<vmem>>)
        tpu.yield
      }) : () -> ()
      "tpu.region"() ({
        %run_scoped3A = tpu.sem_alloc : memref<!tpu.dma_semaphore, #tpu.memory_space<semaphore_mem>>
        %dma_start3A = tpu.memref_slice %arg4[%add3A_11] : memref<327680xi32, #tpu.memory_space<hbm>> -> memref<1024xi32, #tpu.memory_space<hbm>>
        %dma_start3A_18 = tpu.memref_slice %arg4[%add3A_11] : memref<327680xi32, #tpu.memory_space<hbm>> -> memref<1024xi32, #tpu.memory_space<hbm>>
        tpu.enqueue_dma source(%dma_start3A_18 : memref<1024xi32, #tpu.memory_space<hbm>>) target(%arg8 : memref<1024xi32, #tpu.memory_space<vmem>>) target_semaphore(%run_scoped3A : memref<!tpu.dma_semaphore, #tpu.memory_space<semaphore_mem>>)
        %dma_wait3A = tpu.memref_slice %arg4[%add3A_11] : memref<327680xi32, #tpu.memory_space<hbm>> -> memref<1024xi32, #tpu.memory_space<hbm>>
        %dma_wait3A_19 = tpu.memref_slice %arg4[%add3A_11] : memref<327680xi32, #tpu.memory_space<hbm>> -> memref<1024xi32, #tpu.memory_space<hbm>>
        tpu.wait_dma2 semaphore(%run_scoped3A : memref<!tpu.dma_semaphore, #tpu.memory_space<semaphore_mem>>) src(%dma_wait3A_19 : memref<1024xi32, #tpu.memory_space<hbm>>) dst(%arg8 : memref<1024xi32, #tpu.memory_space<vmem>>)
        tpu.yield
      }) : () -> ()
      %scan3A_12 = arith.constant 0 : i32
      %scan3A_13 = arith.constant 0 : i32
      %scan3A_14 = arith.constant 8 : i32
      %scan3A_15 = arith.addi %scan3A_13, %scan3A_14 : i32
      %scan3A_16 = arith.constant 1 : i32
      scf.for %scan3A_18 = %scan3A_13 to %scan3A_15 step %scan3A_16  : i32 {
        %mul3A_19 = arith.constant 128 : i32
        %mul3A_20 = arith.muli %scan3A_18, %mul3A_19 : i32
        %dma_start3A = arith.constant 0 : i32
        %dma_start3A_21 = tpu.memref_slice %arg9[%mul3A_20, %dma_start3A] : memref<1024x4xf32, #tpu.memory_space<vmem>> -> memref<128x4xf32, #tpu.memory_space<vmem>>
        %dma_start3A_22 = tpu.memref_slice %arg7[%mul3A_20] : memref<1024xi32, #tpu.memory_space<vmem>> -> memref<128xi32, #tpu.memory_space<vmem>>
        %dma_start3A_23 = arith.constant 0 : i32
        %dma_start3A_24 = arith.constant 0 : i32
        %dma_start3A_25 = tpu.memref_slice %arg2[%dma_start3A_23, %dma_start3A_24] : memref<10000x4xf32, #tpu.memory_space<hbm>> -> memref<10000x4xf32, #tpu.memory_space<hbm>>
        tpu.enqueue_indirect_dma source(%dma_start3A_25 : memref<10000x4xf32, #tpu.memory_space<hbm>>) target(%dma_start3A_21 : memref<128x4xf32, #tpu.memory_space<vmem>>) offsets(%dma_start3A_22 : memref<128xi32, #tpu.memory_space<vmem>>) semaphore(%arg11 : memref<!tpu.dma_semaphore, #tpu.memory_space<semaphore_mem>>)
        %dma_wait3A = arith.constant 0 : i32
        %dma_wait3A_26 = tpu.memref_slice %arg9[%mul3A_20, %dma_wait3A] : memref<1024x4xf32, #tpu.memory_space<vmem>> -> memref<128x4xf32, #tpu.memory_space<vmem>>
        %dma_wait3A_27 = tpu.memref_slice %arg7[%mul3A_20] : memref<1024xi32, #tpu.memory_space<vmem>> -> memref<128xi32, #tpu.memory_space<vmem>>
        %dma_wait3A_28 = arith.constant 0 : i32
        %dma_wait3A_29 = arith.constant 0 : i32
        %dma_wait3A_30 = tpu.memref_slice %arg2[%dma_wait3A_28, %dma_wait3A_29] : memref<10000x4xf32, #tpu.memory_space<hbm>> -> memref<10000x4xf32, #tpu.memory_space<hbm>>
        tpu.wait_indirect_dma semaphore(%arg11 : memref<!tpu.dma_semaphore, #tpu.memory_space<semaphore_mem>>) src(%dma_wait3A_30 : memref<10000x4xf32, #tpu.memory_space<hbm>>) dst(%dma_wait3A_26 : memref<128x4xf32, #tpu.memory_space<vmem>>)
        %dma_start3A_31 = arith.constant 0 : i32
        %dma_start3A_32 = tpu.memref_slice %arg10[%mul3A_20, %dma_start3A_31] : memref<1024x4xf32, #tpu.memory_space<vmem>> -> memref<128x4xf32, #tpu.memory_space<vmem>>
        %dma_start3A_33 = tpu.memref_slice %arg8[%mul3A_20] : memref<1024xi32, #tpu.memory_space<vmem>> -> memref<128xi32, #tpu.memory_space<vmem>>
        %dma_start3A_34 = arith.constant 0 : i32
        %dma_start3A_35 = arith.constant 0 : i32
        %dma_start3A_36 = tpu.memref_slice %arg2[%dma_start3A_34, %dma_start3A_35] : memref<10000x4xf32, #tpu.memory_space<hbm>> -> memref<10000x4xf32, #tpu.memory_space<hbm>>
        tpu.enqueue_indirect_dma source(%dma_start3A_36 : memref<10000x4xf32, #tpu.memory_space<hbm>>) target(%dma_start3A_32 : memref<128x4xf32, #tpu.memory_space<vmem>>) offsets(%dma_start3A_33 : memref<128xi32, #tpu.memory_space<vmem>>) semaphore(%arg11 : memref<!tpu.dma_semaphore, #tpu.memory_space<semaphore_mem>>)
        %dma_wait3A_37 = arith.constant 0 : i32
        %dma_wait3A_38 = tpu.memref_slice %arg10[%mul3A_20, %dma_wait3A_37] : memref<1024x4xf32, #tpu.memory_space<vmem>> -> memref<128x4xf32, #tpu.memory_space<vmem>>
        %dma_wait3A_39 = tpu.memref_slice %arg8[%mul3A_20] : memref<1024xi32, #tpu.memory_space<vmem>> -> memref<128xi32, #tpu.memory_space<vmem>>
        %dma_wait3A_40 = arith.constant 0 : i32
        %dma_wait3A_41 = arith.constant 0 : i32
        %dma_wait3A_42 = tpu.memref_slice %arg2[%dma_wait3A_40, %dma_wait3A_41] : memref<10000x4xf32, #tpu.memory_space<hbm>> -> memref<10000x4xf32, #tpu.memory_space<hbm>>
        tpu.wait_indirect_dma semaphore(%arg11 : memref<!tpu.dma_semaphore, #tpu.memory_space<semaphore_mem>>) src(%dma_wait3A_42 : memref<10000x4xf32, #tpu.memory_space<hbm>>) dst(%dma_wait3A_38 : memref<128x4xf32, #tpu.memory_space<vmem>>)
      }
      %scan3A_17 = arith.constant 8 : i32
      "tpu.region"() ({
        %run_scoped3A = tpu.sem_alloc : memref<!tpu.dma_semaphore, #tpu.memory_space<semaphore_mem>>
        %dma_start3A = arith.constant 0 : i32
        %dma_start3A_18 = tpu.memref_slice %arg5[%add3A_11, %dma_start3A] : memref<327680x4xf32, #tpu.memory_space<hbm>> -> memref<1024x4xf32, #tpu.memory_space<hbm>>
        %dma_start3A_19 = arith.constant 0 : i32
        %dma_start3A_20 = tpu.memref_slice %arg5[%add3A_11, %dma_start3A_19] : memref<327680x4xf32, #tpu.memory_space<hbm>> -> memref<1024x4xf32, #tpu.memory_space<hbm>>
        tpu.enqueue_dma source(%arg9 : memref<1024x4xf32, #tpu.memory_space<vmem>>) target(%dma_start3A_20 : memref<1024x4xf32, #tpu.memory_space<hbm>>) target_semaphore(%run_scoped3A : memref<!tpu.dma_semaphore, #tpu.memory_space<semaphore_mem>>)
        %dma_wait3A = arith.constant 0 : i32
        %dma_wait3A_21 = tpu.memref_slice %arg5[%add3A_11, %dma_wait3A] : memref<327680x4xf32, #tpu.memory_space<hbm>> -> memref<1024x4xf32, #tpu.memory_space<hbm>>
        %dma_wait3A_22 = arith.constant 0 : i32
        %dma_wait3A_23 = tpu.memref_slice %arg5[%add3A_11, %dma_wait3A_22] : memref<327680x4xf32, #tpu.memory_space<hbm>> -> memref<1024x4xf32, #tpu.memory_space<hbm>>
        tpu.wait_dma2 semaphore(%run_scoped3A : memref<!tpu.dma_semaphore, #tpu.memory_space<semaphore_mem>>) src(%arg9 : memref<1024x4xf32, #tpu.memory_space<vmem>>) dst(%dma_wait3A_23 : memref<1024x4xf32, #tpu.memory_space<hbm>>)
        tpu.yield
      }) : () -> ()
      "tpu.region"() ({
        %run_scoped3A = tpu.sem_alloc : memref<!tpu.dma_semaphore, #tpu.memory_space<semaphore_mem>>
        %dma_start3A = arith.constant 0 : i32
        %dma_start3A_18 = tpu.memref_slice %arg6[%add3A_11, %dma_start3A] : memref<327680x4xf32, #tpu.memory_space<hbm>> -> memref<1024x4xf32, #tpu.memory_space<hbm>>
        %dma_start3A_19 = arith.constant 0 : i32
        %dma_start3A_20 = tpu.memref_slice %arg6[%add3A_11, %dma_start3A_19] : memref<327680x4xf32, #tpu.memory_space<hbm>> -> memref<1024x4xf32, #tpu.memory_space<hbm>>
        tpu.enqueue_dma source(%arg10 : memref<1024x4xf32, #tpu.memory_space<vmem>>) target(%dma_start3A_20 : memref<1024x4xf32, #tpu.memory_space<hbm>>) target_semaphore(%run_scoped3A : memref<!tpu.dma_semaphore, #tpu.memory_space<semaphore_mem>>)
        %dma_wait3A = arith.constant 0 : i32
        %dma_wait3A_21 = tpu.memref_slice %arg6[%add3A_11, %dma_wait3A] : memref<327680x4xf32, #tpu.memory_space<hbm>> -> memref<1024x4xf32, #tpu.memory_space<hbm>>
        %dma_wait3A_22 = arith.constant 0 : i32
        %dma_wait3A_23 = tpu.memref_slice %arg6[%add3A_11, %dma_wait3A_22] : memref<327680x4xf32, #tpu.memory_space<hbm>> -> memref<1024x4xf32, #tpu.memory_space<hbm>>
        tpu.wait_dma2 semaphore(%run_scoped3A : memref<!tpu.dma_semaphore, #tpu.memory_space<semaphore_mem>>) src(%arg10 : memref<1024x4xf32, #tpu.memory_space<vmem>>) dst(%dma_wait3A_23 : memref<1024x4xf32, #tpu.memory_space<hbm>>)
        tpu.yield
      }) : () -> ()
    }
    %scan3A_7 = arith.constant 10 : i32
    return
  }
}

#map = affine_map<(d0, d1) -> (0, 0)>
#map1 = affine_map<(d0, d1) -> (0, 0, 0)>
module attributes {stable_mosaic.version = 14 : i64} {
  func.func @_scatter0_body(%arg0: i32, %arg1: i32, %arg2: memref<327680x128xf32, #tpu.memory_space<hbm>>, %arg3: memref<2560x128xi32, #tpu.memory_space<hbm>>, %arg4: memref<10000x128xf32, #tpu.memory_space<hbm>>, %arg5: memref<2x10000x128xf32, #tpu.memory_space<hbm>>, %arg6: memref<16x128xi32, #tpu.memory_space<vmem>>, %arg7: memref<128x128xf32, #tpu.memory_space<vmem>>, %arg8: memref<10000x128xf32, #tpu.memory_space<vmem_shared>>) attributes {dimension_semantics = [#tpu.dimension_semantics<core_parallel>, #tpu.dimension_semantics<subcore_parallel>], iteration_bounds = array<i64: 2, 16>, scalar_prefetch = 0 : i64, scratch_operands = 3 : i64, tpu.core_type = #tpu.core_type<sc_vector_subcore>, window_params = [{transform_indices = #map}, {transform_indices = #map}, {transform_indices = #map}, {transform_indices = #map1}]} {
    %mul3A = arith.constant 2 : i32
    %mul3A_0 = arith.muli %arg1, %mul3A : i32
    %add3A = arith.addi %mul3A_0, %arg0 : i32
    %mul3A_1 = arith.constant 10240 : i32
    %mul3A_2 = arith.muli %add3A, %mul3A_1 : i32
    %mul3A_3 = arith.constant 640 : i32
    %mul3A_4 = arith.muli %arg1, %mul3A_3 : i32
    %lt3A = arith.constant 15 : i32
    %lt3A_5 = arith.cmpi slt, %arg1, %lt3A : i32
    %convert_element_type3A = arith.extui %lt3A_5 : i1 to i32
    %cond3A = arith.constant 0 : i32
    %cond3A_6 = arith.cmpi ne, %convert_element_type3A, %cond3A : i32
    scf.if %cond3A_6 {
      "tpu.region"() ({
        %run_scoped3A = tpu.sem_alloc : memref<!tpu.dma_semaphore, #tpu.memory_space<semaphore_mem>>
        %dma_start3A = arith.constant 0 : i32
        %dma_start3A_29 = tpu.memref_slice %arg8[%mul3A_4, %dma_start3A] : memref<10000x128xf32, #tpu.memory_space<vmem_shared>> -> memref<640x128xf32, #tpu.memory_space<vmem_shared>>
        %dma_start3A_30 = arith.constant 0 : i32
        %dma_start3A_31 = tpu.memref_slice %arg4[%mul3A_4, %dma_start3A_30] : memref<10000x128xf32, #tpu.memory_space<hbm>> -> memref<640x128xf32, #tpu.memory_space<hbm>>
        tpu.enqueue_dma source(%dma_start3A_31 : memref<640x128xf32, #tpu.memory_space<hbm>>) target(%dma_start3A_29 : memref<640x128xf32, #tpu.memory_space<vmem_shared>>) target_semaphore(%run_scoped3A : memref<!tpu.dma_semaphore, #tpu.memory_space<semaphore_mem>>)
        %dma_wait3A = arith.constant 0 : i32
        %dma_wait3A_32 = tpu.memref_slice %arg8[%mul3A_4, %dma_wait3A] : memref<10000x128xf32, #tpu.memory_space<vmem_shared>> -> memref<640x128xf32, #tpu.memory_space<vmem_shared>>
        %dma_wait3A_33 = arith.constant 0 : i32
        %dma_wait3A_34 = tpu.memref_slice %arg4[%mul3A_4, %dma_wait3A_33] : memref<10000x128xf32, #tpu.memory_space<hbm>> -> memref<640x128xf32, #tpu.memory_space<hbm>>
        tpu.wait_dma2 semaphore(%run_scoped3A : memref<!tpu.dma_semaphore, #tpu.memory_space<semaphore_mem>>) src(%dma_wait3A_34 : memref<640x128xf32, #tpu.memory_space<hbm>>) dst(%dma_wait3A_32 : memref<640x128xf32, #tpu.memory_space<vmem_shared>>)
        tpu.yield
      }) : () -> ()
    } else {
    }
    %eq3A = arith.constant 15 : i32
    %eq3A_7 = arith.cmpi eq, %arg1, %eq3A : i32
    %convert_element_type3A_8 = arith.extui %eq3A_7 : i1 to i32
    %cond3A_9 = arith.constant 0 : i32
    %cond3A_10 = arith.cmpi ne, %convert_element_type3A_8, %cond3A_9 : i32
    scf.if %cond3A_10 {
      "tpu.region"() ({
        %run_scoped3A = tpu.sem_alloc : memref<!tpu.dma_semaphore, #tpu.memory_space<semaphore_mem>>
        %dma_start3A = arith.constant 0 : i32
        %dma_start3A_29 = tpu.memref_slice %arg8[%mul3A_4, %dma_start3A] : memref<10000x128xf32, #tpu.memory_space<vmem_shared>> -> memref<400x128xf32, #tpu.memory_space<vmem_shared>>
        %dma_start3A_30 = arith.constant 0 : i32
        %dma_start3A_31 = tpu.memref_slice %arg4[%mul3A_4, %dma_start3A_30] : memref<10000x128xf32, #tpu.memory_space<hbm>> -> memref<400x128xf32, #tpu.memory_space<hbm>>
        tpu.enqueue_dma source(%dma_start3A_31 : memref<400x128xf32, #tpu.memory_space<hbm>>) target(%dma_start3A_29 : memref<400x128xf32, #tpu.memory_space<vmem_shared>>) target_semaphore(%run_scoped3A : memref<!tpu.dma_semaphore, #tpu.memory_space<semaphore_mem>>)
        %dma_wait3A = arith.constant 0 : i32
        %dma_wait3A_32 = tpu.memref_slice %arg8[%mul3A_4, %dma_wait3A] : memref<10000x128xf32, #tpu.memory_space<vmem_shared>> -> memref<400x128xf32, #tpu.memory_space<vmem_shared>>
        %dma_wait3A_33 = arith.constant 0 : i32
        %dma_wait3A_34 = tpu.memref_slice %arg4[%mul3A_4, %dma_wait3A_33] : memref<10000x128xf32, #tpu.memory_space<hbm>> -> memref<400x128xf32, #tpu.memory_space<hbm>>
        tpu.wait_dma2 semaphore(%run_scoped3A : memref<!tpu.dma_semaphore, #tpu.memory_space<semaphore_mem>>) src(%dma_wait3A_34 : memref<400x128xf32, #tpu.memory_space<hbm>>) dst(%dma_wait3A_32 : memref<400x128xf32, #tpu.memory_space<vmem_shared>>)
        tpu.yield
      }) : () -> ()
    } else {
    }
    %barrier3A = arith.constant 0 : index
    tpu.barrier barrier_id(%barrier3A)
    %scan3A = arith.constant 0 : i32
    %scan3A_11 = arith.constant 0 : i32
    %scan3A_12 = arith.constant 5 : i32
    %scan3A_13 = arith.addi %scan3A_11, %scan3A_12 : i32
    %scan3A_14 = arith.constant 1 : i32
    scf.for %scan3A_29 = %scan3A_11 to %scan3A_13 step %scan3A_14  : i32 {
      %mul3A_30 = arith.constant 80 : i32
      %mul3A_31 = arith.muli %add3A, %mul3A_30 : i32
      %mul3A_32 = arith.constant 16 : i32
      %mul3A_33 = arith.muli %scan3A_29, %mul3A_32 : i32
      %add3A_34 = arith.addi %mul3A_31, %mul3A_33 : i32
      "tpu.region"() ({
        %run_scoped3A = tpu.sem_alloc : memref<!tpu.dma_semaphore, #tpu.memory_space<semaphore_mem>>
        %dma_start3A = arith.constant 0 : i32
        %dma_start3A_41 = tpu.memref_slice %arg3[%add3A_34, %dma_start3A] : memref<2560x128xi32, #tpu.memory_space<hbm>> -> memref<16x128xi32, #tpu.memory_space<hbm>>
        %dma_start3A_42 = arith.constant 0 : i32
        %dma_start3A_43 = tpu.memref_slice %arg3[%add3A_34, %dma_start3A_42] : memref<2560x128xi32, #tpu.memory_space<hbm>> -> memref<16x128xi32, #tpu.memory_space<hbm>>
        tpu.enqueue_dma source(%dma_start3A_43 : memref<16x128xi32, #tpu.memory_space<hbm>>) target(%arg6 : memref<16x128xi32, #tpu.memory_space<vmem>>) target_semaphore(%run_scoped3A : memref<!tpu.dma_semaphore, #tpu.memory_space<semaphore_mem>>)
        %dma_wait3A = arith.constant 0 : i32
        %dma_wait3A_44 = tpu.memref_slice %arg3[%add3A_34, %dma_wait3A] : memref<2560x128xi32, #tpu.memory_space<hbm>> -> memref<16x128xi32, #tpu.memory_space<hbm>>
        %dma_wait3A_45 = arith.constant 0 : i32
        %dma_wait3A_46 = tpu.memref_slice %arg3[%add3A_34, %dma_wait3A_45] : memref<2560x128xi32, #tpu.memory_space<hbm>> -> memref<16x128xi32, #tpu.memory_space<hbm>>
        tpu.wait_dma2 semaphore(%run_scoped3A : memref<!tpu.dma_semaphore, #tpu.memory_space<semaphore_mem>>) src(%dma_wait3A_46 : memref<16x128xi32, #tpu.memory_space<hbm>>) dst(%arg6 : memref<16x128xi32, #tpu.memory_space<vmem>>)
        tpu.yield
      }) : () -> ()
      %scan3A_35 = arith.constant 0 : i32
      %scan3A_36 = arith.constant 0 : i32
      %scan3A_37 = arith.constant 16 : i32
      %scan3A_38 = arith.addi %scan3A_36, %scan3A_37 : i32
      %scan3A_39 = arith.constant 1 : i32
      scf.for %scan3A_41 = %scan3A_36 to %scan3A_38 step %scan3A_39  : i32 {
        %mul3A_42 = arith.constant 16 : i32
        %mul3A_43 = arith.muli %scan3A_29, %mul3A_42 : i32
        %add3A_44 = arith.addi %mul3A_43, %scan3A_41 : i32
        %mul3A_45 = arith.constant 128 : i32
        %mul3A_46 = arith.muli %add3A_44, %mul3A_45 : i32
        %add3A_47 = arith.addi %mul3A_2, %mul3A_46 : i32
        "tpu.region"() ({
          %run_scoped3A = tpu.sem_alloc : memref<!tpu.dma_semaphore, #tpu.memory_space<semaphore_mem>>
          %dma_start3A = arith.constant 0 : i32
          %dma_start3A_48 = tpu.memref_slice %arg2[%add3A_47, %dma_start3A] : memref<327680x128xf32, #tpu.memory_space<hbm>> -> memref<128x128xf32, #tpu.memory_space<hbm>>
          %dma_start3A_49 = arith.constant 0 : i32
          %dma_start3A_50 = tpu.memref_slice %arg2[%add3A_47, %dma_start3A_49] : memref<327680x128xf32, #tpu.memory_space<hbm>> -> memref<128x128xf32, #tpu.memory_space<hbm>>
          tpu.enqueue_dma source(%dma_start3A_50 : memref<128x128xf32, #tpu.memory_space<hbm>>) target(%arg7 : memref<128x128xf32, #tpu.memory_space<vmem>>) target_semaphore(%run_scoped3A : memref<!tpu.dma_semaphore, #tpu.memory_space<semaphore_mem>>)
          %dma_wait3A = arith.constant 0 : i32
          %dma_wait3A_51 = tpu.memref_slice %arg2[%add3A_47, %dma_wait3A] : memref<327680x128xf32, #tpu.memory_space<hbm>> -> memref<128x128xf32, #tpu.memory_space<hbm>>
          %dma_wait3A_52 = arith.constant 0 : i32
          %dma_wait3A_53 = tpu.memref_slice %arg2[%add3A_47, %dma_wait3A_52] : memref<327680x128xf32, #tpu.memory_space<hbm>> -> memref<128x128xf32, #tpu.memory_space<hbm>>
          tpu.wait_dma2 semaphore(%run_scoped3A : memref<!tpu.dma_semaphore, #tpu.memory_space<semaphore_mem>>) src(%dma_wait3A_53 : memref<128x128xf32, #tpu.memory_space<hbm>>) dst(%arg7 : memref<128x128xf32, #tpu.memory_space<vmem>>)
          tpu.yield
        }) : () -> ()
        "tpu.region"() ({
          %run_scoped3A = tpu.sem_alloc : memref<!tpu.dma_semaphore, #tpu.memory_space<semaphore_mem>>
          %dma_start3A = arith.constant 0 : i32
          %dma_start3A_48 = tpu.memref_slice %arg6[%scan3A_41, %dma_start3A] : memref<16x128xi32, #tpu.memory_space<vmem>> -> memref<1x128xi32, #tpu.memory_space<vmem>>
          %dma_start3A_49 = tpu.memref_squeeze %dma_start3A_48 : memref<1x128xi32, #tpu.memory_space<vmem>> -> memref<128xi32, #tpu.memory_space<vmem>>
          %dma_start3A_50 = arith.constant 0 : i32
          %dma_start3A_51 = arith.constant 0 : i32
          %dma_start3A_52 = tpu.memref_slice %arg8[%dma_start3A_50, %dma_start3A_51] : memref<10000x128xf32, #tpu.memory_space<vmem_shared>> -> memref<10000x128xf32, #tpu.memory_space<vmem_shared>>
          tpu.enqueue_indirect_dma source(%arg7 : memref<128x128xf32, #tpu.memory_space<vmem>>) target(%dma_start3A_52 : memref<10000x128xf32, #tpu.memory_space<vmem_shared>>) offsets(%dma_start3A_49 : memref<128xi32, #tpu.memory_space<vmem>>) semaphore(%run_scoped3A : memref<!tpu.dma_semaphore, #tpu.memory_space<semaphore_mem>>) {add = true}
          %dma_wait3A = arith.constant 0 : i32
          %dma_wait3A_53 = tpu.memref_slice %arg6[%scan3A_41, %dma_wait3A] : memref<16x128xi32, #tpu.memory_space<vmem>> -> memref<1x128xi32, #tpu.memory_space<vmem>>
          %dma_wait3A_54 = tpu.memref_squeeze %dma_wait3A_53 : memref<1x128xi32, #tpu.memory_space<vmem>> -> memref<128xi32, #tpu.memory_space<vmem>>
          %dma_wait3A_55 = arith.constant 0 : i32
          %dma_wait3A_56 = arith.constant 0 : i32
          %dma_wait3A_57 = tpu.memref_slice %arg8[%dma_wait3A_55, %dma_wait3A_56] : memref<10000x128xf32, #tpu.memory_space<vmem_shared>> -> memref<10000x128xf32, #tpu.memory_space<vmem_shared>>
          tpu.wait_indirect_dma semaphore(%run_scoped3A : memref<!tpu.dma_semaphore, #tpu.memory_space<semaphore_mem>>) src(%arg7 : memref<128x128xf32, #tpu.memory_space<vmem>>) dst(%dma_wait3A_57 : memref<10000x128xf32, #tpu.memory_space<vmem_shared>>)
          tpu.yield
        }) : () -> ()
      }
      %scan3A_40 = arith.constant 16 : i32
    }
    %scan3A_15 = arith.constant 5 : i32
    %barrier3A_16 = arith.constant 0 : index
    tpu.barrier barrier_id(%barrier3A_16)
    %mul3A_17 = arith.constant 640 : i32
    %mul3A_18 = arith.muli %arg1, %mul3A_17 : i32
    %lt3A_19 = arith.constant 15 : i32
    %lt3A_20 = arith.cmpi slt, %arg1, %lt3A_19 : i32
    %convert_element_type3A_21 = arith.extui %lt3A_20 : i1 to i32
    %cond3A_22 = arith.constant 0 : i32
    %cond3A_23 = arith.cmpi ne, %convert_element_type3A_21, %cond3A_22 : i32
    scf.if %cond3A_23 {
      "tpu.region"() ({
        %run_scoped3A = tpu.sem_alloc : memref<!tpu.dma_semaphore, #tpu.memory_space<semaphore_mem>>
        %dma_start3A = arith.constant 0 : i32
        %dma_start3A_29 = tpu.memref_slice %arg5[%arg0, %mul3A_18, %dma_start3A] : memref<2x10000x128xf32, #tpu.memory_space<hbm>> -> memref<1x640x128xf32, #tpu.memory_space<hbm>>
        %dma_start3A_30 = tpu.memref_squeeze %dma_start3A_29 : memref<1x640x128xf32, #tpu.memory_space<hbm>> -> memref<640x128xf32, #tpu.memory_space<hbm>>
        %dma_start3A_31 = arith.constant 0 : i32
        %dma_start3A_32 = tpu.memref_slice %arg8[%mul3A_18, %dma_start3A_31] : memref<10000x128xf32, #tpu.memory_space<vmem_shared>> -> memref<640x128xf32, #tpu.memory_space<vmem_shared>>
        tpu.enqueue_dma source(%dma_start3A_32 : memref<640x128xf32, #tpu.memory_space<vmem_shared>>) target(%dma_start3A_30 : memref<640x128xf32, #tpu.memory_space<hbm>>) target_semaphore(%run_scoped3A : memref<!tpu.dma_semaphore, #tpu.memory_space<semaphore_mem>>)
        %dma_wait3A = arith.constant 0 : i32
        %dma_wait3A_33 = tpu.memref_slice %arg5[%arg0, %mul3A_18, %dma_wait3A] : memref<2x10000x128xf32, #tpu.memory_space<hbm>> -> memref<1x640x128xf32, #tpu.memory_space<hbm>>
        %dma_wait3A_34 = tpu.memref_squeeze %dma_wait3A_33 : memref<1x640x128xf32, #tpu.memory_space<hbm>> -> memref<640x128xf32, #tpu.memory_space<hbm>>
        %dma_wait3A_35 = arith.constant 0 : i32
        %dma_wait3A_36 = tpu.memref_slice %arg8[%mul3A_18, %dma_wait3A_35] : memref<10000x128xf32, #tpu.memory_space<vmem_shared>> -> memref<640x128xf32, #tpu.memory_space<vmem_shared>>
        tpu.wait_dma2 semaphore(%run_scoped3A : memref<!tpu.dma_semaphore, #tpu.memory_space<semaphore_mem>>) src(%dma_wait3A_36 : memref<640x128xf32, #tpu.memory_space<vmem_shared>>) dst(%dma_wait3A_34 : memref<640x128xf32, #tpu.memory_space<hbm>>)
        tpu.yield
      }) : () -> ()
    } else {
    }
    %eq3A_24 = arith.constant 15 : i32
    %eq3A_25 = arith.cmpi eq, %arg1, %eq3A_24 : i32
    %convert_element_type3A_26 = arith.extui %eq3A_25 : i1 to i32
    %cond3A_27 = arith.constant 0 : i32
    %cond3A_28 = arith.cmpi ne, %convert_element_type3A_26, %cond3A_27 : i32
    scf.if %cond3A_28 {
      "tpu.region"() ({
        %run_scoped3A = tpu.sem_alloc : memref<!tpu.dma_semaphore, #tpu.memory_space<semaphore_mem>>
        %dma_start3A = arith.constant 0 : i32
        %dma_start3A_29 = tpu.memref_slice %arg5[%arg0, %mul3A_18, %dma_start3A] : memref<2x10000x128xf32, #tpu.memory_space<hbm>> -> memref<1x400x128xf32, #tpu.memory_space<hbm>>
        %dma_start3A_30 = tpu.memref_squeeze %dma_start3A_29 : memref<1x400x128xf32, #tpu.memory_space<hbm>> -> memref<400x128xf32, #tpu.memory_space<hbm>>
        %dma_start3A_31 = arith.constant 0 : i32
        %dma_start3A_32 = tpu.memref_slice %arg8[%mul3A_18, %dma_start3A_31] : memref<10000x128xf32, #tpu.memory_space<vmem_shared>> -> memref<400x128xf32, #tpu.memory_space<vmem_shared>>
        tpu.enqueue_dma source(%dma_start3A_32 : memref<400x128xf32, #tpu.memory_space<vmem_shared>>) target(%dma_start3A_30 : memref<400x128xf32, #tpu.memory_space<hbm>>) target_semaphore(%run_scoped3A : memref<!tpu.dma_semaphore, #tpu.memory_space<semaphore_mem>>)
        %dma_wait3A = arith.constant 0 : i32
        %dma_wait3A_33 = tpu.memref_slice %arg5[%arg0, %mul3A_18, %dma_wait3A] : memref<2x10000x128xf32, #tpu.memory_space<hbm>> -> memref<1x400x128xf32, #tpu.memory_space<hbm>>
        %dma_wait3A_34 = tpu.memref_squeeze %dma_wait3A_33 : memref<1x400x128xf32, #tpu.memory_space<hbm>> -> memref<400x128xf32, #tpu.memory_space<hbm>>
        %dma_wait3A_35 = arith.constant 0 : i32
        %dma_wait3A_36 = tpu.memref_slice %arg8[%mul3A_18, %dma_wait3A_35] : memref<10000x128xf32, #tpu.memory_space<vmem_shared>> -> memref<400x128xf32, #tpu.memory_space<vmem_shared>>
        tpu.wait_dma2 semaphore(%run_scoped3A : memref<!tpu.dma_semaphore, #tpu.memory_space<semaphore_mem>>) src(%dma_wait3A_36 : memref<400x128xf32, #tpu.memory_space<vmem_shared>>) dst(%dma_wait3A_34 : memref<400x128xf32, #tpu.memory_space<hbm>>)
        tpu.yield
      }) : () -> ()
    } else {
    }
    return
  }
}

module attributes {stable_mosaic.version = 14 : i64} {
  func.func @_edge_tc0_body(%arg0: i32, %arg1: memref<2048x4xf32, #tpu.memory_space<vmem>>, %arg2: memref<2048x4xf32, #tpu.memory_space<vmem>>, %arg3: memref<2048x3xf32, #tpu.memory_space<vmem>>, %arg4: memref<8x64xf32, #tpu.memory_space<vmem>>, %arg5: memref<64x128xf32, #tpu.memory_space<vmem>>, %arg6: memref<1x16xf32, #tpu.memory_space<vmem>>, %arg7: memref<4x128xf32, #tpu.memory_space<vmem>>, %arg8: memref<2048x128xf32, #tpu.memory_space<vmem>>) attributes {dimension_semantics = [#tpu.dimension_semantics<arbitrary>], iteration_bounds = array<i64: 160>, scalar_prefetch = 0 : i64, scratch_operands = 0 : i64, tpu.core_type = #tpu.core_type<tc>, window_params = [{transform_indices = @transform_0, window_bounds = array<i64: 2048, 4>}, {transform_indices = @transform_1, window_bounds = array<i64: 2048, 4>}, {transform_indices = @transform_2, window_bounds = array<i64: 2048, 3>}, {pipeline_mode = #tpu.pipeline_mode<synchronous>, transform_indices = @transform_3, window_bounds = array<i64: 8, 64>}, {pipeline_mode = #tpu.pipeline_mode<synchronous>, transform_indices = @transform_4, window_bounds = array<i64: 64, 128>}, {pipeline_mode = #tpu.pipeline_mode<synchronous>, transform_indices = @transform_5, window_bounds = array<i64: 1, 16>}, {pipeline_mode = #tpu.pipeline_mode<synchronous>, transform_indices = @transform_6, window_bounds = array<i64: 4, 128>}, {transform_indices = @transform_7, window_bounds = array<i64: 2048, 128>}]} {
    %get3A = arith.constant 0 : index
    %get3A_0 = arith.constant 0 : index
    %get3A_1 = vector.load %arg1[%get3A, %get3A_0] : memref<2048x4xf32, #tpu.memory_space<vmem>>, vector<2048x4xf32>
    %get3A_2 = arith.constant 0 : index
    %get3A_3 = arith.constant 0 : index
    %get3A_4 = vector.load %arg2[%get3A_2, %get3A_3] : memref<2048x4xf32, #tpu.memory_space<vmem>>, vector<2048x4xf32>
    %get3A_5 = arith.constant 0 : index
    %get3A_6 = arith.constant 0 : index
    %get3A_7 = vector.load %arg3[%get3A_5, %get3A_6] : memref<2048x3xf32, #tpu.memory_space<vmem>>, vector<2048x3xf32>
    %get3A_8 = arith.constant 0 : index
    %get3A_9 = arith.constant 0 : index
    %get3A_10 = vector.load %arg4[%get3A_8, %get3A_9] : memref<8x64xf32, #tpu.memory_space<vmem>>, vector<8x64xf32>
    %get3A_11 = arith.constant 0 : index
    %get3A_12 = arith.constant 0 : index
    %get3A_13 = vector.load %arg5[%get3A_11, %get3A_12] : memref<64x128xf32, #tpu.memory_space<vmem>>, vector<64x128xf32>
    %get3A_14 = arith.constant 0 : index
    %get3A_15 = arith.constant 0 : index
    %get3A_16 = vector.load %arg6[%get3A_14, %get3A_15] : memref<1x16xf32, #tpu.memory_space<vmem>>, vector<1x16xf32>
    %slice3A = vector.extract_strided_slice %get3A_4 {offsets = [0, 0], sizes = [2048, 3], strides = [1, 1]} : vector<2048x4xf32> to vector<2048x3xf32>
    %slice3A_17 = vector.extract_strided_slice %get3A_1 {offsets = [0, 0], sizes = [2048, 3], strides = [1, 1]} : vector<2048x4xf32> to vector<2048x3xf32>
    %sub3A = arith.subf %slice3A, %slice3A_17 : vector<2048x3xf32>
    %add3A = arith.addf %sub3A, %get3A_7 : vector<2048x3xf32>
    %mul3A = arith.mulf %add3A, %add3A : vector<2048x3xf32>
    %reduce_sum3A = arith.constant dense<0.000000e+00> : vector<2048xf32>
    %reduce_sum3A_18 = vector.multi_reduction <add>, %mul3A, %reduce_sum3A [1] : vector<2048x3xf32> to vector<2048xf32>
    %add3A_19 = arith.constant 9.99999996E-13 : f32
    %add3A_20 = vector.broadcast %add3A_19 : f32 to vector<2048xf32>
    %add3A_21 = arith.addf %reduce_sum3A_18, %add3A_20 : vector<2048xf32>
    %sqrt3A = math.sqrt %add3A_21 : vector<2048xf32>
    %div3A = arith.constant 1.000000e+00 : f32
    %div3A_22 = vector.broadcast %div3A : f32 to vector<2048xf32>
    %div3A_23 = arith.divf %div3A_22, %sqrt3A : vector<2048xf32>
    %slice3A_24 = vector.extract_strided_slice %add3A {offsets = [0, 0], sizes = [2048, 1], strides = [1, 1]} : vector<2048x3xf32> to vector<2048x1xf32>
    %squeeze3A = vector.shape_cast %slice3A_24 : vector<2048x1xf32> to vector<2048xf32>
    %mul3A_25 = arith.mulf %squeeze3A, %div3A_23 : vector<2048xf32>
    %slice3A_26 = vector.extract_strided_slice %add3A {offsets = [0, 1], sizes = [2048, 1], strides = [1, 1]} : vector<2048x3xf32> to vector<2048x1xf32>
    %squeeze3A_27 = vector.shape_cast %slice3A_26 : vector<2048x1xf32> to vector<2048xf32>
    %mul3A_28 = arith.mulf %squeeze3A_27, %div3A_23 : vector<2048xf32>
    %slice3A_29 = vector.extract_strided_slice %add3A {offsets = [0, 2], sizes = [2048, 1], strides = [1, 1]} : vector<2048x3xf32> to vector<2048x1xf32>
    %squeeze3A_30 = vector.shape_cast %slice3A_29 : vector<2048x1xf32> to vector<2048xf32>
    %mul3A_31 = arith.mulf %squeeze3A_30, %div3A_23 : vector<2048xf32>
    %slice3A_32 = vector.extract_strided_slice %get3A_16 {offsets = [0, 0], sizes = [1, 1], strides = [1, 1]} : vector<1x16xf32> to vector<1x1xf32>
    %squeeze3A_33 = vector.extract %slice3A_32[0, 0] : f32 from vector<1x1xf32>
    %slice3A_34 = vector.extract_strided_slice %get3A_16 {offsets = [0, 1], sizes = [1, 1], strides = [1, 1]} : vector<1x16xf32> to vector<1x1xf32>
    %squeeze3A_35 = vector.extract %slice3A_34[0, 0] : f32 from vector<1x1xf32>
    %slice3A_36 = vector.extract_strided_slice %get3A_16 {offsets = [0, 2], sizes = [1, 1], strides = [1, 1]} : vector<1x16xf32> to vector<1x1xf32>
    %squeeze3A_37 = vector.extract %slice3A_36[0, 0] : f32 from vector<1x1xf32>
    %slice3A_38 = vector.extract_strided_slice %get3A_16 {offsets = [0, 3], sizes = [1, 1], strides = [1, 1]} : vector<1x16xf32> to vector<1x1xf32>
    %squeeze3A_39 = vector.extract %slice3A_38[0, 0] : f32 from vector<1x1xf32>
    %slice3A_40 = vector.extract_strided_slice %get3A_16 {offsets = [0, 4], sizes = [1, 1], strides = [1, 1]} : vector<1x16xf32> to vector<1x1xf32>
    %squeeze3A_41 = vector.extract %slice3A_40[0, 0] : f32 from vector<1x1xf32>
    %slice3A_42 = vector.extract_strided_slice %get3A_16 {offsets = [0, 5], sizes = [1, 1], strides = [1, 1]} : vector<1x16xf32> to vector<1x1xf32>
    %squeeze3A_43 = vector.extract %slice3A_42[0, 0] : f32 from vector<1x1xf32>
    %slice3A_44 = vector.extract_strided_slice %get3A_16 {offsets = [0, 6], sizes = [1, 1], strides = [1, 1]} : vector<1x16xf32> to vector<1x1xf32>
    %squeeze3A_45 = vector.extract %slice3A_44[0, 0] : f32 from vector<1x1xf32>
    %slice3A_46 = vector.extract_strided_slice %get3A_16 {offsets = [0, 7], sizes = [1, 1], strides = [1, 1]} : vector<1x16xf32> to vector<1x1xf32>
    %squeeze3A_47 = vector.extract %slice3A_46[0, 0] : f32 from vector<1x1xf32>
    %slice3A_48 = vector.extract_strided_slice %get3A_16 {offsets = [0, 8], sizes = [1, 1], strides = [1, 1]} : vector<1x16xf32> to vector<1x1xf32>
    %squeeze3A_49 = vector.extract %slice3A_48[0, 0] : f32 from vector<1x1xf32>
    %slice3A_50 = vector.extract_strided_slice %get3A_16 {offsets = [0, 9], sizes = [1, 1], strides = [1, 1]} : vector<1x16xf32> to vector<1x1xf32>
    %squeeze3A_51 = vector.extract %slice3A_50[0, 0] : f32 from vector<1x1xf32>
    %slice3A_52 = vector.extract_strided_slice %get3A_16 {offsets = [0, 10], sizes = [1, 1], strides = [1, 1]} : vector<1x16xf32> to vector<1x1xf32>
    %squeeze3A_53 = vector.extract %slice3A_52[0, 0] : f32 from vector<1x1xf32>
    %slice3A_54 = vector.extract_strided_slice %get3A_16 {offsets = [0, 11], sizes = [1, 1], strides = [1, 1]} : vector<1x16xf32> to vector<1x1xf32>
    %squeeze3A_55 = vector.extract %slice3A_54[0, 0] : f32 from vector<1x1xf32>
    %slice3A_56 = vector.extract_strided_slice %get3A_16 {offsets = [0, 12], sizes = [1, 1], strides = [1, 1]} : vector<1x16xf32> to vector<1x1xf32>
    %squeeze3A_57 = vector.extract %slice3A_56[0, 0] : f32 from vector<1x1xf32>
    %slice3A_58 = vector.extract_strided_slice %get3A_16 {offsets = [0, 13], sizes = [1, 1], strides = [1, 1]} : vector<1x16xf32> to vector<1x1xf32>
    %squeeze3A_59 = vector.extract %slice3A_58[0, 0] : f32 from vector<1x1xf32>
    %slice3A_60 = vector.extract_strided_slice %get3A_16 {offsets = [0, 14], sizes = [1, 1], strides = [1, 1]} : vector<1x16xf32> to vector<1x1xf32>
    %squeeze3A_61 = vector.extract %slice3A_60[0, 0] : f32 from vector<1x1xf32>
    %slice3A_62 = vector.extract_strided_slice %get3A_16 {offsets = [0, 15], sizes = [1, 1], strides = [1, 1]} : vector<1x16xf32> to vector<1x1xf32>
    %squeeze3A_63 = vector.extract %slice3A_62[0, 0] : f32 from vector<1x1xf32>
    %mul3A_64 = vector.broadcast %squeeze3A_35 : f32 to vector<2048xf32>
    %mul3A_65 = arith.mulf %mul3A_64, %mul3A_25 : vector<2048xf32>
    %add3A_66 = vector.broadcast %squeeze3A_33 : f32 to vector<2048xf32>
    %add3A_67 = arith.addf %add3A_66, %mul3A_65 : vector<2048xf32>
    %mul3A_68 = vector.broadcast %squeeze3A_37 : f32 to vector<2048xf32>
    %mul3A_69 = arith.mulf %mul3A_68, %mul3A_28 : vector<2048xf32>
    %add3A_70 = arith.addf %add3A_67, %mul3A_69 : vector<2048xf32>
    %mul3A_71 = vector.broadcast %squeeze3A_39 : f32 to vector<2048xf32>
    %mul3A_72 = arith.mulf %mul3A_71, %mul3A_31 : vector<2048xf32>
    %add3A_73 = arith.addf %add3A_70, %mul3A_72 : vector<2048xf32>
    %mul3A_74 = vector.broadcast %squeeze3A_41 : f32 to vector<2048xf32>
    %mul3A_75 = arith.mulf %mul3A_74, %mul3A_25 : vector<2048xf32>
    %mul3A_76 = arith.mulf %mul3A_75, %mul3A_28 : vector<2048xf32>
    %add3A_77 = arith.addf %add3A_73, %mul3A_76 : vector<2048xf32>
    %mul3A_78 = vector.broadcast %squeeze3A_43 : f32 to vector<2048xf32>
    %mul3A_79 = arith.mulf %mul3A_78, %mul3A_28 : vector<2048xf32>
    %mul3A_80 = arith.mulf %mul3A_79, %mul3A_31 : vector<2048xf32>
    %add3A_81 = arith.addf %add3A_77, %mul3A_80 : vector<2048xf32>
    %mul3A_82 = arith.constant 3.000000e+00 : f32
    %mul3A_83 = vector.broadcast %mul3A_82 : f32 to vector<2048xf32>
    %mul3A_84 = arith.mulf %mul3A_83, %mul3A_31 : vector<2048xf32>
    %mul3A_85 = arith.mulf %mul3A_84, %mul3A_31 : vector<2048xf32>
    %sub3A_86 = arith.constant 1.000000e+00 : f32
    %sub3A_87 = vector.broadcast %sub3A_86 : f32 to vector<2048xf32>
    %sub3A_88 = arith.subf %mul3A_85, %sub3A_87 : vector<2048xf32>
    %mul3A_89 = vector.broadcast %squeeze3A_45 : f32 to vector<2048xf32>
    %mul3A_90 = arith.mulf %mul3A_89, %sub3A_88 : vector<2048xf32>
    %add3A_91 = arith.addf %add3A_81, %mul3A_90 : vector<2048xf32>
    %mul3A_92 = vector.broadcast %squeeze3A_47 : f32 to vector<2048xf32>
    %mul3A_93 = arith.mulf %mul3A_92, %mul3A_25 : vector<2048xf32>
    %mul3A_94 = arith.mulf %mul3A_93, %mul3A_31 : vector<2048xf32>
    %add3A_95 = arith.addf %add3A_91, %mul3A_94 : vector<2048xf32>
    %mul3A_96 = arith.mulf %mul3A_25, %mul3A_25 : vector<2048xf32>
    %mul3A_97 = arith.mulf %mul3A_28, %mul3A_28 : vector<2048xf32>
    %sub3A_98 = arith.subf %mul3A_96, %mul3A_97 : vector<2048xf32>
    %mul3A_99 = vector.broadcast %squeeze3A_49 : f32 to vector<2048xf32>
    %mul3A_100 = arith.mulf %mul3A_99, %sub3A_98 : vector<2048xf32>
    %add3A_101 = arith.addf %add3A_95, %mul3A_100 : vector<2048xf32>
    %mul3A_102 = vector.broadcast %squeeze3A_51 : f32 to vector<2048xf32>
    %mul3A_103 = arith.mulf %mul3A_102, %mul3A_28 : vector<2048xf32>
    %mul3A_104 = arith.constant 3.000000e+00 : f32
    %mul3A_105 = vector.broadcast %mul3A_104 : f32 to vector<2048xf32>
    %mul3A_106 = arith.mulf %mul3A_105, %mul3A_25 : vector<2048xf32>
    %mul3A_107 = arith.mulf %mul3A_106, %mul3A_25 : vector<2048xf32>
    %mul3A_108 = arith.mulf %mul3A_28, %mul3A_28 : vector<2048xf32>
    %sub3A_109 = arith.subf %mul3A_107, %mul3A_108 : vector<2048xf32>
    %mul3A_110 = arith.mulf %mul3A_103, %sub3A_109 : vector<2048xf32>
    %add3A_111 = arith.addf %add3A_101, %mul3A_110 : vector<2048xf32>
    %mul3A_112 = vector.broadcast %squeeze3A_53 : f32 to vector<2048xf32>
    %mul3A_113 = arith.mulf %mul3A_112, %mul3A_25 : vector<2048xf32>
    %mul3A_114 = arith.mulf %mul3A_113, %mul3A_28 : vector<2048xf32>
    %mul3A_115 = arith.mulf %mul3A_114, %mul3A_31 : vector<2048xf32>
    %add3A_116 = arith.addf %add3A_111, %mul3A_115 : vector<2048xf32>
    %mul3A_117 = vector.broadcast %squeeze3A_55 : f32 to vector<2048xf32>
    %mul3A_118 = arith.mulf %mul3A_117, %mul3A_28 : vector<2048xf32>
    %mul3A_119 = arith.constant 5.000000e+00 : f32
    %mul3A_120 = vector.broadcast %mul3A_119 : f32 to vector<2048xf32>
    %mul3A_121 = arith.mulf %mul3A_120, %mul3A_31 : vector<2048xf32>
    %mul3A_122 = arith.mulf %mul3A_121, %mul3A_31 : vector<2048xf32>
    %sub3A_123 = arith.constant 1.000000e+00 : f32
    %sub3A_124 = vector.broadcast %sub3A_123 : f32 to vector<2048xf32>
    %sub3A_125 = arith.subf %mul3A_122, %sub3A_124 : vector<2048xf32>
    %mul3A_126 = arith.mulf %mul3A_118, %sub3A_125 : vector<2048xf32>
    %add3A_127 = arith.addf %add3A_116, %mul3A_126 : vector<2048xf32>
    %mul3A_128 = vector.broadcast %squeeze3A_57 : f32 to vector<2048xf32>
    %mul3A_129 = arith.mulf %mul3A_128, %mul3A_31 : vector<2048xf32>
    %mul3A_130 = arith.constant 5.000000e+00 : f32
    %mul3A_131 = vector.broadcast %mul3A_130 : f32 to vector<2048xf32>
    %mul3A_132 = arith.mulf %mul3A_131, %mul3A_31 : vector<2048xf32>
    %mul3A_133 = arith.mulf %mul3A_132, %mul3A_31 : vector<2048xf32>
    %sub3A_134 = arith.constant 3.000000e+00 : f32
    %sub3A_135 = vector.broadcast %sub3A_134 : f32 to vector<2048xf32>
    %sub3A_136 = arith.subf %mul3A_133, %sub3A_135 : vector<2048xf32>
    %mul3A_137 = arith.mulf %mul3A_129, %sub3A_136 : vector<2048xf32>
    %add3A_138 = arith.addf %add3A_127, %mul3A_137 : vector<2048xf32>
    %mul3A_139 = vector.broadcast %squeeze3A_59 : f32 to vector<2048xf32>
    %mul3A_140 = arith.mulf %mul3A_139, %mul3A_25 : vector<2048xf32>
    %mul3A_141 = arith.constant 5.000000e+00 : f32
    %mul3A_142 = vector.broadcast %mul3A_141 : f32 to vector<2048xf32>
    %mul3A_143 = arith.mulf %mul3A_142, %mul3A_31 : vector<2048xf32>
    %mul3A_144 = arith.mulf %mul3A_143, %mul3A_31 : vector<2048xf32>
    %sub3A_145 = arith.constant 1.000000e+00 : f32
    %sub3A_146 = vector.broadcast %sub3A_145 : f32 to vector<2048xf32>
    %sub3A_147 = arith.subf %mul3A_144, %sub3A_146 : vector<2048xf32>
    %mul3A_148 = arith.mulf %mul3A_140, %sub3A_147 : vector<2048xf32>
    %add3A_149 = arith.addf %add3A_138, %mul3A_148 : vector<2048xf32>
    %mul3A_150 = vector.broadcast %squeeze3A_61 : f32 to vector<2048xf32>
    %mul3A_151 = arith.mulf %mul3A_150, %mul3A_31 : vector<2048xf32>
    %mul3A_152 = arith.mulf %mul3A_25, %mul3A_25 : vector<2048xf32>
    %mul3A_153 = arith.mulf %mul3A_28, %mul3A_28 : vector<2048xf32>
    %sub3A_154 = arith.subf %mul3A_152, %mul3A_153 : vector<2048xf32>
    %mul3A_155 = arith.mulf %mul3A_151, %sub3A_154 : vector<2048xf32>
    %add3A_156 = arith.addf %add3A_149, %mul3A_155 : vector<2048xf32>
    %mul3A_157 = vector.broadcast %squeeze3A_63 : f32 to vector<2048xf32>
    %mul3A_158 = arith.mulf %mul3A_157, %mul3A_25 : vector<2048xf32>
    %mul3A_159 = arith.mulf %mul3A_25, %mul3A_25 : vector<2048xf32>
    %mul3A_160 = arith.constant 3.000000e+00 : f32
    %mul3A_161 = vector.broadcast %mul3A_160 : f32 to vector<2048xf32>
    %mul3A_162 = arith.mulf %mul3A_161, %mul3A_28 : vector<2048xf32>
    %mul3A_163 = arith.mulf %mul3A_162, %mul3A_28 : vector<2048xf32>
    %sub3A_164 = arith.subf %mul3A_159, %mul3A_163 : vector<2048xf32>
    %mul3A_165 = arith.mulf %mul3A_158, %sub3A_164 : vector<2048xf32>
    %add3A_166 = arith.addf %add3A_156, %mul3A_165 : vector<2048xf32>
    %max3A = arith.constant 9.99999997E-7 : f32
    %max3A_167 = vector.broadcast %max3A : f32 to vector<2048xf32>
    %max3A_168 = arith.maximumf %sqrt3A, %max3A_167 : vector<2048xf32>
    %sqrt3A_169 = arith.constant 4.000000e-01 : f32
    %sqrt3A_170 = math.sqrt %sqrt3A_169 : f32
    %div3A_171 = vector.broadcast %sqrt3A_170 : f32 to vector<2048xf32>
    %div3A_172 = arith.divf %div3A_171, %max3A_168 : vector<2048xf32>
    %mul3A_173 = arith.constant 0.628318548 : f32
    %mul3A_174 = vector.broadcast %mul3A_173 : f32 to vector<2048xf32>
    %mul3A_175 = arith.mulf %max3A_168, %mul3A_174 : vector<2048xf32>
    %sin3A = math.sin %mul3A_175 : vector<2048xf32>
    %mul3A_176 = arith.mulf %div3A_172, %sin3A : vector<2048xf32>
    %broadcast_in_dim3A = vector.shape_cast %mul3A_176 : vector<2048xf32> to vector<2048x1xf32>
    %mul3A_177 = arith.constant 1.2566371 : f32
    %mul3A_178 = vector.broadcast %mul3A_177 : f32 to vector<2048xf32>
    %mul3A_179 = arith.mulf %max3A_168, %mul3A_178 : vector<2048xf32>
    %sin3A_180 = math.sin %mul3A_179 : vector<2048xf32>
    %mul3A_181 = arith.mulf %div3A_172, %sin3A_180 : vector<2048xf32>
    %broadcast_in_dim3A_182 = vector.shape_cast %mul3A_181 : vector<2048xf32> to vector<2048x1xf32>
    %mul3A_183 = arith.constant 1.88495564 : f32
    %mul3A_184 = vector.broadcast %mul3A_183 : f32 to vector<2048xf32>
    %mul3A_185 = arith.mulf %max3A_168, %mul3A_184 : vector<2048xf32>
    %sin3A_186 = math.sin %mul3A_185 : vector<2048xf32>
    %mul3A_187 = arith.mulf %div3A_172, %sin3A_186 : vector<2048xf32>
    %broadcast_in_dim3A_188 = vector.shape_cast %mul3A_187 : vector<2048xf32> to vector<2048x1xf32>
    %mul3A_189 = arith.constant 2.51327419 : f32
    %mul3A_190 = vector.broadcast %mul3A_189 : f32 to vector<2048xf32>
    %mul3A_191 = arith.mulf %max3A_168, %mul3A_190 : vector<2048xf32>
    %sin3A_192 = math.sin %mul3A_191 : vector<2048xf32>
    %mul3A_193 = arith.mulf %div3A_172, %sin3A_192 : vector<2048xf32>
    %broadcast_in_dim3A_194 = vector.shape_cast %mul3A_193 : vector<2048xf32> to vector<2048x1xf32>
    %mul3A_195 = arith.constant 3.14159274 : f32
    %mul3A_196 = vector.broadcast %mul3A_195 : f32 to vector<2048xf32>
    %mul3A_197 = arith.mulf %max3A_168, %mul3A_196 : vector<2048xf32>
    %sin3A_198 = math.sin %mul3A_197 : vector<2048xf32>
    %mul3A_199 = arith.mulf %div3A_172, %sin3A_198 : vector<2048xf32>
    %broadcast_in_dim3A_200 = vector.shape_cast %mul3A_199 : vector<2048xf32> to vector<2048x1xf32>
    %mul3A_201 = arith.constant 3.76991129 : f32
    %mul3A_202 = vector.broadcast %mul3A_201 : f32 to vector<2048xf32>
    %mul3A_203 = arith.mulf %max3A_168, %mul3A_202 : vector<2048xf32>
    %sin3A_204 = math.sin %mul3A_203 : vector<2048xf32>
    %mul3A_205 = arith.mulf %div3A_172, %sin3A_204 : vector<2048xf32>
    %broadcast_in_dim3A_206 = vector.shape_cast %mul3A_205 : vector<2048xf32> to vector<2048x1xf32>
    %mul3A_207 = arith.constant 4.3982296 : f32
    %mul3A_208 = vector.broadcast %mul3A_207 : f32 to vector<2048xf32>
    %mul3A_209 = arith.mulf %max3A_168, %mul3A_208 : vector<2048xf32>
    %sin3A_210 = math.sin %mul3A_209 : vector<2048xf32>
    %mul3A_211 = arith.mulf %div3A_172, %sin3A_210 : vector<2048xf32>
    %broadcast_in_dim3A_212 = vector.shape_cast %mul3A_211 : vector<2048xf32> to vector<2048x1xf32>
    %mul3A_213 = arith.constant 5.02654839 : f32
    %mul3A_214 = vector.broadcast %mul3A_213 : f32 to vector<2048xf32>
    %mul3A_215 = arith.mulf %max3A_168, %mul3A_214 : vector<2048xf32>
    %sin3A_216 = math.sin %mul3A_215 : vector<2048xf32>
    %mul3A_217 = arith.mulf %div3A_172, %sin3A_216 : vector<2048xf32>
    %broadcast_in_dim3A_218 = vector.shape_cast %mul3A_217 : vector<2048xf32> to vector<2048x1xf32>
    %concatenate3A = tpu.concatenate %broadcast_in_dim3A, %broadcast_in_dim3A_182, %broadcast_in_dim3A_188, %broadcast_in_dim3A_194, %broadcast_in_dim3A_200, %broadcast_in_dim3A_206, %broadcast_in_dim3A_212, %broadcast_in_dim3A_218 in 1 : vector<2048x1xf32>, vector<2048x1xf32>, vector<2048x1xf32>, vector<2048x1xf32>, vector<2048x1xf32>, vector<2048x1xf32>, vector<2048x1xf32>, vector<2048x1xf32> -> vector<2048x8xf32>
    %div3A_219 = arith.constant 5.000000e+00 : f32
    %div3A_220 = vector.broadcast %div3A_219 : f32 to vector<2048xf32>
    %div3A_221 = arith.divf %sqrt3A, %div3A_220 : vector<2048xf32>
    %jit3A = arith.constant 0.000000e+00 : f32
    %jit3A_222 = arith.constant 1.000000e+00 : f32
    %max3A_223 = vector.broadcast %jit3A : f32 to vector<2048xf32>
    %max3A_224 = arith.maximumf %max3A_223, %div3A_221 : vector<2048xf32>
    %min3A = vector.broadcast %jit3A_222 : f32 to vector<2048xf32>
    %min3A_225 = arith.minimumf %min3A, %max3A_224 : vector<2048xf32>
    %mul3A_226 = arith.mulf %min3A_225, %min3A_225 : vector<2048xf32>
    %mul3A_227 = arith.mulf %mul3A_226, %mul3A_226 : vector<2048xf32>
    %mul3A_228 = arith.mulf %mul3A_227, %min3A_225 : vector<2048xf32>
    %mul3A_229 = arith.mulf %mul3A_228, %min3A_225 : vector<2048xf32>
    %mul3A_230 = arith.mulf %mul3A_229, %min3A_225 : vector<2048xf32>
    %mul3A_231 = arith.constant 2.100000e+01 : f32
    %mul3A_232 = vector.broadcast %mul3A_231 : f32 to vector<2048xf32>
    %mul3A_233 = arith.mulf %mul3A_232, %mul3A_228 : vector<2048xf32>
    %sub3A_234 = arith.constant 1.000000e+00 : f32
    %sub3A_235 = vector.broadcast %sub3A_234 : f32 to vector<2048xf32>
    %sub3A_236 = arith.subf %sub3A_235, %mul3A_233 : vector<2048xf32>
    %mul3A_237 = arith.constant 3.500000e+01 : f32
    %mul3A_238 = vector.broadcast %mul3A_237 : f32 to vector<2048xf32>
    %mul3A_239 = arith.mulf %mul3A_238, %mul3A_229 : vector<2048xf32>
    %add3A_240 = arith.addf %sub3A_236, %mul3A_239 : vector<2048xf32>
    %mul3A_241 = arith.constant 1.500000e+01 : f32
    %mul3A_242 = vector.broadcast %mul3A_241 : f32 to vector<2048xf32>
    %mul3A_243 = arith.mulf %mul3A_242, %mul3A_230 : vector<2048xf32>
    %sub3A_244 = arith.subf %add3A_240, %mul3A_243 : vector<2048xf32>
    %broadcast_in_dim3A_245 = vector.shape_cast %sub3A_244 : vector<2048xf32> to vector<2048x1xf32>
    %mul3A_246 = vector.broadcast %broadcast_in_dim3A_245 : vector<2048x1xf32> to vector<2048x8xf32>
    %mul3A_247 = arith.mulf %concatenate3A, %mul3A_246 : vector<2048x8xf32>
    %dot_general3A = arith.constant dense<0.000000e+00> : vector<2048x64xf32>
    %dot_general3A_248 = tpu.matmul %mul3A_247, %get3A_10, %dot_general3A {dimension_numbers = #tpu.dot_dimension_numbers<[1], [0], [0], [1], [0, 0, 1, 1], [], []>, transpose_lhs_hint = false} : vector<2048x8xf32>, vector<8x64xf32>, vector<2048x64xf32> -> vector<2048x64xf32>
    %logistic3A = arith.negf %dot_general3A_248 : vector<2048x64xf32>
    %logistic3A_249 = math.exp %logistic3A : vector<2048x64xf32>
    %logistic3A_250 = arith.constant 1.000000e+00 : f32
    %logistic3A_251 = vector.broadcast %logistic3A_250 : f32 to vector<2048x64xf32>
    %logistic3A_252 = arith.addf %logistic3A_251, %logistic3A_249 : vector<2048x64xf32>
    %logistic3A_253 = arith.divf %logistic3A_251, %logistic3A_252 : vector<2048x64xf32>
    %mul3A_254 = arith.mulf %dot_general3A_248, %logistic3A_253 : vector<2048x64xf32>
    %dot_general3A_255 = arith.constant dense<0.000000e+00> : vector<2048x128xf32>
    %dot_general3A_256 = tpu.matmul %mul3A_254, %get3A_13, %dot_general3A_255 {dimension_numbers = #tpu.dot_dimension_numbers<[1], [0], [0], [1], [0, 0, 1, 1], [], []>, transpose_lhs_hint = false} : vector<2048x64xf32>, vector<64x128xf32>, vector<2048x128xf32> -> vector<2048x128xf32>
    %mul3A_257 = arith.constant 2048 : i32
    %mul3A_258 = arith.muli %arg0, %mul3A_257 : i32
    %iota3A = tpu.iota {dimensions = array<i32: 1>} : vector<1x2048xi32>
    %iota3A_259 = vector.shape_cast %iota3A : vector<1x2048xi32> to vector<2048xi32>
    %add3A_260 = vector.broadcast %mul3A_258 : i32 to vector<2048xi32>
    %add3A_261 = arith.addi %add3A_260, %iota3A_259 : vector<2048xi32>
    %lt3A = arith.constant 320000 : i32
    %lt3A_262 = vector.broadcast %lt3A : i32 to vector<2048xi32>
    %lt3A_263 = arith.cmpi slt, %add3A_261, %lt3A_262 : vector<2048xi32>
    %convert_element_type3A = arith.extui %lt3A_263 : vector<2048xi1> to vector<2048xi32>
    %convert_element_type3A_264 = arith.sitofp %convert_element_type3A : vector<2048xi32> to vector<2048xf32>
    %mul3A_265 = arith.mulf %add3A_166, %convert_element_type3A_264 : vector<2048xf32>
    %broadcast_in_dim3A_266 = vector.shape_cast %mul3A_265 : vector<2048xf32> to vector<2048x1xf32>
    %mul3A_267 = vector.broadcast %broadcast_in_dim3A_266 : vector<2048x1xf32> to vector<2048x128xf32>
    %mul3A_268 = arith.mulf %dot_general3A_256, %mul3A_267 : vector<2048x128xf32>
    %slice3A_269 = vector.extract_strided_slice %get3A_1 {offsets = [0, 3], sizes = [2048, 1], strides = [1, 1]} : vector<2048x4xf32> to vector<2048x1xf32>
    %squeeze3A_270 = vector.shape_cast %slice3A_269 : vector<2048x1xf32> to vector<2048xf32>
    %broadcast_in_dim3A_271 = vector.shape_cast %squeeze3A_270 : vector<2048xf32> to vector<2048x1xf32>
    %iota3A_272 = tpu.iota {dimensions = array<i32: 1>} : vector<2048x4xi32>
    %convert_element_type3A_273 = arith.sitofp %iota3A_272 : vector<2048x4xi32> to vector<2048x4xf32>
    %eq3A = vector.broadcast %broadcast_in_dim3A_271 : vector<2048x1xf32> to vector<2048x4xf32>
    %eq3A_274 = arith.cmpf oeq, %eq3A, %convert_element_type3A_273 : vector<2048x4xf32>
    %convert_element_type3A_275 = arith.extui %eq3A_274 : vector<2048x4xi1> to vector<2048x4xi32>
    %convert_element_type3A_276 = arith.sitofp %convert_element_type3A_275 : vector<2048x4xi32> to vector<2048x4xf32>
    %get3A_277 = arith.constant 0 : index
    %get3A_278 = arith.constant 0 : index
    %get3A_279 = vector.load %arg7[%get3A_277, %get3A_278] : memref<4x128xf32, #tpu.memory_space<vmem>>, vector<4x128xf32>
    %dot_general3A_280 = arith.constant dense<0.000000e+00> : vector<2048x128xf32>
    %dot_general3A_281 = tpu.matmul %convert_element_type3A_276, %get3A_279, %dot_general3A_280 {dimension_numbers = #tpu.dot_dimension_numbers<[1], [0], [0], [1], [0, 0, 1, 1], [], []>, transpose_lhs_hint = false} : vector<2048x4xf32>, vector<4x128xf32>, vector<2048x128xf32> -> vector<2048x128xf32>
    %mul3A_282 = arith.mulf %dot_general3A_281, %mul3A_268 : vector<2048x128xf32>
    %swap3A = arith.constant 0 : index
    %swap3A_283 = arith.constant 0 : index
    %swap3A_284 = vector.load %arg8[%swap3A, %swap3A_283] : memref<2048x128xf32, #tpu.memory_space<vmem>>, vector<2048x128xf32>
    tpu.vector_store %arg8[%swap3A, %swap3A_283], %mul3A_282 {strides = array<i32>} : memref<2048x128xf32, #tpu.memory_space<vmem>>, vector<2048x128xf32>,
    return
  }
  func.func @transform_0(%arg0: i32) -> (i32, i32) {
    %c0_i32 = arith.constant 0 : i32
    %c0_i32_0 = arith.constant 0 : i32
    return %arg0, %c0_i32 : i32, i32
  }
  func.func @transform_1(%arg0: i32) -> (i32, i32) {
    %c0_i32 = arith.constant 0 : i32
    %c0_i32_0 = arith.constant 0 : i32
    return %arg0, %c0_i32 : i32, i32
  }
  func.func @transform_2(%arg0: i32) -> (i32, i32) {
    %c0_i32 = arith.constant 0 : i32
    %c0_i32_0 = arith.constant 0 : i32
    return %arg0, %c0_i32 : i32, i32
  }
  func.func @transform_3(%arg0: i32) -> (i32, i32) {
    %c0_i32 = arith.constant 0 : i32
    %c0_i32_0 = arith.constant 0 : i32
    %c0_i32_1 = arith.constant 0 : i32
    return %c0_i32, %c0_i32_0 : i32, i32
  }
  func.func @transform_4(%arg0: i32) -> (i32, i32) {
    %c0_i32 = arith.constant 0 : i32
    %c0_i32_0 = arith.constant 0 : i32
    %c0_i32_1 = arith.constant 0 : i32
    return %c0_i32, %c0_i32_0 : i32, i32
  }
  func.func @transform_5(%arg0: i32) -> (i32, i32) {
    %c0_i32 = arith.constant 0 : i32
    %c0_i32_0 = arith.constant 0 : i32
    %c0_i32_1 = arith.constant 0 : i32
    return %c0_i32, %c0_i32_0 : i32, i32
  }
  func.func @transform_6(%arg0: i32) -> (i32, i32) {
    %c0_i32 = arith.constant 0 : i32
    %c0_i32_0 = arith.constant 0 : i32
    %c0_i32_1 = arith.constant 0 : i32
    return %c0_i32, %c0_i32_0 : i32, i32
  }
  func.func @transform_7(%arg0: i32) -> (i32, i32) {
    %c0_i32 = arith.constant 0 : i32
    %c0_i32_0 = arith.constant 0 : i32
    return %arg0, %c0_i32 : i32, i32
  }
}

module attributes {stable_mosaic.version = 14 : i64} {
  func.func @_edge_tc1_body(%arg0: i32, %arg1: memref<2048x4xf32, #tpu.memory_space<vmem>>, %arg2: memref<2048x4xf32, #tpu.memory_space<vmem>>, %arg3: memref<2048x3xf32, #tpu.memory_space<vmem>>, %arg4: memref<8x64xf32, #tpu.memory_space<vmem>>, %arg5: memref<64x128xf32, #tpu.memory_space<vmem>>, %arg6: memref<1x16xf32, #tpu.memory_space<vmem>>, %arg7: memref<2048x128xf32, #tpu.memory_space<vmem>>) attributes {dimension_semantics = [#tpu.dimension_semantics<arbitrary>], iteration_bounds = array<i64: 160>, scalar_prefetch = 0 : i64, scratch_operands = 0 : i64, tpu.core_type = #tpu.core_type<tc>, window_params = [{transform_indices = @transform_0, window_bounds = array<i64: 2048, 4>}, {transform_indices = @transform_1, window_bounds = array<i64: 2048, 4>}, {transform_indices = @transform_2, window_bounds = array<i64: 2048, 3>}, {pipeline_mode = #tpu.pipeline_mode<synchronous>, transform_indices = @transform_3, window_bounds = array<i64: 8, 64>}, {pipeline_mode = #tpu.pipeline_mode<synchronous>, transform_indices = @transform_4, window_bounds = array<i64: 64, 128>}, {pipeline_mode = #tpu.pipeline_mode<synchronous>, transform_indices = @transform_5, window_bounds = array<i64: 1, 16>}, {transform_indices = @transform_6, window_bounds = array<i64: 2048, 128>}]} {
    %get3A = arith.constant 0 : index
    %get3A_0 = arith.constant 0 : index
    %get3A_1 = vector.load %arg1[%get3A, %get3A_0] : memref<2048x4xf32, #tpu.memory_space<vmem>>, vector<2048x4xf32>
    %get3A_2 = arith.constant 0 : index
    %get3A_3 = arith.constant 0 : index
    %get3A_4 = vector.load %arg2[%get3A_2, %get3A_3] : memref<2048x4xf32, #tpu.memory_space<vmem>>, vector<2048x4xf32>
    %get3A_5 = arith.constant 0 : index
    %get3A_6 = arith.constant 0 : index
    %get3A_7 = vector.load %arg3[%get3A_5, %get3A_6] : memref<2048x3xf32, #tpu.memory_space<vmem>>, vector<2048x3xf32>
    %get3A_8 = arith.constant 0 : index
    %get3A_9 = arith.constant 0 : index
    %get3A_10 = vector.load %arg4[%get3A_8, %get3A_9] : memref<8x64xf32, #tpu.memory_space<vmem>>, vector<8x64xf32>
    %get3A_11 = arith.constant 0 : index
    %get3A_12 = arith.constant 0 : index
    %get3A_13 = vector.load %arg5[%get3A_11, %get3A_12] : memref<64x128xf32, #tpu.memory_space<vmem>>, vector<64x128xf32>
    %get3A_14 = arith.constant 0 : index
    %get3A_15 = arith.constant 0 : index
    %get3A_16 = vector.load %arg6[%get3A_14, %get3A_15] : memref<1x16xf32, #tpu.memory_space<vmem>>, vector<1x16xf32>
    %slice3A = vector.extract_strided_slice %get3A_4 {offsets = [0, 0], sizes = [2048, 3], strides = [1, 1]} : vector<2048x4xf32> to vector<2048x3xf32>
    %slice3A_17 = vector.extract_strided_slice %get3A_1 {offsets = [0, 0], sizes = [2048, 3], strides = [1, 1]} : vector<2048x4xf32> to vector<2048x3xf32>
    %sub3A = arith.subf %slice3A, %slice3A_17 : vector<2048x3xf32>
    %add3A = arith.addf %sub3A, %get3A_7 : vector<2048x3xf32>
    %mul3A = arith.mulf %add3A, %add3A : vector<2048x3xf32>
    %reduce_sum3A = arith.constant dense<0.000000e+00> : vector<2048xf32>
    %reduce_sum3A_18 = vector.multi_reduction <add>, %mul3A, %reduce_sum3A [1] : vector<2048x3xf32> to vector<2048xf32>
    %add3A_19 = arith.constant 9.99999996E-13 : f32
    %add3A_20 = vector.broadcast %add3A_19 : f32 to vector<2048xf32>
    %add3A_21 = arith.addf %reduce_sum3A_18, %add3A_20 : vector<2048xf32>
    %sqrt3A = math.sqrt %add3A_21 : vector<2048xf32>
    %div3A = arith.constant 1.000000e+00 : f32
    %div3A_22 = vector.broadcast %div3A : f32 to vector<2048xf32>
    %div3A_23 = arith.divf %div3A_22, %sqrt3A : vector<2048xf32>
    %slice3A_24 = vector.extract_strided_slice %add3A {offsets = [0, 0], sizes = [2048, 1], strides = [1, 1]} : vector<2048x3xf32> to vector<2048x1xf32>
    %squeeze3A = vector.shape_cast %slice3A_24 : vector<2048x1xf32> to vector<2048xf32>
    %mul3A_25 = arith.mulf %squeeze3A, %div3A_23 : vector<2048xf32>
    %slice3A_26 = vector.extract_strided_slice %add3A {offsets = [0, 1], sizes = [2048, 1], strides = [1, 1]} : vector<2048x3xf32> to vector<2048x1xf32>
    %squeeze3A_27 = vector.shape_cast %slice3A_26 : vector<2048x1xf32> to vector<2048xf32>
    %mul3A_28 = arith.mulf %squeeze3A_27, %div3A_23 : vector<2048xf32>
    %slice3A_29 = vector.extract_strided_slice %add3A {offsets = [0, 2], sizes = [2048, 1], strides = [1, 1]} : vector<2048x3xf32> to vector<2048x1xf32>
    %squeeze3A_30 = vector.shape_cast %slice3A_29 : vector<2048x1xf32> to vector<2048xf32>
    %mul3A_31 = arith.mulf %squeeze3A_30, %div3A_23 : vector<2048xf32>
    %slice3A_32 = vector.extract_strided_slice %get3A_16 {offsets = [0, 0], sizes = [1, 1], strides = [1, 1]} : vector<1x16xf32> to vector<1x1xf32>
    %squeeze3A_33 = vector.extract %slice3A_32[0, 0] : f32 from vector<1x1xf32>
    %slice3A_34 = vector.extract_strided_slice %get3A_16 {offsets = [0, 1], sizes = [1, 1], strides = [1, 1]} : vector<1x16xf32> to vector<1x1xf32>
    %squeeze3A_35 = vector.extract %slice3A_34[0, 0] : f32 from vector<1x1xf32>
    %slice3A_36 = vector.extract_strided_slice %get3A_16 {offsets = [0, 2], sizes = [1, 1], strides = [1, 1]} : vector<1x16xf32> to vector<1x1xf32>
    %squeeze3A_37 = vector.extract %slice3A_36[0, 0] : f32 from vector<1x1xf32>
    %slice3A_38 = vector.extract_strided_slice %get3A_16 {offsets = [0, 3], sizes = [1, 1], strides = [1, 1]} : vector<1x16xf32> to vector<1x1xf32>
    %squeeze3A_39 = vector.extract %slice3A_38[0, 0] : f32 from vector<1x1xf32>
    %slice3A_40 = vector.extract_strided_slice %get3A_16 {offsets = [0, 4], sizes = [1, 1], strides = [1, 1]} : vector<1x16xf32> to vector<1x1xf32>
    %squeeze3A_41 = vector.extract %slice3A_40[0, 0] : f32 from vector<1x1xf32>
    %slice3A_42 = vector.extract_strided_slice %get3A_16 {offsets = [0, 5], sizes = [1, 1], strides = [1, 1]} : vector<1x16xf32> to vector<1x1xf32>
    %squeeze3A_43 = vector.extract %slice3A_42[0, 0] : f32 from vector<1x1xf32>
    %slice3A_44 = vector.extract_strided_slice %get3A_16 {offsets = [0, 6], sizes = [1, 1], strides = [1, 1]} : vector<1x16xf32> to vector<1x1xf32>
    %squeeze3A_45 = vector.extract %slice3A_44[0, 0] : f32 from vector<1x1xf32>
    %slice3A_46 = vector.extract_strided_slice %get3A_16 {offsets = [0, 7], sizes = [1, 1], strides = [1, 1]} : vector<1x16xf32> to vector<1x1xf32>
    %squeeze3A_47 = vector.extract %slice3A_46[0, 0] : f32 from vector<1x1xf32>
    %slice3A_48 = vector.extract_strided_slice %get3A_16 {offsets = [0, 8], sizes = [1, 1], strides = [1, 1]} : vector<1x16xf32> to vector<1x1xf32>
    %squeeze3A_49 = vector.extract %slice3A_48[0, 0] : f32 from vector<1x1xf32>
    %slice3A_50 = vector.extract_strided_slice %get3A_16 {offsets = [0, 9], sizes = [1, 1], strides = [1, 1]} : vector<1x16xf32> to vector<1x1xf32>
    %squeeze3A_51 = vector.extract %slice3A_50[0, 0] : f32 from vector<1x1xf32>
    %slice3A_52 = vector.extract_strided_slice %get3A_16 {offsets = [0, 10], sizes = [1, 1], strides = [1, 1]} : vector<1x16xf32> to vector<1x1xf32>
    %squeeze3A_53 = vector.extract %slice3A_52[0, 0] : f32 from vector<1x1xf32>
    %slice3A_54 = vector.extract_strided_slice %get3A_16 {offsets = [0, 11], sizes = [1, 1], strides = [1, 1]} : vector<1x16xf32> to vector<1x1xf32>
    %squeeze3A_55 = vector.extract %slice3A_54[0, 0] : f32 from vector<1x1xf32>
    %slice3A_56 = vector.extract_strided_slice %get3A_16 {offsets = [0, 12], sizes = [1, 1], strides = [1, 1]} : vector<1x16xf32> to vector<1x1xf32>
    %squeeze3A_57 = vector.extract %slice3A_56[0, 0] : f32 from vector<1x1xf32>
    %slice3A_58 = vector.extract_strided_slice %get3A_16 {offsets = [0, 13], sizes = [1, 1], strides = [1, 1]} : vector<1x16xf32> to vector<1x1xf32>
    %squeeze3A_59 = vector.extract %slice3A_58[0, 0] : f32 from vector<1x1xf32>
    %slice3A_60 = vector.extract_strided_slice %get3A_16 {offsets = [0, 14], sizes = [1, 1], strides = [1, 1]} : vector<1x16xf32> to vector<1x1xf32>
    %squeeze3A_61 = vector.extract %slice3A_60[0, 0] : f32 from vector<1x1xf32>
    %slice3A_62 = vector.extract_strided_slice %get3A_16 {offsets = [0, 15], sizes = [1, 1], strides = [1, 1]} : vector<1x16xf32> to vector<1x1xf32>
    %squeeze3A_63 = vector.extract %slice3A_62[0, 0] : f32 from vector<1x1xf32>
    %mul3A_64 = vector.broadcast %squeeze3A_35 : f32 to vector<2048xf32>
    %mul3A_65 = arith.mulf %mul3A_64, %mul3A_25 : vector<2048xf32>
    %add3A_66 = vector.broadcast %squeeze3A_33 : f32 to vector<2048xf32>
    %add3A_67 = arith.addf %add3A_66, %mul3A_65 : vector<2048xf32>
    %mul3A_68 = vector.broadcast %squeeze3A_37 : f32 to vector<2048xf32>
    %mul3A_69 = arith.mulf %mul3A_68, %mul3A_28 : vector<2048xf32>
    %add3A_70 = arith.addf %add3A_67, %mul3A_69 : vector<2048xf32>
    %mul3A_71 = vector.broadcast %squeeze3A_39 : f32 to vector<2048xf32>
    %mul3A_72 = arith.mulf %mul3A_71, %mul3A_31 : vector<2048xf32>
    %add3A_73 = arith.addf %add3A_70, %mul3A_72 : vector<2048xf32>
    %mul3A_74 = vector.broadcast %squeeze3A_41 : f32 to vector<2048xf32>
    %mul3A_75 = arith.mulf %mul3A_74, %mul3A_25 : vector<2048xf32>
    %mul3A_76 = arith.mulf %mul3A_75, %mul3A_28 : vector<2048xf32>
    %add3A_77 = arith.addf %add3A_73, %mul3A_76 : vector<2048xf32>
    %mul3A_78 = vector.broadcast %squeeze3A_43 : f32 to vector<2048xf32>
    %mul3A_79 = arith.mulf %mul3A_78, %mul3A_28 : vector<2048xf32>
    %mul3A_80 = arith.mulf %mul3A_79, %mul3A_31 : vector<2048xf32>
    %add3A_81 = arith.addf %add3A_77, %mul3A_80 : vector<2048xf32>
    %mul3A_82 = arith.constant 3.000000e+00 : f32
    %mul3A_83 = vector.broadcast %mul3A_82 : f32 to vector<2048xf32>
    %mul3A_84 = arith.mulf %mul3A_83, %mul3A_31 : vector<2048xf32>
    %mul3A_85 = arith.mulf %mul3A_84, %mul3A_31 : vector<2048xf32>
    %sub3A_86 = arith.constant 1.000000e+00 : f32
    %sub3A_87 = vector.broadcast %sub3A_86 : f32 to vector<2048xf32>
    %sub3A_88 = arith.subf %mul3A_85, %sub3A_87 : vector<2048xf32>
    %mul3A_89 = vector.broadcast %squeeze3A_45 : f32 to vector<2048xf32>
    %mul3A_90 = arith.mulf %mul3A_89, %sub3A_88 : vector<2048xf32>
    %add3A_91 = arith.addf %add3A_81, %mul3A_90 : vector<2048xf32>
    %mul3A_92 = vector.broadcast %squeeze3A_47 : f32 to vector<2048xf32>
    %mul3A_93 = arith.mulf %mul3A_92, %mul3A_25 : vector<2048xf32>
    %mul3A_94 = arith.mulf %mul3A_93, %mul3A_31 : vector<2048xf32>
    %add3A_95 = arith.addf %add3A_91, %mul3A_94 : vector<2048xf32>
    %mul3A_96 = arith.mulf %mul3A_25, %mul3A_25 : vector<2048xf32>
    %mul3A_97 = arith.mulf %mul3A_28, %mul3A_28 : vector<2048xf32>
    %sub3A_98 = arith.subf %mul3A_96, %mul3A_97 : vector<2048xf32>
    %mul3A_99 = vector.broadcast %squeeze3A_49 : f32 to vector<2048xf32>
    %mul3A_100 = arith.mulf %mul3A_99, %sub3A_98 : vector<2048xf32>
    %add3A_101 = arith.addf %add3A_95, %mul3A_100 : vector<2048xf32>
    %mul3A_102 = vector.broadcast %squeeze3A_51 : f32 to vector<2048xf32>
    %mul3A_103 = arith.mulf %mul3A_102, %mul3A_28 : vector<2048xf32>
    %mul3A_104 = arith.constant 3.000000e+00 : f32
    %mul3A_105 = vector.broadcast %mul3A_104 : f32 to vector<2048xf32>
    %mul3A_106 = arith.mulf %mul3A_105, %mul3A_25 : vector<2048xf32>
    %mul3A_107 = arith.mulf %mul3A_106, %mul3A_25 : vector<2048xf32>
    %mul3A_108 = arith.mulf %mul3A_28, %mul3A_28 : vector<2048xf32>
    %sub3A_109 = arith.subf %mul3A_107, %mul3A_108 : vector<2048xf32>
    %mul3A_110 = arith.mulf %mul3A_103, %sub3A_109 : vector<2048xf32>
    %add3A_111 = arith.addf %add3A_101, %mul3A_110 : vector<2048xf32>
    %mul3A_112 = vector.broadcast %squeeze3A_53 : f32 to vector<2048xf32>
    %mul3A_113 = arith.mulf %mul3A_112, %mul3A_25 : vector<2048xf32>
    %mul3A_114 = arith.mulf %mul3A_113, %mul3A_28 : vector<2048xf32>
    %mul3A_115 = arith.mulf %mul3A_114, %mul3A_31 : vector<2048xf32>
    %add3A_116 = arith.addf %add3A_111, %mul3A_115 : vector<2048xf32>
    %mul3A_117 = vector.broadcast %squeeze3A_55 : f32 to vector<2048xf32>
    %mul3A_118 = arith.mulf %mul3A_117, %mul3A_28 : vector<2048xf32>
    %mul3A_119 = arith.constant 5.000000e+00 : f32
    %mul3A_120 = vector.broadcast %mul3A_119 : f32 to vector<2048xf32>
    %mul3A_121 = arith.mulf %mul3A_120, %mul3A_31 : vector<2048xf32>
    %mul3A_122 = arith.mulf %mul3A_121, %mul3A_31 : vector<2048xf32>
    %sub3A_123 = arith.constant 1.000000e+00 : f32
    %sub3A_124 = vector.broadcast %sub3A_123 : f32 to vector<2048xf32>
    %sub3A_125 = arith.subf %mul3A_122, %sub3A_124 : vector<2048xf32>
    %mul3A_126 = arith.mulf %mul3A_118, %sub3A_125 : vector<2048xf32>
    %add3A_127 = arith.addf %add3A_116, %mul3A_126 : vector<2048xf32>
    %mul3A_128 = vector.broadcast %squeeze3A_57 : f32 to vector<2048xf32>
    %mul3A_129 = arith.mulf %mul3A_128, %mul3A_31 : vector<2048xf32>
    %mul3A_130 = arith.constant 5.000000e+00 : f32
    %mul3A_131 = vector.broadcast %mul3A_130 : f32 to vector<2048xf32>
    %mul3A_132 = arith.mulf %mul3A_131, %mul3A_31 : vector<2048xf32>
    %mul3A_133 = arith.mulf %mul3A_132, %mul3A_31 : vector<2048xf32>
    %sub3A_134 = arith.constant 3.000000e+00 : f32
    %sub3A_135 = vector.broadcast %sub3A_134 : f32 to vector<2048xf32>
    %sub3A_136 = arith.subf %mul3A_133, %sub3A_135 : vector<2048xf32>
    %mul3A_137 = arith.mulf %mul3A_129, %sub3A_136 : vector<2048xf32>
    %add3A_138 = arith.addf %add3A_127, %mul3A_137 : vector<2048xf32>
    %mul3A_139 = vector.broadcast %squeeze3A_59 : f32 to vector<2048xf32>
    %mul3A_140 = arith.mulf %mul3A_139, %mul3A_25 : vector<2048xf32>
    %mul3A_141 = arith.constant 5.000000e+00 : f32
    %mul3A_142 = vector.broadcast %mul3A_141 : f32 to vector<2048xf32>
    %mul3A_143 = arith.mulf %mul3A_142, %mul3A_31 : vector<2048xf32>
    %mul3A_144 = arith.mulf %mul3A_143, %mul3A_31 : vector<2048xf32>
    %sub3A_145 = arith.constant 1.000000e+00 : f32
    %sub3A_146 = vector.broadcast %sub3A_145 : f32 to vector<2048xf32>
    %sub3A_147 = arith.subf %mul3A_144, %sub3A_146 : vector<2048xf32>
    %mul3A_148 = arith.mulf %mul3A_140, %sub3A_147 : vector<2048xf32>
    %add3A_149 = arith.addf %add3A_138, %mul3A_148 : vector<2048xf32>
    %mul3A_150 = vector.broadcast %squeeze3A_61 : f32 to vector<2048xf32>
    %mul3A_151 = arith.mulf %mul3A_150, %mul3A_31 : vector<2048xf32>
    %mul3A_152 = arith.mulf %mul3A_25, %mul3A_25 : vector<2048xf32>
    %mul3A_153 = arith.mulf %mul3A_28, %mul3A_28 : vector<2048xf32>
    %sub3A_154 = arith.subf %mul3A_152, %mul3A_153 : vector<2048xf32>
    %mul3A_155 = arith.mulf %mul3A_151, %sub3A_154 : vector<2048xf32>
    %add3A_156 = arith.addf %add3A_149, %mul3A_155 : vector<2048xf32>
    %mul3A_157 = vector.broadcast %squeeze3A_63 : f32 to vector<2048xf32>
    %mul3A_158 = arith.mulf %mul3A_157, %mul3A_25 : vector<2048xf32>
    %mul3A_159 = arith.mulf %mul3A_25, %mul3A_25 : vector<2048xf32>
    %mul3A_160 = arith.constant 3.000000e+00 : f32
    %mul3A_161 = vector.broadcast %mul3A_160 : f32 to vector<2048xf32>
    %mul3A_162 = arith.mulf %mul3A_161, %mul3A_28 : vector<2048xf32>
    %mul3A_163 = arith.mulf %mul3A_162, %mul3A_28 : vector<2048xf32>
    %sub3A_164 = arith.subf %mul3A_159, %mul3A_163 : vector<2048xf32>
    %mul3A_165 = arith.mulf %mul3A_158, %sub3A_164 : vector<2048xf32>
    %add3A_166 = arith.addf %add3A_156, %mul3A_165 : vector<2048xf32>
    %max3A = arith.constant 9.99999997E-7 : f32
    %max3A_167 = vector.broadcast %max3A : f32 to vector<2048xf32>
    %max3A_168 = arith.maximumf %sqrt3A, %max3A_167 : vector<2048xf32>
    %sqrt3A_169 = arith.constant 4.000000e-01 : f32
    %sqrt3A_170 = math.sqrt %sqrt3A_169 : f32
    %div3A_171 = vector.broadcast %sqrt3A_170 : f32 to vector<2048xf32>
    %div3A_172 = arith.divf %div3A_171, %max3A_168 : vector<2048xf32>
    %mul3A_173 = arith.constant 0.628318548 : f32
    %mul3A_174 = vector.broadcast %mul3A_173 : f32 to vector<2048xf32>
    %mul3A_175 = arith.mulf %max3A_168, %mul3A_174 : vector<2048xf32>
    %sin3A = math.sin %mul3A_175 : vector<2048xf32>
    %mul3A_176 = arith.mulf %div3A_172, %sin3A : vector<2048xf32>
    %broadcast_in_dim3A = vector.shape_cast %mul3A_176 : vector<2048xf32> to vector<2048x1xf32>
    %mul3A_177 = arith.constant 1.2566371 : f32
    %mul3A_178 = vector.broadcast %mul3A_177 : f32 to vector<2048xf32>
    %mul3A_179 = arith.mulf %max3A_168, %mul3A_178 : vector<2048xf32>
    %sin3A_180 = math.sin %mul3A_179 : vector<2048xf32>
    %mul3A_181 = arith.mulf %div3A_172, %sin3A_180 : vector<2048xf32>
    %broadcast_in_dim3A_182 = vector.shape_cast %mul3A_181 : vector<2048xf32> to vector<2048x1xf32>
    %mul3A_183 = arith.constant 1.88495564 : f32
    %mul3A_184 = vector.broadcast %mul3A_183 : f32 to vector<2048xf32>
    %mul3A_185 = arith.mulf %max3A_168, %mul3A_184 : vector<2048xf32>
    %sin3A_186 = math.sin %mul3A_185 : vector<2048xf32>
    %mul3A_187 = arith.mulf %div3A_172, %sin3A_186 : vector<2048xf32>
    %broadcast_in_dim3A_188 = vector.shape_cast %mul3A_187 : vector<2048xf32> to vector<2048x1xf32>
    %mul3A_189 = arith.constant 2.51327419 : f32
    %mul3A_190 = vector.broadcast %mul3A_189 : f32 to vector<2048xf32>
    %mul3A_191 = arith.mulf %max3A_168, %mul3A_190 : vector<2048xf32>
    %sin3A_192 = math.sin %mul3A_191 : vector<2048xf32>
    %mul3A_193 = arith.mulf %div3A_172, %sin3A_192 : vector<2048xf32>
    %broadcast_in_dim3A_194 = vector.shape_cast %mul3A_193 : vector<2048xf32> to vector<2048x1xf32>
    %mul3A_195 = arith.constant 3.14159274 : f32
    %mul3A_196 = vector.broadcast %mul3A_195 : f32 to vector<2048xf32>
    %mul3A_197 = arith.mulf %max3A_168, %mul3A_196 : vector<2048xf32>
    %sin3A_198 = math.sin %mul3A_197 : vector<2048xf32>
    %mul3A_199 = arith.mulf %div3A_172, %sin3A_198 : vector<2048xf32>
    %broadcast_in_dim3A_200 = vector.shape_cast %mul3A_199 : vector<2048xf32> to vector<2048x1xf32>
    %mul3A_201 = arith.constant 3.76991129 : f32
    %mul3A_202 = vector.broadcast %mul3A_201 : f32 to vector<2048xf32>
    %mul3A_203 = arith.mulf %max3A_168, %mul3A_202 : vector<2048xf32>
    %sin3A_204 = math.sin %mul3A_203 : vector<2048xf32>
    %mul3A_205 = arith.mulf %div3A_172, %sin3A_204 : vector<2048xf32>
    %broadcast_in_dim3A_206 = vector.shape_cast %mul3A_205 : vector<2048xf32> to vector<2048x1xf32>
    %mul3A_207 = arith.constant 4.3982296 : f32
    %mul3A_208 = vector.broadcast %mul3A_207 : f32 to vector<2048xf32>
    %mul3A_209 = arith.mulf %max3A_168, %mul3A_208 : vector<2048xf32>
    %sin3A_210 = math.sin %mul3A_209 : vector<2048xf32>
    %mul3A_211 = arith.mulf %div3A_172, %sin3A_210 : vector<2048xf32>
    %broadcast_in_dim3A_212 = vector.shape_cast %mul3A_211 : vector<2048xf32> to vector<2048x1xf32>
    %mul3A_213 = arith.constant 5.02654839 : f32
    %mul3A_214 = vector.broadcast %mul3A_213 : f32 to vector<2048xf32>
    %mul3A_215 = arith.mulf %max3A_168, %mul3A_214 : vector<2048xf32>
    %sin3A_216 = math.sin %mul3A_215 : vector<2048xf32>
    %mul3A_217 = arith.mulf %div3A_172, %sin3A_216 : vector<2048xf32>
    %broadcast_in_dim3A_218 = vector.shape_cast %mul3A_217 : vector<2048xf32> to vector<2048x1xf32>
    %concatenate3A = tpu.concatenate %broadcast_in_dim3A, %broadcast_in_dim3A_182, %broadcast_in_dim3A_188, %broadcast_in_dim3A_194, %broadcast_in_dim3A_200, %broadcast_in_dim3A_206, %broadcast_in_dim3A_212, %broadcast_in_dim3A_218 in 1 : vector<2048x1xf32>, vector<2048x1xf32>, vector<2048x1xf32>, vector<2048x1xf32>, vector<2048x1xf32>, vector<2048x1xf32>, vector<2048x1xf32>, vector<2048x1xf32> -> vector<2048x8xf32>
    %div3A_219 = arith.constant 5.000000e+00 : f32
    %div3A_220 = vector.broadcast %div3A_219 : f32 to vector<2048xf32>
    %div3A_221 = arith.divf %sqrt3A, %div3A_220 : vector<2048xf32>
    %jit3A = arith.constant 0.000000e+00 : f32
    %jit3A_222 = arith.constant 1.000000e+00 : f32
    %max3A_223 = vector.broadcast %jit3A : f32 to vector<2048xf32>
    %max3A_224 = arith.maximumf %max3A_223, %div3A_221 : vector<2048xf32>
    %min3A = vector.broadcast %jit3A_222 : f32 to vector<2048xf32>
    %min3A_225 = arith.minimumf %min3A, %max3A_224 : vector<2048xf32>
    %mul3A_226 = arith.mulf %min3A_225, %min3A_225 : vector<2048xf32>
    %mul3A_227 = arith.mulf %mul3A_226, %mul3A_226 : vector<2048xf32>
    %mul3A_228 = arith.mulf %mul3A_227, %min3A_225 : vector<2048xf32>
    %mul3A_229 = arith.mulf %mul3A_228, %min3A_225 : vector<2048xf32>
    %mul3A_230 = arith.mulf %mul3A_229, %min3A_225 : vector<2048xf32>
    %mul3A_231 = arith.constant 2.100000e+01 : f32
    %mul3A_232 = vector.broadcast %mul3A_231 : f32 to vector<2048xf32>
    %mul3A_233 = arith.mulf %mul3A_232, %mul3A_228 : vector<2048xf32>
    %sub3A_234 = arith.constant 1.000000e+00 : f32
    %sub3A_235 = vector.broadcast %sub3A_234 : f32 to vector<2048xf32>
    %sub3A_236 = arith.subf %sub3A_235, %mul3A_233 : vector<2048xf32>
    %mul3A_237 = arith.constant 3.500000e+01 : f32
    %mul3A_238 = vector.broadcast %mul3A_237 : f32 to vector<2048xf32>
    %mul3A_239 = arith.mulf %mul3A_238, %mul3A_229 : vector<2048xf32>
    %add3A_240 = arith.addf %sub3A_236, %mul3A_239 : vector<2048xf32>
    %mul3A_241 = arith.constant 1.500000e+01 : f32
    %mul3A_242 = vector.broadcast %mul3A_241 : f32 to vector<2048xf32>
    %mul3A_243 = arith.mulf %mul3A_242, %mul3A_230 : vector<2048xf32>
    %sub3A_244 = arith.subf %add3A_240, %mul3A_243 : vector<2048xf32>
    %broadcast_in_dim3A_245 = vector.shape_cast %sub3A_244 : vector<2048xf32> to vector<2048x1xf32>
    %mul3A_246 = vector.broadcast %broadcast_in_dim3A_245 : vector<2048x1xf32> to vector<2048x8xf32>
    %mul3A_247 = arith.mulf %concatenate3A, %mul3A_246 : vector<2048x8xf32>
    %dot_general3A = arith.constant dense<0.000000e+00> : vector<2048x64xf32>
    %dot_general3A_248 = tpu.matmul %mul3A_247, %get3A_10, %dot_general3A {dimension_numbers = #tpu.dot_dimension_numbers<[1], [0], [0], [1], [0, 0, 1, 1], [], []>, transpose_lhs_hint = false} : vector<2048x8xf32>, vector<8x64xf32>, vector<2048x64xf32> -> vector<2048x64xf32>
    %logistic3A = arith.negf %dot_general3A_248 : vector<2048x64xf32>
    %logistic3A_249 = math.exp %logistic3A : vector<2048x64xf32>
    %logistic3A_250 = arith.constant 1.000000e+00 : f32
    %logistic3A_251 = vector.broadcast %logistic3A_250 : f32 to vector<2048x64xf32>
    %logistic3A_252 = arith.addf %logistic3A_251, %logistic3A_249 : vector<2048x64xf32>
    %logistic3A_253 = arith.divf %logistic3A_251, %logistic3A_252 : vector<2048x64xf32>
    %mul3A_254 = arith.mulf %dot_general3A_248, %logistic3A_253 : vector<2048x64xf32>
    %dot_general3A_255 = arith.constant dense<0.000000e+00> : vector<2048x128xf32>
    %dot_general3A_256 = tpu.matmul %mul3A_254, %get3A_13, %dot_general3A_255 {dimension_numbers = #tpu.dot_dimension_numbers<[1], [0], [0], [1], [0, 0, 1, 1], [], []>, transpose_lhs_hint = false} : vector<2048x64xf32>, vector<64x128xf32>, vector<2048x128xf32> -> vector<2048x128xf32>
    %mul3A_257 = arith.constant 2048 : i32
    %mul3A_258 = arith.muli %arg0, %mul3A_257 : i32
    %iota3A = tpu.iota {dimensions = array<i32: 1>} : vector<1x2048xi32>
    %iota3A_259 = vector.shape_cast %iota3A : vector<1x2048xi32> to vector<2048xi32>
    %add3A_260 = vector.broadcast %mul3A_258 : i32 to vector<2048xi32>
    %add3A_261 = arith.addi %add3A_260, %iota3A_259 : vector<2048xi32>
    %lt3A = arith.constant 320000 : i32
    %lt3A_262 = vector.broadcast %lt3A : i32 to vector<2048xi32>
    %lt3A_263 = arith.cmpi slt, %add3A_261, %lt3A_262 : vector<2048xi32>
    %convert_element_type3A = arith.extui %lt3A_263 : vector<2048xi1> to vector<2048xi32>
    %convert_element_type3A_264 = arith.sitofp %convert_element_type3A : vector<2048xi32> to vector<2048xf32>
    %mul3A_265 = arith.mulf %add3A_166, %convert_element_type3A_264 : vector<2048xf32>
    %broadcast_in_dim3A_266 = vector.shape_cast %mul3A_265 : vector<2048xf32> to vector<2048x1xf32>
    %mul3A_267 = vector.broadcast %broadcast_in_dim3A_266 : vector<2048x1xf32> to vector<2048x128xf32>
    %mul3A_268 = arith.mulf %dot_general3A_256, %mul3A_267 : vector<2048x128xf32>
    %swap3A = arith.constant 0 : index
    %swap3A_269 = arith.constant 0 : index
    %swap3A_270 = vector.load %arg7[%swap3A, %swap3A_269] : memref<2048x128xf32, #tpu.memory_space<vmem>>, vector<2048x128xf32>
    tpu.vector_store %arg7[%swap3A, %swap3A_269], %mul3A_268 {strides = array<i32>} : memref<2048x128xf32, #tpu.memory_space<vmem>>, vector<2048x128xf32>,
    return
  }
  func.func @transform_0(%arg0: i32) -> (i32, i32) {
    %c0_i32 = arith.constant 0 : i32
    %c0_i32_0 = arith.constant 0 : i32
    return %arg0, %c0_i32 : i32, i32
  }
  func.func @transform_1(%arg0: i32) -> (i32, i32) {
    %c0_i32 = arith.constant 0 : i32
    %c0_i32_0 = arith.constant 0 : i32
    return %arg0, %c0_i32 : i32, i32
  }
  func.func @transform_2(%arg0: i32) -> (i32, i32) {
    %c0_i32 = arith.constant 0 : i32
    %c0_i32_0 = arith.constant 0 : i32
    return %arg0, %c0_i32 : i32, i32
  }
  func.func @transform_3(%arg0: i32) -> (i32, i32) {
    %c0_i32 = arith.constant 0 : i32
    %c0_i32_0 = arith.constant 0 : i32
    %c0_i32_1 = arith.constant 0 : i32
    return %c0_i32, %c0_i32_0 : i32, i32
  }
  func.func @transform_4(%arg0: i32) -> (i32, i32) {
    %c0_i32 = arith.constant 0 : i32
    %c0_i32_0 = arith.constant 0 : i32
    %c0_i32_1 = arith.constant 0 : i32
    return %c0_i32, %c0_i32_0 : i32, i32
  }
  func.func @transform_5(%arg0: i32) -> (i32, i32) {
    %c0_i32 = arith.constant 0 : i32
    %c0_i32_0 = arith.constant 0 : i32
    %c0_i32_1 = arith.constant 0 : i32
    return %c0_i32, %c0_i32_0 : i32, i32
  }
  func.func @transform_6(%arg0: i32) -> (i32, i32) {
    %c0_i32 = arith.constant 0 : i32
    %c0_i32_0 = arith.constant 0 : i32
    return %arg0, %c0_i32 : i32, i32
  }
}

module attributes {stable_mosaic.version = 14 : i64} {
  func.func @_node_tc0_body(%arg0: i32, %arg1: memref<2x1000x128xf32, #tpu.memory_space<vmem>>, %arg2: memref<1000x1xi32, #tpu.memory_space<vmem>>, %arg3: memref<1000x1xi32, #tpu.memory_space<vmem>>, %arg4: memref<4x128xf32, #tpu.memory_space<vmem>>, %arg5: memref<4x128x128xf32, #tpu.memory_space<vmem>>, %arg6: memref<128x128xf32, #tpu.memory_space<vmem>>, %arg7: memref<3x4x128xf32, #tpu.memory_space<vmem>>, %arg8: memref<128x128xf32, #tpu.memory_space<vmem>>, %arg9: memref<128x1xf32, #tpu.memory_space<vmem>>, %arg10: memref<1000x128xf32, #tpu.memory_space<vmem>>, %arg11: memref<1x16xf32, #tpu.memory_space<vmem>>) attributes {dimension_semantics = [#tpu.dimension_semantics<arbitrary>], iteration_bounds = array<i64: 10>, scalar_prefetch = 0 : i64, scratch_operands = 0 : i64, tpu.core_type = #tpu.core_type<tc>, window_params = [{transform_indices = @transform_0, window_bounds = array<i64: 2, 1000, 128>}, {transform_indices = @transform_1, window_bounds = array<i64: 1000, 1>}, {transform_indices = @transform_2, window_bounds = array<i64: 1000, 1>}, {pipeline_mode = #tpu.pipeline_mode<synchronous>, transform_indices = @transform_3, window_bounds = array<i64: 4, 128>}, {pipeline_mode = #tpu.pipeline_mode<synchronous>, transform_indices = @transform_4, window_bounds = array<i64: 4, 128, 128>}, {pipeline_mode = #tpu.pipeline_mode<synchronous>, transform_indices = @transform_5, window_bounds = array<i64: 128, 128>}, {pipeline_mode = #tpu.pipeline_mode<synchronous>, transform_indices = @transform_6, window_bounds = array<i64: 3, 4, 128>}, {pipeline_mode = #tpu.pipeline_mode<synchronous>, transform_indices = @transform_7, window_bounds = array<i64: 128, 128>}, {pipeline_mode = #tpu.pipeline_mode<synchronous>, transform_indices = @transform_8, window_bounds = array<i64: 128, 1>}, {transform_indices = @transform_9, window_bounds = array<i64: 1000, 128>}, {pipeline_mode = #tpu.pipeline_mode<synchronous>, transform_indices = @transform_10, window_bounds = array<i64: 1, 16>}]} {
    %get3A = arith.constant 0 : index
    %get3A_0 = arith.constant 0 : index
    %get3A_1 = vector.load %arg2[%get3A, %get3A_0] : memref<1000x1xi32, #tpu.memory_space<vmem>>, vector<1000x1xi32>
    %iota3A = tpu.iota {dimensions = array<i32: 1>} : vector<1000x4xi32>
    %eq3A = vector.broadcast %get3A_1 : vector<1000x1xi32> to vector<1000x4xi32>
    %eq3A_2 = arith.cmpi eq, %eq3A, %iota3A : vector<1000x4xi32>
    %convert_element_type3A = arith.extui %eq3A_2 : vector<1000x4xi1> to vector<1000x4xi32>
    %convert_element_type3A_3 = arith.sitofp %convert_element_type3A : vector<1000x4xi32> to vector<1000x4xf32>
    %get3A_4 = arith.constant 0 : index
    %get3A_5 = arith.constant 0 : index
    %get3A_6 = vector.load %arg4[%get3A_4, %get3A_5] : memref<4x128xf32, #tpu.memory_space<vmem>>, vector<4x128xf32>
    %dot_general3A = arith.constant dense<0.000000e+00> : vector<1000x128xf32>
    %dot_general3A_7 = tpu.matmul %convert_element_type3A_3, %get3A_6, %dot_general3A {dimension_numbers = #tpu.dot_dimension_numbers<[1], [0], [0], [1], [0, 0, 1, 1], [], []>, transpose_lhs_hint = false} : vector<1000x4xf32>, vector<4x128xf32>, vector<1000x128xf32> -> vector<1000x128xf32>
    %get3A_8 = arith.constant 0 : index
    %get3A_9 = arith.constant 0 : index
    %get3A_10 = arith.constant 0 : index
    %get3A_11 = vector.load %arg1[%get3A_8, %get3A_9, %get3A_10] : memref<2x1000x128xf32, #tpu.memory_space<vmem>>, vector<1x1000x128xf32>
    %get3A_12 = vector.shape_cast %get3A_11 : vector<1x1000x128xf32> to vector<1000x128xf32>
    %get3A_13 = arith.constant 1 : index
    %get3A_14 = arith.constant 0 : index
    %get3A_15 = arith.constant 0 : index
    %get3A_16 = vector.load %arg1[%get3A_13, %get3A_14, %get3A_15] : memref<2x1000x128xf32, #tpu.memory_space<vmem>>, vector<1x1000x128xf32>
    %get3A_17 = vector.shape_cast %get3A_16 : vector<1x1000x128xf32> to vector<1000x128xf32>
    %get3A_18 = arith.constant 0 : index
    %get3A_19 = arith.constant 0 : index
    %get3A_20 = vector.load %arg6[%get3A_18, %get3A_19] : memref<128x128xf32, #tpu.memory_space<vmem>>, vector<128x128xf32>
    %add3A = arith.addf %get3A_12, %get3A_17 : vector<1000x128xf32>
    %mul3A = arith.constant 3.125000e-02 : f32
    %mul3A_21 = vector.broadcast %mul3A : f32 to vector<1000x128xf32>
    %mul3A_22 = arith.mulf %add3A, %mul3A_21 : vector<1000x128xf32>
    %dot_general3A_23 = arith.constant dense<0.000000e+00> : vector<1000x128xf32>
    %dot_general3A_24 = tpu.matmul %mul3A_22, %get3A_20, %dot_general3A_23 {dimension_numbers = #tpu.dot_dimension_numbers<[1], [0], [0], [1], [0, 0, 1, 1], [], []>, transpose_lhs_hint = false} : vector<1000x128xf32>, vector<128x128xf32>, vector<1000x128xf32> -> vector<1000x128xf32>
    %broadcast_in_dim3A = arith.constant 0.000000e+00 : f32
    %broadcast_in_dim3A_25 = vector.broadcast %broadcast_in_dim3A : f32 to vector<1000x128xf32>
    %get3A_26 = arith.constant 0 : index
    %get3A_27 = arith.constant 0 : index
    %get3A_28 = arith.constant 0 : index
    %get3A_29 = vector.load %arg5[%get3A_26, %get3A_27, %get3A_28] : memref<4x128x128xf32, #tpu.memory_space<vmem>>, vector<1x128x128xf32>
    %get3A_30 = vector.shape_cast %get3A_29 : vector<1x128x128xf32> to vector<128x128xf32>
    %dot_general3A_31 = arith.constant dense<0.000000e+00> : vector<1000x128xf32>
    %dot_general3A_32 = tpu.matmul %dot_general3A_7, %get3A_30, %dot_general3A_31 {dimension_numbers = #tpu.dot_dimension_numbers<[1], [0], [0], [1], [0, 0, 1, 1], [], []>, transpose_lhs_hint = false} : vector<1000x128xf32>, vector<128x128xf32>, vector<1000x128xf32> -> vector<1000x128xf32>
    %slice3A = vector.extract_strided_slice %convert_element_type3A_3 {offsets = [0, 0], sizes = [1000, 1], strides = [1, 1]} : vector<1000x4xf32> to vector<1000x1xf32>
    %squeeze3A = vector.shape_cast %slice3A : vector<1000x1xf32> to vector<1000xf32>
    %broadcast_in_dim3A_33 = vector.shape_cast %squeeze3A : vector<1000xf32> to vector<1000x1xf32>
    %mul3A_34 = vector.broadcast %broadcast_in_dim3A_33 : vector<1000x1xf32> to vector<1000x128xf32>
    %mul3A_35 = arith.mulf %dot_general3A_32, %mul3A_34 : vector<1000x128xf32>
    %add3A_36 = arith.addf %broadcast_in_dim3A_25, %mul3A_35 : vector<1000x128xf32>
    %get3A_37 = arith.constant 1 : index
    %get3A_38 = arith.constant 0 : index
    %get3A_39 = arith.constant 0 : index
    %get3A_40 = vector.load %arg5[%get3A_37, %get3A_38, %get3A_39] : memref<4x128x128xf32, #tpu.memory_space<vmem>>, vector<1x128x128xf32>
    %get3A_41 = vector.shape_cast %get3A_40 : vector<1x128x128xf32> to vector<128x128xf32>
    %dot_general3A_42 = arith.constant dense<0.000000e+00> : vector<1000x128xf32>
    %dot_general3A_43 = tpu.matmul %dot_general3A_7, %get3A_41, %dot_general3A_42 {dimension_numbers = #tpu.dot_dimension_numbers<[1], [0], [0], [1], [0, 0, 1, 1], [], []>, transpose_lhs_hint = false} : vector<1000x128xf32>, vector<128x128xf32>, vector<1000x128xf32> -> vector<1000x128xf32>
    %slice3A_44 = vector.extract_strided_slice %convert_element_type3A_3 {offsets = [0, 1], sizes = [1000, 1], strides = [1, 1]} : vector<1000x4xf32> to vector<1000x1xf32>
    %squeeze3A_45 = vector.shape_cast %slice3A_44 : vector<1000x1xf32> to vector<1000xf32>
    %broadcast_in_dim3A_46 = vector.shape_cast %squeeze3A_45 : vector<1000xf32> to vector<1000x1xf32>
    %mul3A_47 = vector.broadcast %broadcast_in_dim3A_46 : vector<1000x1xf32> to vector<1000x128xf32>
    %mul3A_48 = arith.mulf %dot_general3A_43, %mul3A_47 : vector<1000x128xf32>
    %add3A_49 = arith.addf %add3A_36, %mul3A_48 : vector<1000x128xf32>
    %get3A_50 = arith.constant 2 : index
    %get3A_51 = arith.constant 0 : index
    %get3A_52 = arith.constant 0 : index
    %get3A_53 = vector.load %arg5[%get3A_50, %get3A_51, %get3A_52] : memref<4x128x128xf32, #tpu.memory_space<vmem>>, vector<1x128x128xf32>
    %get3A_54 = vector.shape_cast %get3A_53 : vector<1x128x128xf32> to vector<128x128xf32>
    %dot_general3A_55 = arith.constant dense<0.000000e+00> : vector<1000x128xf32>
    %dot_general3A_56 = tpu.matmul %dot_general3A_7, %get3A_54, %dot_general3A_55 {dimension_numbers = #tpu.dot_dimension_numbers<[1], [0], [0], [1], [0, 0, 1, 1], [], []>, transpose_lhs_hint = false} : vector<1000x128xf32>, vector<128x128xf32>, vector<1000x128xf32> -> vector<1000x128xf32>
    %slice3A_57 = vector.extract_strided_slice %convert_element_type3A_3 {offsets = [0, 2], sizes = [1000, 1], strides = [1, 1]} : vector<1000x4xf32> to vector<1000x1xf32>
    %squeeze3A_58 = vector.shape_cast %slice3A_57 : vector<1000x1xf32> to vector<1000xf32>
    %broadcast_in_dim3A_59 = vector.shape_cast %squeeze3A_58 : vector<1000xf32> to vector<1000x1xf32>
    %mul3A_60 = vector.broadcast %broadcast_in_dim3A_59 : vector<1000x1xf32> to vector<1000x128xf32>
    %mul3A_61 = arith.mulf %dot_general3A_56, %mul3A_60 : vector<1000x128xf32>
    %add3A_62 = arith.addf %add3A_49, %mul3A_61 : vector<1000x128xf32>
    %get3A_63 = arith.constant 3 : index
    %get3A_64 = arith.constant 0 : index
    %get3A_65 = arith.constant 0 : index
    %get3A_66 = vector.load %arg5[%get3A_63, %get3A_64, %get3A_65] : memref<4x128x128xf32, #tpu.memory_space<vmem>>, vector<1x128x128xf32>
    %get3A_67 = vector.shape_cast %get3A_66 : vector<1x128x128xf32> to vector<128x128xf32>
    %dot_general3A_68 = arith.constant dense<0.000000e+00> : vector<1000x128xf32>
    %dot_general3A_69 = tpu.matmul %dot_general3A_7, %get3A_67, %dot_general3A_68 {dimension_numbers = #tpu.dot_dimension_numbers<[1], [0], [0], [1], [0, 0, 1, 1], [], []>, transpose_lhs_hint = false} : vector<1000x128xf32>, vector<128x128xf32>, vector<1000x128xf32> -> vector<1000x128xf32>
    %slice3A_70 = vector.extract_strided_slice %convert_element_type3A_3 {offsets = [0, 3], sizes = [1000, 1], strides = [1, 1]} : vector<1000x4xf32> to vector<1000x1xf32>
    %squeeze3A_71 = vector.shape_cast %slice3A_70 : vector<1000x1xf32> to vector<1000xf32>
    %broadcast_in_dim3A_72 = vector.shape_cast %squeeze3A_71 : vector<1000xf32> to vector<1000x1xf32>
    %mul3A_73 = vector.broadcast %broadcast_in_dim3A_72 : vector<1000x1xf32> to vector<1000x128xf32>
    %mul3A_74 = arith.mulf %dot_general3A_69, %mul3A_73 : vector<1000x128xf32>
    %add3A_75 = arith.addf %add3A_62, %mul3A_74 : vector<1000x128xf32>
    %get3A_76 = arith.constant 0 : index
    %get3A_77 = arith.constant 0 : index
    %get3A_78 = arith.constant 0 : index
    %get3A_79 = vector.load %arg7[%get3A_76, %get3A_77, %get3A_78] : memref<3x4x128xf32, #tpu.memory_space<vmem>>, vector<1x4x128xf32>
    %get3A_80 = vector.shape_cast %get3A_79 : vector<1x4x128xf32> to vector<4x128xf32>
    %dot_general3A_81 = arith.constant dense<0.000000e+00> : vector<1000x128xf32>
    %dot_general3A_82 = tpu.matmul %convert_element_type3A_3, %get3A_80, %dot_general3A_81 {dimension_numbers = #tpu.dot_dimension_numbers<[1], [0], [0], [1], [0, 0, 1, 1], [], []>, transpose_lhs_hint = false} : vector<1000x4xf32>, vector<4x128xf32>, vector<1000x128xf32> -> vector<1000x128xf32>
    %get3A_83 = arith.constant 1 : index
    %get3A_84 = arith.constant 0 : index
    %get3A_85 = arith.constant 0 : index
    %get3A_86 = vector.load %arg7[%get3A_83, %get3A_84, %get3A_85] : memref<3x4x128xf32, #tpu.memory_space<vmem>>, vector<1x4x128xf32>
    %get3A_87 = vector.shape_cast %get3A_86 : vector<1x4x128xf32> to vector<4x128xf32>
    %dot_general3A_88 = arith.constant dense<0.000000e+00> : vector<1000x128xf32>
    %dot_general3A_89 = tpu.matmul %convert_element_type3A_3, %get3A_87, %dot_general3A_88 {dimension_numbers = #tpu.dot_dimension_numbers<[1], [0], [0], [1], [0, 0, 1, 1], [], []>, transpose_lhs_hint = false} : vector<1000x4xf32>, vector<4x128xf32>, vector<1000x128xf32> -> vector<1000x128xf32>
    %get3A_90 = arith.constant 2 : index
    %get3A_91 = arith.constant 0 : index
    %get3A_92 = arith.constant 0 : index
    %get3A_93 = vector.load %arg7[%get3A_90, %get3A_91, %get3A_92] : memref<3x4x128xf32, #tpu.memory_space<vmem>>, vector<1x4x128xf32>
    %get3A_94 = vector.shape_cast %get3A_93 : vector<1x4x128xf32> to vector<4x128xf32>
    %dot_general3A_95 = arith.constant dense<0.000000e+00> : vector<1000x128xf32>
    %dot_general3A_96 = tpu.matmul %convert_element_type3A_3, %get3A_94, %dot_general3A_95 {dimension_numbers = #tpu.dot_dimension_numbers<[1], [0], [0], [1], [0, 0, 1, 1], [], []>, transpose_lhs_hint = false} : vector<1000x4xf32>, vector<4x128xf32>, vector<1000x128xf32> -> vector<1000x128xf32>
    %mul3A_97 = arith.mulf %dot_general3A_96, %dot_general3A_24 : vector<1000x128xf32>
    %add3A_98 = arith.addf %dot_general3A_89, %mul3A_97 : vector<1000x128xf32>
    %mul3A_99 = arith.mulf %add3A_98, %dot_general3A_24 : vector<1000x128xf32>
    %add3A_100 = arith.addf %dot_general3A_82, %mul3A_99 : vector<1000x128xf32>
    %mul3A_101 = arith.mulf %add3A_100, %dot_general3A_24 : vector<1000x128xf32>
    %get3A_102 = arith.constant 0 : index
    %get3A_103 = arith.constant 0 : index
    %get3A_104 = vector.load %arg8[%get3A_102, %get3A_103] : memref<128x128xf32, #tpu.memory_space<vmem>>, vector<128x128xf32>
    %dot_general3A_105 = arith.constant dense<0.000000e+00> : vector<1000x128xf32>
    %dot_general3A_106 = tpu.matmul %mul3A_101, %get3A_104, %dot_general3A_105 {dimension_numbers = #tpu.dot_dimension_numbers<[1], [0], [0], [1], [0, 0, 1, 1], [], []>, transpose_lhs_hint = false} : vector<1000x128xf32>, vector<128x128xf32>, vector<1000x128xf32> -> vector<1000x128xf32>
    %add3A_107 = arith.addf %dot_general3A_106, %add3A_75 : vector<1000x128xf32>
    %swap3A = arith.constant 0 : index
    %swap3A_108 = arith.constant 0 : index
    %swap3A_109 = vector.load %arg10[%swap3A, %swap3A_108] : memref<1000x128xf32, #tpu.memory_space<vmem>>, vector<1000x128xf32>
    tpu.vector_store %arg10[%swap3A, %swap3A_108], %add3A_107 {strides = array<i32>} : memref<1000x128xf32, #tpu.memory_space<vmem>>, vector<1000x128xf32>,
    %get3A_110 = arith.constant 0 : index
    %get3A_111 = arith.constant 0 : index
    %get3A_112 = vector.load %arg9[%get3A_110, %get3A_111] : memref<128x1xf32, #tpu.memory_space<vmem>>, vector<128x1xf32>
    %dot_general3A_113 = arith.constant dense<0.000000e+00> : vector<1000x1xf32>
    %dot_general3A_114 = tpu.matmul %add3A_107, %get3A_112, %dot_general3A_113 {dimension_numbers = #tpu.dot_dimension_numbers<[1], [0], [0], [1], [0, 0, 1, 1], [], []>, transpose_lhs_hint = false} : vector<1000x128xf32>, vector<128x1xf32>, vector<1000x1xf32> -> vector<1000x1xf32>
    %get3A_115 = arith.constant 0 : index
    %get3A_116 = arith.constant 0 : index
    %get3A_117 = vector.load %arg3[%get3A_115, %get3A_116] : memref<1000x1xi32, #tpu.memory_space<vmem>>, vector<1000x1xi32>
    %iota3A_118 = tpu.iota {dimensions = array<i32: 1>} : vector<1000x16xi32>
    %eq3A_119 = vector.broadcast %get3A_117 : vector<1000x1xi32> to vector<1000x16xi32>
    %eq3A_120 = arith.cmpi eq, %eq3A_119, %iota3A_118 : vector<1000x16xi32>
    %convert_element_type3A_121 = arith.extui %eq3A_120 : vector<1000x16xi1> to vector<1000x16xi32>
    %convert_element_type3A_122 = arith.sitofp %convert_element_type3A_121 : vector<1000x16xi32> to vector<1000x16xf32>
    %transpose3A = tpu.transpose %dot_general3A_114, [1, 0] : vector<1000x1xf32> -> vector<1x1000xf32>
    %dot_general3A_123 = arith.constant dense<0.000000e+00> : vector<1x16xf32>
    %dot_general3A_124 = tpu.matmul %transpose3A, %convert_element_type3A_122, %dot_general3A_123 {dimension_numbers = #tpu.dot_dimension_numbers<[1], [0], [0], [1], [0, 0, 1, 1], [], []>, transpose_lhs_hint = false} : vector<1x1000xf32>, vector<1000x16xf32>, vector<1x16xf32> -> vector<1x16xf32>
    %eq3A_125 = arith.constant 0 : i32
    %eq3A_126 = arith.cmpi eq, %arg0, %eq3A_125 : i32
    %convert_element_type3A_127 = arith.extui %eq3A_126 : i1 to i32
    %cond3A = arith.constant 0 : i32
    %cond3A_128 = arith.cmpi ne, %convert_element_type3A_127, %cond3A : i32
    scf.if %cond3A_128 {
      %broadcast_in_dim3A_136 = arith.constant 0.000000e+00 : f32
      %broadcast_in_dim3A_137 = vector.broadcast %broadcast_in_dim3A_136 : f32 to vector<1x16xf32>
      %swap3A_138 = arith.constant 0 : index
      %swap3A_139 = arith.constant 0 : index
      %swap3A_140 = vector.load %arg11[%swap3A_138, %swap3A_139] : memref<1x16xf32, #tpu.memory_space<vmem>>, vector<1x16xf32>
      tpu.vector_store %arg11[%swap3A_138, %swap3A_139], %broadcast_in_dim3A_137 {strides = array<i32>} : memref<1x16xf32, #tpu.memory_space<vmem>>, vector<1x16xf32>,
    } else {
    }
    %get3A_129 = arith.constant 0 : index
    %get3A_130 = arith.constant 0 : index
    %get3A_131 = vector.load %arg11[%get3A_129, %get3A_130] : memref<1x16xf32, #tpu.memory_space<vmem>>, vector<1x16xf32>
    %add3A_132 = arith.addf %get3A_131, %dot_general3A_124 : vector<1x16xf32>
    %swap3A_133 = arith.constant 0 : index
    %swap3A_134 = arith.constant 0 : index
    %swap3A_135 = vector.load %arg11[%swap3A_133, %swap3A_134] : memref<1x16xf32, #tpu.memory_space<vmem>>, vector<1x16xf32>
    tpu.vector_store %arg11[%swap3A_133, %swap3A_134], %add3A_132 {strides = array<i32>} : memref<1x16xf32, #tpu.memory_space<vmem>>, vector<1x16xf32>,
    return
  }
  func.func @transform_0(%arg0: i32) -> (i32, i32, i32) {
    %c0_i32 = arith.constant 0 : i32
    %c0_i32_0 = arith.constant 0 : i32
    %c0_i32_1 = arith.constant 0 : i32
    return %c0_i32, %arg0, %c0_i32_0 : i32, i32, i32
  }
  func.func @transform_1(%arg0: i32) -> (i32, i32) {
    %c0_i32 = arith.constant 0 : i32
    %c0_i32_0 = arith.constant 0 : i32
    return %arg0, %c0_i32 : i32, i32
  }
  func.func @transform_2(%arg0: i32) -> (i32, i32) {
    %c0_i32 = arith.constant 0 : i32
    %c0_i32_0 = arith.constant 0 : i32
    return %arg0, %c0_i32 : i32, i32
  }
  func.func @transform_3(%arg0: i32) -> (i32, i32) {
    %c0_i32 = arith.constant 0 : i32
    %c0_i32_0 = arith.constant 0 : i32
    %c0_i32_1 = arith.constant 0 : i32
    return %c0_i32, %c0_i32_0 : i32, i32
  }
  func.func @transform_4(%arg0: i32) -> (i32, i32, i32) {
    %c0_i32 = arith.constant 0 : i32
    %c0_i32_0 = arith.constant 0 : i32
    %c0_i32_1 = arith.constant 0 : i32
    %c0_i32_2 = arith.constant 0 : i32
    return %c0_i32, %c0_i32_0, %c0_i32_1 : i32, i32, i32
  }
  func.func @transform_5(%arg0: i32) -> (i32, i32) {
    %c0_i32 = arith.constant 0 : i32
    %c0_i32_0 = arith.constant 0 : i32
    %c0_i32_1 = arith.constant 0 : i32
    return %c0_i32, %c0_i32_0 : i32, i32
  }
  func.func @transform_6(%arg0: i32) -> (i32, i32, i32) {
    %c0_i32 = arith.constant 0 : i32
    %c0_i32_0 = arith.constant 0 : i32
    %c0_i32_1 = arith.constant 0 : i32
    %c0_i32_2 = arith.constant 0 : i32
    return %c0_i32, %c0_i32_0, %c0_i32_1 : i32, i32, i32
  }
  func.func @transform_7(%arg0: i32) -> (i32, i32) {
    %c0_i32 = arith.constant 0 : i32
    %c0_i32_0 = arith.constant 0 : i32
    %c0_i32_1 = arith.constant 0 : i32
    return %c0_i32, %c0_i32_0 : i32, i32
  }
  func.func @transform_8(%arg0: i32) -> (i32, i32) {
    %c0_i32 = arith.constant 0 : i32
    %c0_i32_0 = arith.constant 0 : i32
    %c0_i32_1 = arith.constant 0 : i32
    return %c0_i32, %c0_i32_0 : i32, i32
  }
  func.func @transform_9(%arg0: i32) -> (i32, i32) {
    %c0_i32 = arith.constant 0 : i32
    %c0_i32_0 = arith.constant 0 : i32
    return %arg0, %c0_i32 : i32, i32
  }
  func.func @transform_10(%arg0: i32) -> (i32, i32) {
    %c0_i32 = arith.constant 0 : i32
    %c0_i32_0 = arith.constant 0 : i32
    %c0_i32_1 = arith.constant 0 : i32
    return %c0_i32, %c0_i32_0 : i32, i32
  }
}

module attributes {stable_mosaic.version = 14 : i64} {
  func.func @_node_tc1_body(%arg0: i32, %arg1: memref<2x1000x128xf32, #tpu.memory_space<vmem>>, %arg2: memref<1000x1xi32, #tpu.memory_space<vmem>>, %arg3: memref<1000x1xi32, #tpu.memory_space<vmem>>, %arg4: memref<1000x128xf32, #tpu.memory_space<vmem>>, %arg5: memref<1x16xf32, #tpu.memory_space<vmem>>, %arg6: memref<4x128x128xf32, #tpu.memory_space<vmem>>, %arg7: memref<128x128xf32, #tpu.memory_space<vmem>>, %arg8: memref<3x4x128xf32, #tpu.memory_space<vmem>>, %arg9: memref<128x128xf32, #tpu.memory_space<vmem>>, %arg10: memref<128x16xf32, #tpu.memory_space<vmem>>, %arg11: memref<16x1xf32, #tpu.memory_space<vmem>>, %arg12: memref<1000x128xf32, #tpu.memory_space<vmem>>, %arg13: memref<1x16xf32, #tpu.memory_space<vmem>>) attributes {dimension_semantics = [#tpu.dimension_semantics<arbitrary>], iteration_bounds = array<i64: 10>, scalar_prefetch = 0 : i64, scratch_operands = 0 : i64, tpu.core_type = #tpu.core_type<tc>, window_params = [{transform_indices = @transform_0, window_bounds = array<i64: 2, 1000, 128>}, {transform_indices = @transform_1, window_bounds = array<i64: 1000, 1>}, {transform_indices = @transform_2, window_bounds = array<i64: 1000, 1>}, {transform_indices = @transform_3, window_bounds = array<i64: 1000, 128>}, {pipeline_mode = #tpu.pipeline_mode<synchronous>, transform_indices = @transform_4, window_bounds = array<i64: 1, 16>}, {pipeline_mode = #tpu.pipeline_mode<synchronous>, transform_indices = @transform_5, window_bounds = array<i64: 4, 128, 128>}, {pipeline_mode = #tpu.pipeline_mode<synchronous>, transform_indices = @transform_6, window_bounds = array<i64: 128, 128>}, {pipeline_mode = #tpu.pipeline_mode<synchronous>, transform_indices = @transform_7, window_bounds = array<i64: 3, 4, 128>}, {pipeline_mode = #tpu.pipeline_mode<synchronous>, transform_indices = @transform_8, window_bounds = array<i64: 128, 128>}, {pipeline_mode = #tpu.pipeline_mode<synchronous>, transform_indices = @transform_9, window_bounds = array<i64: 128, 16>}, {pipeline_mode = #tpu.pipeline_mode<synchronous>, transform_indices = @transform_10, window_bounds = array<i64: 16, 1>}, {transform_indices = @transform_11, window_bounds = array<i64: 1000, 128>}, {pipeline_mode = #tpu.pipeline_mode<synchronous>, transform_indices = @transform_12, window_bounds = array<i64: 1, 16>}]} {
    %get3A = arith.constant 0 : index
    %get3A_0 = arith.constant 0 : index
    %get3A_1 = vector.load %arg2[%get3A, %get3A_0] : memref<1000x1xi32, #tpu.memory_space<vmem>>, vector<1000x1xi32>
    %iota3A = tpu.iota {dimensions = array<i32: 1>} : vector<1000x4xi32>
    %eq3A = vector.broadcast %get3A_1 : vector<1000x1xi32> to vector<1000x4xi32>
    %eq3A_2 = arith.cmpi eq, %eq3A, %iota3A : vector<1000x4xi32>
    %convert_element_type3A = arith.extui %eq3A_2 : vector<1000x4xi1> to vector<1000x4xi32>
    %convert_element_type3A_3 = arith.sitofp %convert_element_type3A : vector<1000x4xi32> to vector<1000x4xf32>
    %get3A_4 = arith.constant 0 : index
    %get3A_5 = arith.constant 0 : index
    %get3A_6 = arith.constant 0 : index
    %get3A_7 = vector.load %arg1[%get3A_4, %get3A_5, %get3A_6] : memref<2x1000x128xf32, #tpu.memory_space<vmem>>, vector<1x1000x128xf32>
    %get3A_8 = vector.shape_cast %get3A_7 : vector<1x1000x128xf32> to vector<1000x128xf32>
    %get3A_9 = arith.constant 1 : index
    %get3A_10 = arith.constant 0 : index
    %get3A_11 = arith.constant 0 : index
    %get3A_12 = vector.load %arg1[%get3A_9, %get3A_10, %get3A_11] : memref<2x1000x128xf32, #tpu.memory_space<vmem>>, vector<1x1000x128xf32>
    %get3A_13 = vector.shape_cast %get3A_12 : vector<1x1000x128xf32> to vector<1000x128xf32>
    %get3A_14 = arith.constant 0 : index
    %get3A_15 = arith.constant 0 : index
    %get3A_16 = vector.load %arg4[%get3A_14, %get3A_15] : memref<1000x128xf32, #tpu.memory_space<vmem>>, vector<1000x128xf32>
    %get3A_17 = arith.constant 0 : index
    %get3A_18 = arith.constant 0 : index
    %get3A_19 = vector.load %arg7[%get3A_17, %get3A_18] : memref<128x128xf32, #tpu.memory_space<vmem>>, vector<128x128xf32>
    %add3A = arith.addf %get3A_8, %get3A_13 : vector<1000x128xf32>
    %mul3A = arith.constant 3.125000e-02 : f32
    %mul3A_20 = vector.broadcast %mul3A : f32 to vector<1000x128xf32>
    %mul3A_21 = arith.mulf %add3A, %mul3A_20 : vector<1000x128xf32>
    %dot_general3A = arith.constant dense<0.000000e+00> : vector<1000x128xf32>
    %dot_general3A_22 = tpu.matmul %mul3A_21, %get3A_19, %dot_general3A {dimension_numbers = #tpu.dot_dimension_numbers<[1], [0], [0], [1], [0, 0, 1, 1], [], []>, transpose_lhs_hint = false} : vector<1000x128xf32>, vector<128x128xf32>, vector<1000x128xf32> -> vector<1000x128xf32>
    %broadcast_in_dim3A = arith.constant 0.000000e+00 : f32
    %broadcast_in_dim3A_23 = vector.broadcast %broadcast_in_dim3A : f32 to vector<1000x128xf32>
    %get3A_24 = arith.constant 0 : index
    %get3A_25 = arith.constant 0 : index
    %get3A_26 = arith.constant 0 : index
    %get3A_27 = vector.load %arg6[%get3A_24, %get3A_25, %get3A_26] : memref<4x128x128xf32, #tpu.memory_space<vmem>>, vector<1x128x128xf32>
    %get3A_28 = vector.shape_cast %get3A_27 : vector<1x128x128xf32> to vector<128x128xf32>
    %dot_general3A_29 = arith.constant dense<0.000000e+00> : vector<1000x128xf32>
    %dot_general3A_30 = tpu.matmul %get3A_16, %get3A_28, %dot_general3A_29 {dimension_numbers = #tpu.dot_dimension_numbers<[1], [0], [0], [1], [0, 0, 1, 1], [], []>, transpose_lhs_hint = false} : vector<1000x128xf32>, vector<128x128xf32>, vector<1000x128xf32> -> vector<1000x128xf32>
    %slice3A = vector.extract_strided_slice %convert_element_type3A_3 {offsets = [0, 0], sizes = [1000, 1], strides = [1, 1]} : vector<1000x4xf32> to vector<1000x1xf32>
    %squeeze3A = vector.shape_cast %slice3A : vector<1000x1xf32> to vector<1000xf32>
    %broadcast_in_dim3A_31 = vector.shape_cast %squeeze3A : vector<1000xf32> to vector<1000x1xf32>
    %mul3A_32 = vector.broadcast %broadcast_in_dim3A_31 : vector<1000x1xf32> to vector<1000x128xf32>
    %mul3A_33 = arith.mulf %dot_general3A_30, %mul3A_32 : vector<1000x128xf32>
    %add3A_34 = arith.addf %broadcast_in_dim3A_23, %mul3A_33 : vector<1000x128xf32>
    %get3A_35 = arith.constant 1 : index
    %get3A_36 = arith.constant 0 : index
    %get3A_37 = arith.constant 0 : index
    %get3A_38 = vector.load %arg6[%get3A_35, %get3A_36, %get3A_37] : memref<4x128x128xf32, #tpu.memory_space<vmem>>, vector<1x128x128xf32>
    %get3A_39 = vector.shape_cast %get3A_38 : vector<1x128x128xf32> to vector<128x128xf32>
    %dot_general3A_40 = arith.constant dense<0.000000e+00> : vector<1000x128xf32>
    %dot_general3A_41 = tpu.matmul %get3A_16, %get3A_39, %dot_general3A_40 {dimension_numbers = #tpu.dot_dimension_numbers<[1], [0], [0], [1], [0, 0, 1, 1], [], []>, transpose_lhs_hint = false} : vector<1000x128xf32>, vector<128x128xf32>, vector<1000x128xf32> -> vector<1000x128xf32>
    %slice3A_42 = vector.extract_strided_slice %convert_element_type3A_3 {offsets = [0, 1], sizes = [1000, 1], strides = [1, 1]} : vector<1000x4xf32> to vector<1000x1xf32>
    %squeeze3A_43 = vector.shape_cast %slice3A_42 : vector<1000x1xf32> to vector<1000xf32>
    %broadcast_in_dim3A_44 = vector.shape_cast %squeeze3A_43 : vector<1000xf32> to vector<1000x1xf32>
    %mul3A_45 = vector.broadcast %broadcast_in_dim3A_44 : vector<1000x1xf32> to vector<1000x128xf32>
    %mul3A_46 = arith.mulf %dot_general3A_41, %mul3A_45 : vector<1000x128xf32>
    %add3A_47 = arith.addf %add3A_34, %mul3A_46 : vector<1000x128xf32>
    %get3A_48 = arith.constant 2 : index
    %get3A_49 = arith.constant 0 : index
    %get3A_50 = arith.constant 0 : index
    %get3A_51 = vector.load %arg6[%get3A_48, %get3A_49, %get3A_50] : memref<4x128x128xf32, #tpu.memory_space<vmem>>, vector<1x128x128xf32>
    %get3A_52 = vector.shape_cast %get3A_51 : vector<1x128x128xf32> to vector<128x128xf32>
    %dot_general3A_53 = arith.constant dense<0.000000e+00> : vector<1000x128xf32>
    %dot_general3A_54 = tpu.matmul %get3A_16, %get3A_52, %dot_general3A_53 {dimension_numbers = #tpu.dot_dimension_numbers<[1], [0], [0], [1], [0, 0, 1, 1], [], []>, transpose_lhs_hint = false} : vector<1000x128xf32>, vector<128x128xf32>, vector<1000x128xf32> -> vector<1000x128xf32>
    %slice3A_55 = vector.extract_strided_slice %convert_element_type3A_3 {offsets = [0, 2], sizes = [1000, 1], strides = [1, 1]} : vector<1000x4xf32> to vector<1000x1xf32>
    %squeeze3A_56 = vector.shape_cast %slice3A_55 : vector<1000x1xf32> to vector<1000xf32>
    %broadcast_in_dim3A_57 = vector.shape_cast %squeeze3A_56 : vector<1000xf32> to vector<1000x1xf32>
    %mul3A_58 = vector.broadcast %broadcast_in_dim3A_57 : vector<1000x1xf32> to vector<1000x128xf32>
    %mul3A_59 = arith.mulf %dot_general3A_54, %mul3A_58 : vector<1000x128xf32>
    %add3A_60 = arith.addf %add3A_47, %mul3A_59 : vector<1000x128xf32>
    %get3A_61 = arith.constant 3 : index
    %get3A_62 = arith.constant 0 : index
    %get3A_63 = arith.constant 0 : index
    %get3A_64 = vector.load %arg6[%get3A_61, %get3A_62, %get3A_63] : memref<4x128x128xf32, #tpu.memory_space<vmem>>, vector<1x128x128xf32>
    %get3A_65 = vector.shape_cast %get3A_64 : vector<1x128x128xf32> to vector<128x128xf32>
    %dot_general3A_66 = arith.constant dense<0.000000e+00> : vector<1000x128xf32>
    %dot_general3A_67 = tpu.matmul %get3A_16, %get3A_65, %dot_general3A_66 {dimension_numbers = #tpu.dot_dimension_numbers<[1], [0], [0], [1], [0, 0, 1, 1], [], []>, transpose_lhs_hint = false} : vector<1000x128xf32>, vector<128x128xf32>, vector<1000x128xf32> -> vector<1000x128xf32>
    %slice3A_68 = vector.extract_strided_slice %convert_element_type3A_3 {offsets = [0, 3], sizes = [1000, 1], strides = [1, 1]} : vector<1000x4xf32> to vector<1000x1xf32>
    %squeeze3A_69 = vector.shape_cast %slice3A_68 : vector<1000x1xf32> to vector<1000xf32>
    %broadcast_in_dim3A_70 = vector.shape_cast %squeeze3A_69 : vector<1000xf32> to vector<1000x1xf32>
    %mul3A_71 = vector.broadcast %broadcast_in_dim3A_70 : vector<1000x1xf32> to vector<1000x128xf32>
    %mul3A_72 = arith.mulf %dot_general3A_67, %mul3A_71 : vector<1000x128xf32>
    %add3A_73 = arith.addf %add3A_60, %mul3A_72 : vector<1000x128xf32>
    %get3A_74 = arith.constant 0 : index
    %get3A_75 = arith.constant 0 : index
    %get3A_76 = arith.constant 0 : index
    %get3A_77 = vector.load %arg8[%get3A_74, %get3A_75, %get3A_76] : memref<3x4x128xf32, #tpu.memory_space<vmem>>, vector<1x4x128xf32>
    %get3A_78 = vector.shape_cast %get3A_77 : vector<1x4x128xf32> to vector<4x128xf32>
    %dot_general3A_79 = arith.constant dense<0.000000e+00> : vector<1000x128xf32>
    %dot_general3A_80 = tpu.matmul %convert_element_type3A_3, %get3A_78, %dot_general3A_79 {dimension_numbers = #tpu.dot_dimension_numbers<[1], [0], [0], [1], [0, 0, 1, 1], [], []>, transpose_lhs_hint = false} : vector<1000x4xf32>, vector<4x128xf32>, vector<1000x128xf32> -> vector<1000x128xf32>
    %get3A_81 = arith.constant 1 : index
    %get3A_82 = arith.constant 0 : index
    %get3A_83 = arith.constant 0 : index
    %get3A_84 = vector.load %arg8[%get3A_81, %get3A_82, %get3A_83] : memref<3x4x128xf32, #tpu.memory_space<vmem>>, vector<1x4x128xf32>
    %get3A_85 = vector.shape_cast %get3A_84 : vector<1x4x128xf32> to vector<4x128xf32>
    %dot_general3A_86 = arith.constant dense<0.000000e+00> : vector<1000x128xf32>
    %dot_general3A_87 = tpu.matmul %convert_element_type3A_3, %get3A_85, %dot_general3A_86 {dimension_numbers = #tpu.dot_dimension_numbers<[1], [0], [0], [1], [0, 0, 1, 1], [], []>, transpose_lhs_hint = false} : vector<1000x4xf32>, vector<4x128xf32>, vector<1000x128xf32> -> vector<1000x128xf32>
    %get3A_88 = arith.constant 2 : index
    %get3A_89 = arith.constant 0 : index
    %get3A_90 = arith.constant 0 : index
    %get3A_91 = vector.load %arg8[%get3A_88, %get3A_89, %get3A_90] : memref<3x4x128xf32, #tpu.memory_space<vmem>>, vector<1x4x128xf32>
    %get3A_92 = vector.shape_cast %get3A_91 : vector<1x4x128xf32> to vector<4x128xf32>
    %dot_general3A_93 = arith.constant dense<0.000000e+00> : vector<1000x128xf32>
    %dot_general3A_94 = tpu.matmul %convert_element_type3A_3, %get3A_92, %dot_general3A_93 {dimension_numbers = #tpu.dot_dimension_numbers<[1], [0], [0], [1], [0, 0, 1, 1], [], []>, transpose_lhs_hint = false} : vector<1000x4xf32>, vector<4x128xf32>, vector<1000x128xf32> -> vector<1000x128xf32>
    %mul3A_95 = arith.mulf %dot_general3A_94, %dot_general3A_22 : vector<1000x128xf32>
    %add3A_96 = arith.addf %dot_general3A_87, %mul3A_95 : vector<1000x128xf32>
    %mul3A_97 = arith.mulf %add3A_96, %dot_general3A_22 : vector<1000x128xf32>
    %add3A_98 = arith.addf %dot_general3A_80, %mul3A_97 : vector<1000x128xf32>
    %mul3A_99 = arith.mulf %add3A_98, %dot_general3A_22 : vector<1000x128xf32>
    %get3A_100 = arith.constant 0 : index
    %get3A_101 = arith.constant 0 : index
    %get3A_102 = vector.load %arg9[%get3A_100, %get3A_101] : memref<128x128xf32, #tpu.memory_space<vmem>>, vector<128x128xf32>
    %dot_general3A_103 = arith.constant dense<0.000000e+00> : vector<1000x128xf32>
    %dot_general3A_104 = tpu.matmul %mul3A_99, %get3A_102, %dot_general3A_103 {dimension_numbers = #tpu.dot_dimension_numbers<[1], [0], [0], [1], [0, 0, 1, 1], [], []>, transpose_lhs_hint = false} : vector<1000x128xf32>, vector<128x128xf32>, vector<1000x128xf32> -> vector<1000x128xf32>
    %add3A_105 = arith.addf %dot_general3A_104, %add3A_73 : vector<1000x128xf32>
    %swap3A = arith.constant 0 : index
    %swap3A_106 = arith.constant 0 : index
    %swap3A_107 = vector.load %arg12[%swap3A, %swap3A_106] : memref<1000x128xf32, #tpu.memory_space<vmem>>, vector<1000x128xf32>
    tpu.vector_store %arg12[%swap3A, %swap3A_106], %add3A_105 {strides = array<i32>} : memref<1000x128xf32, #tpu.memory_space<vmem>>, vector<1000x128xf32>,
    %get3A_108 = arith.constant 0 : index
    %get3A_109 = arith.constant 0 : index
    %get3A_110 = vector.load %arg10[%get3A_108, %get3A_109] : memref<128x16xf32, #tpu.memory_space<vmem>>, vector<128x16xf32>
    %dot_general3A_111 = arith.constant dense<0.000000e+00> : vector<1000x16xf32>
    %dot_general3A_112 = tpu.matmul %add3A_105, %get3A_110, %dot_general3A_111 {dimension_numbers = #tpu.dot_dimension_numbers<[1], [0], [0], [1], [0, 0, 1, 1], [], []>, transpose_lhs_hint = false} : vector<1000x128xf32>, vector<128x16xf32>, vector<1000x16xf32> -> vector<1000x16xf32>
    %logistic3A = arith.negf %dot_general3A_112 : vector<1000x16xf32>
    %logistic3A_113 = math.exp %logistic3A : vector<1000x16xf32>
    %logistic3A_114 = arith.constant 1.000000e+00 : f32
    %logistic3A_115 = vector.broadcast %logistic3A_114 : f32 to vector<1000x16xf32>
    %logistic3A_116 = arith.addf %logistic3A_115, %logistic3A_113 : vector<1000x16xf32>
    %logistic3A_117 = arith.divf %logistic3A_115, %logistic3A_116 : vector<1000x16xf32>
    %mul3A_118 = arith.mulf %dot_general3A_112, %logistic3A_117 : vector<1000x16xf32>
    %get3A_119 = arith.constant 0 : index
    %get3A_120 = arith.constant 0 : index
    %get3A_121 = vector.load %arg11[%get3A_119, %get3A_120] : memref<16x1xf32, #tpu.memory_space<vmem>>, vector<16x1xf32>
    %dot_general3A_122 = arith.constant dense<0.000000e+00> : vector<1000x1xf32>
    %dot_general3A_123 = tpu.matmul %mul3A_118, %get3A_121, %dot_general3A_122 {dimension_numbers = #tpu.dot_dimension_numbers<[1], [0], [0], [1], [0, 0, 1, 1], [], []>, transpose_lhs_hint = false} : vector<1000x16xf32>, vector<16x1xf32>, vector<1000x1xf32> -> vector<1000x1xf32>
    %get3A_124 = arith.constant 0 : index
    %get3A_125 = arith.constant 0 : index
    %get3A_126 = vector.load %arg3[%get3A_124, %get3A_125] : memref<1000x1xi32, #tpu.memory_space<vmem>>, vector<1000x1xi32>
    %iota3A_127 = tpu.iota {dimensions = array<i32: 1>} : vector<1000x16xi32>
    %eq3A_128 = vector.broadcast %get3A_126 : vector<1000x1xi32> to vector<1000x16xi32>
    %eq3A_129 = arith.cmpi eq, %eq3A_128, %iota3A_127 : vector<1000x16xi32>
    %convert_element_type3A_130 = arith.extui %eq3A_129 : vector<1000x16xi1> to vector<1000x16xi32>
    %convert_element_type3A_131 = arith.sitofp %convert_element_type3A_130 : vector<1000x16xi32> to vector<1000x16xf32>
    %transpose3A = tpu.transpose %dot_general3A_123, [1, 0] : vector<1000x1xf32> -> vector<1x1000xf32>
    %dot_general3A_132 = arith.constant dense<0.000000e+00> : vector<1x16xf32>
    %dot_general3A_133 = tpu.matmul %transpose3A, %convert_element_type3A_131, %dot_general3A_132 {dimension_numbers = #tpu.dot_dimension_numbers<[1], [0], [0], [1], [0, 0, 1, 1], [], []>, transpose_lhs_hint = false} : vector<1x1000xf32>, vector<1000x16xf32>, vector<1x16xf32> -> vector<1x16xf32>
    %eq3A_134 = arith.constant 0 : i32
    %eq3A_135 = arith.cmpi eq, %arg0, %eq3A_134 : i32
    %convert_element_type3A_136 = arith.extui %eq3A_135 : i1 to i32
    %cond3A = arith.constant 0 : i32
    %cond3A_137 = arith.cmpi ne, %convert_element_type3A_136, %cond3A : i32
    scf.if %cond3A_137 {
      %get3A_145 = arith.constant 0 : index
      %get3A_146 = arith.constant 0 : index
      %get3A_147 = vector.load %arg5[%get3A_145, %get3A_146] : memref<1x16xf32, #tpu.memory_space<vmem>>, vector<1x16xf32>
      %swap3A_148 = arith.constant 0 : index
      %swap3A_149 = arith.constant 0 : index
      %swap3A_150 = vector.load %arg13[%swap3A_148, %swap3A_149] : memref<1x16xf32, #tpu.memory_space<vmem>>, vector<1x16xf32>
      tpu.vector_store %arg13[%swap3A_148, %swap3A_149], %get3A_147 {strides = array<i32>} : memref<1x16xf32, #tpu.memory_space<vmem>>, vector<1x16xf32>,
    } else {
    }
    %get3A_138 = arith.constant 0 : index
    %get3A_139 = arith.constant 0 : index
    %get3A_140 = vector.load %arg13[%get3A_138, %get3A_139] : memref<1x16xf32, #tpu.memory_space<vmem>>, vector<1x16xf32>
    %add3A_141 = arith.addf %get3A_140, %dot_general3A_133 : vector<1x16xf32>
    %swap3A_142 = arith.constant 0 : index
    %swap3A_143 = arith.constant 0 : index
    %swap3A_144 = vector.load %arg13[%swap3A_142, %swap3A_143] : memref<1x16xf32, #tpu.memory_space<vmem>>, vector<1x16xf32>
    tpu.vector_store %arg13[%swap3A_142, %swap3A_143], %add3A_141 {strides = array<i32>} : memref<1x16xf32, #tpu.memory_space<vmem>>, vector<1x16xf32>,
    return
  }
  func.func @transform_0(%arg0: i32) -> (i32, i32, i32) {
    %c0_i32 = arith.constant 0 : i32
    %c0_i32_0 = arith.constant 0 : i32
    %c0_i32_1 = arith.constant 0 : i32
    return %c0_i32, %arg0, %c0_i32_0 : i32, i32, i32
  }
  func.func @transform_1(%arg0: i32) -> (i32, i32) {
    %c0_i32 = arith.constant 0 : i32
    %c0_i32_0 = arith.constant 0 : i32
    return %arg0, %c0_i32 : i32, i32
  }
  func.func @transform_2(%arg0: i32) -> (i32, i32) {
    %c0_i32 = arith.constant 0 : i32
    %c0_i32_0 = arith.constant 0 : i32
    return %arg0, %c0_i32 : i32, i32
  }
  func.func @transform_3(%arg0: i32) -> (i32, i32) {
    %c0_i32 = arith.constant 0 : i32
    %c0_i32_0 = arith.constant 0 : i32
    return %arg0, %c0_i32 : i32, i32
  }
  func.func @transform_4(%arg0: i32) -> (i32, i32) {
    %c0_i32 = arith.constant 0 : i32
    %c0_i32_0 = arith.constant 0 : i32
    %c0_i32_1 = arith.constant 0 : i32
    return %c0_i32, %c0_i32_0 : i32, i32
  }
  func.func @transform_5(%arg0: i32) -> (i32, i32, i32) {
    %c0_i32 = arith.constant 0 : i32
    %c0_i32_0 = arith.constant 0 : i32
    %c0_i32_1 = arith.constant 0 : i32
    %c0_i32_2 = arith.constant 0 : i32
    return %c0_i32, %c0_i32_0, %c0_i32_1 : i32, i32, i32
  }
  func.func @transform_6(%arg0: i32) -> (i32, i32) {
    %c0_i32 = arith.constant 0 : i32
    %c0_i32_0 = arith.constant 0 : i32
    %c0_i32_1 = arith.constant 0 : i32
    return %c0_i32, %c0_i32_0 : i32, i32
  }
  func.func @transform_7(%arg0: i32) -> (i32, i32, i32) {
    %c0_i32 = arith.constant 0 : i32
    %c0_i32_0 = arith.constant 0 : i32
    %c0_i32_1 = arith.constant 0 : i32
    %c0_i32_2 = arith.constant 0 : i32
    return %c0_i32, %c0_i32_0, %c0_i32_1 : i32, i32, i32
  }
  func.func @transform_8(%arg0: i32) -> (i32, i32) {
    %c0_i32 = arith.constant 0 : i32
    %c0_i32_0 = arith.constant 0 : i32
    %c0_i32_1 = arith.constant 0 : i32
    return %c0_i32, %c0_i32_0 : i32, i32
  }
  func.func @transform_9(%arg0: i32) -> (i32, i32) {
    %c0_i32 = arith.constant 0 : i32
    %c0_i32_0 = arith.constant 0 : i32
    %c0_i32_1 = arith.constant 0 : i32
    return %c0_i32, %c0_i32_0 : i32, i32
  }
  func.func @transform_10(%arg0: i32) -> (i32, i32) {
    %c0_i32 = arith.constant 0 : i32
    %c0_i32_0 = arith.constant 0 : i32
    %c0_i32_1 = arith.constant 0 : i32
    return %c0_i32, %c0_i32_0 : i32, i32
  }
  func.func @transform_11(%arg0: i32) -> (i32, i32) {
    %c0_i32 = arith.constant 0 : i32
    %c0_i32_0 = arith.constant 0 : i32
    return %arg0, %c0_i32 : i32, i32
  }
  func.func @transform_12(%arg0: i32) -> (i32, i32) {
    %c0_i32 = arith.constant 0 : i32
    %c0_i32_0 = arith.constant 0 : i32
    %c0_i32_1 = arith.constant 0 : i32
    return %c0_i32, %c0_i32_0 : i32, i32
  }
}

</mosaic_0001>

<sc_bundles>
// kernel: kernel.12.cloned.1.call-start
scs
__scs_entry_jumppad:
0x0: {  	(pc) =	sbr.rel $0x88, $3  }
0x1: {  	(tag) =	ssettag $0x0;
	lr =	simm.s32 $0x1  }
0x2: {  	[smem:$0x3F91] =	sst lr;
	_ =	strace $0xD0000000  }
0x3: {  	_ = 	snop  }
0x4: {  	_ = 	snop  }
0x5: {  	_ = 	snop  }
0x6: {  	_ = 	snop  }
0x7: {  	_ = 	snop  }
__scs_overlays_trampoline_lowered:
0x8: {  	[smem:$0x3FA0] =	sst s0  }
0x9: {  	[smem:$0x3FA1] =	sst s1  }
0xa: {  	[smem:$0x3FA2] =	sst s2  }
0xb: {  	[smem:$0x3FA3] =	sst s3  }
0xc: {  	[smem:$0x3FA4] =	sst s4  }
0xd: {  	[smem:$0x3FA5] =	sst s5  }
0xe: {  	[smem:$0x3FA6] =	sst s6  }
0xf: {  	[smem:$0x3FA7] =	sst s7  }
0x10: {  	[smem:$0x3FA8] =	sst s8  }
0x11: {  	[smem:$0x3FA9] =	sst s9;
	s0 =	simm.s32 @!p0 $0x0  }
0x12: {  	s1 =	sld [smem:$0x3F8F];
	s0 =	simm.s32 @p0 $0x1  }
0x13: {  	[smem:$0x3FAA] =	sst s0;
	s0 =	simm.s32 @!p1 $0x0  }
0x14: {  	s2 =	sld [smem:$0x3F8E];
	s0 =	simm.s32 @p1 $0x1  }
0x15: {  	[smem:$0x3FAB] =	sst s0;
	s0 =	simm.s32 @!p2 $0x0  }
0x16: {  	s3 =	sld [smem:$0x3FDB];
	s0 =	simm.s32 @p2 $0x1  }
0x17: {  	s4 =	simm.s32 $0x1BF5;
	[smem:$0x3FAD] =	sst s0  }
0x18: {  	s0 =	sld [smem:$0x3F90];
	_ =	swait.ge [sflag:s4], $0x0  }
0x19: {  	s7 =	sld [smem:$0x3F91]  }
0x1a: {  	s8 =	sadd.s32 $0xFFFFE003, lr  }
0x1b: {  	s9 =	sadd.s32 $0xFFFFFEF7, lr;
	s5 =	simm.s32 $0xFFFFFFFF;
	p2 =	slt.u32 s8, $0xFFFFF086  }
0x1c: {  	p1 =	slt.u32 s9, $0xF7A;
	s5 =	simm.s32 @!p2 $0x0  }
0x1d: {  	s5 =	simm.s32 @p1 $0x1;
	p0 =	seq.s32 s7, s2  }
0x1e: {  	s7 =	smul.u32 @!p0 $0xF7A, s2;
	p2 =	seq.s32 @!p0 s5, $0x0  }
0x1f: {  	s9 =	smul.u32 $0xF7A, s1;
	s8 =	simm.s32 @!p0 $0x1BF5;
	p2 =	por !p2, p0  }
0x20: {  	[sflag:s8] =	ssyncset.s32 @!p0 $0xFFFFF086;
	s6 =	sadd.s32 @!p0 s3, s7;
	s7 =	simm.s32 @!p0 $0x108  }
0x21: {  	s3 =	sadd.s32 s3, s9;
	s6 =	sadd.s32 @!p0 $0x88, s6;
	s7 =	simm.s32 @p2 $0x1082  }
0x22: {  	[simem:s7], [sflag:s8] =	dma.local @!p0 [hbm:s6], $0xF7A  }
0x23: {  	s9 =	sor.u32 $0xD0000000, s2;
	s6 =	simm.s32 $0x108;
	_ =	swait.ge @!p0 [sflag:s8], $0x0  }
0x24: {  	s3 =	sadd.s32 $0x88, s3;
	s6 =	simm.s32 @!p1 $0x1082;
	[sflag:s4] =	ssyncset.s32 $0xFFFFF086  }
0x25: {  	[simem:s6], [sflag:s4] =	dma.local [hbm:s3], $0xF7A  }
0x26: {  	[smem:$0x3F91] =	sst s1;
	(tag) =	ssettag s2;
	_ =	strace s9  }
0x27: {  	s1 =	sld [smem:$0x3FA1]  }
0x28: {  	s2 =	sld [smem:$0x3FA2]  }
0x29: {  	s4 =	sld [smem:$0x3FA4]  }
0x2a: {  	p0 =	seq.s32 s5, $0x0;
	s5 =	sld [smem:$0x3FA5]  }
0x2b: {  	s6 =	sld [smem:$0x3FA6]  }
0x2c: {  	s7 =	sld [smem:$0x3FA7]  }
0x2d: {  	s3 =	simm.s32 $0x108;
	s8 =	sld [smem:$0x3FA8]  }
0x2e: {  	s3 =	simm.s32 @!p0 $0x1082;
	s9 =	sld [smem:$0x3FA9]  }
0x2f: {  	lr =	sadd.s32 s0, s3;
	s0 =	sld [smem:$0x3FA0]  }
0x30: {  	s3 =	sld [smem:$0x3FA3]  }
0x31: {  	[smem:$0x3FAC] =	sst s10  }
0x32: {  	s10 =	sld [smem:$0x3FAA];
	_ =	sdelay $0x3  }
0x33: {  	p0 =	seq.s32 s10, $0x1;
	s10 =	sld [smem:$0x3FAC];
	_ =	sdelay $0x3  }
0x34: {  	[smem:$0x3FAC] =	sst s10  }
0x35: {  	s10 =	sld [smem:$0x3FAB];
	_ =	sdelay $0x3  }
0x36: {  	p1 =	seq.s32 s10, $0x1;
	s10 =	sld [smem:$0x3FAC];
	_ =	sdelay $0x3  }
0x37: {  	[smem:$0x3FAC] =	sst s10  }
0x38: {  	s10 =	sld [smem:$0x3FAD]  }
0x39: {  	_ = 	snop;
	(pc) =	sbr.ind lr, $3  }
0x3a: {  	_ = 	snop  }
0x3b: {  	_ = 	snop  }
0x3c: {  	p2 =	seq.s32 s10, $0x1;
	s10 =	sld [smem:$0x3FAC]  }
0x3d: {  	_ =	shalt  }
0x3e: {  	_ =	shalt  }
0x3f: {  	_ =	shalt  }
0x40: {  	_ =	shalt  }
0x41: {  	_ =	shalt  }
0x42: {  	_ =	shalt  }
0x43: {  	_ =	shalt  }
0x44: {  	_ =	shalt  }
0x45: {  	_ =	shalt  }
0x46: {  	_ =	shalt  }
0x47: {  	_ =	shalt  }
0x48: {  	_ =	shalt  }
0x49: {  	_ =	shalt  }
0x4a: {  	_ =	shalt  }
0x4b: {  	_ =	shalt  }
0x4c: {  	_ =	shalt  }
0x4d: {  	_ =	shalt  }
0x4e: {  	_ =	shalt  }
0x4f: {  	_ =	shalt  }
0x50: {  	_ =	shalt  }
0x51: {  	_ =	shalt  }
0x52: {  	_ =	shalt  }
0x53: {  	_ =	shalt  }
0x54: {  	_ =	shalt  }
0x55: {  	_ =	shalt  }
0x56: {  	_ =	shalt  }
0x57: {  	_ =	shalt  }
0x58: {  	_ =	shalt  }
0x59: {  	_ =	shalt  }
0x5a: {  	_ =	shalt  }
0x5b: {  	_ =	shalt  }
0x5c: {  	_ =	shalt  }
0x5d: {  	_ =	shalt  }
0x5e: {  	_ =	shalt  }
0x5f: {  	_ =	shalt  }
0x60: {  	_ =	shalt  }
0x61: {  	_ =	shalt  }
0x62: {  	_ =	shalt  }
0x63: {  	_ =	shalt  }
0x64: {  	_ =	shalt  }
0x65: {  	_ =	shalt  }
0x66: {  	_ =	shalt  }
0x67: {  	_ =	shalt  }
0x68: {  	_ =	shalt  }
0x69: {  	_ =	shalt  }
0x6a: {  	_ =	shalt  }
0x6b: {  	_ =	shalt  }
0x6c: {  	_ =	shalt  }
0x6d: {  	_ =	shalt  }
0x6e: {  	_ =	shalt  }
0x6f: {  	_ =	shalt  }
0x70: {  	_ =	shalt  }
0x71: {  	_ =	shalt  }
0x72: {  	_ =	shalt  }
0x73: {  	_ =	shalt  }
0x74: {  	_ =	shalt  }
0x75: {  	_ =	shalt  }
0x76: {  	_ =	shalt  }
0x77: {  	_ =	shalt  }
0x78: {  	_ =	shalt  }
0x79: {  	_ =	shalt  }
0x7a: {  	_ =	shalt  }
0x7b: {  	_ =	shalt  }
0x7c: {  	_ =	shalt  }
0x7d: {  	_ =	shalt  }
0x7e: {  	_ =	shalt  }
0x7f: {  	_ =	shalt  }
0x80: {  	_ =	shalt  }
0x81: {  	_ =	shalt  }
0x82: {  	_ =	shalt  }
0x83: {  	_ =	shalt  }
0x84: {  	_ =	shalt  }
0x85: {  	_ =	shalt  }
0x86: {  	_ =	shalt  }
0x87: {  	_ =	shalt  }
.Lfunc_end0:
.L_simem_size_0:
called_computation.1_lowered:
.L_overlay_start_0:
0x88: {  	s2 =	sld [smem:$0x3FD9]  }
0x89: {  	s3 =	sld [smem:$0x3FFE];
	_ =	sdelay $0x1  }
0x8a: {  	s1 =	srdreg.scid  }
0x8b: {  	s0 =	sand.u32 $0x1, s1  }
0x8c: {  	s16 =	sshll.u32 s0, $0xA;
	s2 =	sadd.s32 s3, s2  }
0x8d: {  	s2 =	sadd.s32 s2, s16  }
0x8e: {  	[smem:$0x3FB8] =	sst s2  }
0x8f: {  	_ = 	snop  }
0x90: {  	(tm) =	ssettm $0x1  }
0x91: {  	s17 =	sld [smem:$0x3FFB];
	_ =	sdelay $0x3  }
0x92: {  	_ =	strace s17  }
0x93: {  	s2 =	sld [smem:$0x3FFC];
	_ =	sdelay $0x3  }
0x94: {  	_ =	strace s2  }
0x95: {  	s2 =	sld [smem:$0x3FFD];
	_ =	sdelay $0x3  }
0x96: {  	_ =	strace s2  }
0x97: {  	_ =	strace $0x8FFFFFFF  }
0x98: {  	s18 =	sld [smem:$0x3FDB];
	_ =	sdelay $0x1  }
0x99: {  	s19 =	simm.s32 $_scs_section_size  }
0x9a: {  	s4 =	simm.s32 $_size__tile_overlayer_lowered;
	s5 =	simm.s32 $_tile_overlayer_lowered  }
0x9b: {  	s22 =	simm.s32 $0x1BFF;
	s21 =	sshll.u32 s5, $0x1;
	s2 =	sadd.s32 s19, s18  }
0x9c: {  	s6 =	simm.s32 $0x0;
	s20 =	sshll.u32 s4, $0x1;
	s4 =	sadd.s32 s21, s2  }
0x9d: {  	[timem:s6], [sflag:s22] =	dma.local [hbm:s4], s20  }
0x9e: {  	_ =	swait.ge [sflag:s22], s20  }
0x9f: {  	s3 =	ssub.s32 $0x0, s20;
	[sflag:s22] =	ssyncset.done $0x0  }
0xa0: {  	[sflag:s22] =	ssyncadd.s32 s3;
	_ =	sdelay $0x1  }
0xa1: {  	s23 =	simm.s32 $0x1B8B  }
0xa2: {  	_ =	swait.ge [sflag:s23], $0x1  }
0xa3: {  	[sflag:s23] =	ssyncset.done $0x0  }
0xa4: {  	s25 =	simm.s32 $0x1B8E;
	s24 =	sld [smem:$0x3FFE];
	[sflag:s23] =	ssyncadd.s32 $0xFFFFFFFF  }
0xa5: {  	s26 =	simm.s32 $execute0_lowered;
	[smem:$0x3FD2] =	sst s25  }
0xa6: {  	s4 =	sshll.u32 s26, $0x1;
	_ =	strace $0x80000049;
	[dreg:$0x1] =	wrdreg $0xFFFFFFFF  }
0xa7: {  	s28 =	simm.s32 $_size_execute0_lowered;
	s2 =	sadd.s32 s2, s4;
	[dreg:$0x0] =	wrdreg $0x0  }
0xa8: {  	s4 =	sshll.u32 s28, $0x1;
	[dreg:$0x2] =	wrdreg s2  }
0xa9: {  	[dreg:$0x3] =	wrdreg s4  }
0xaa: {  	[dreg:$0x4] =	wrdreg $0xC0  }
0xab: {  	_ =	task [dreg:s6], $0x5FFFF  }
0xac: {  	[dreg:$0x1] =	wrdreg $0xFFFFFFFF  }
0xad: {  	[dreg:$0x0] =	wrdreg $0x60  }
0xae: {  	[dreg:$0x2] =	wrdreg s24  }
0xaf: {  	[dreg:$0x3] =	wrdreg $0x48000  }
0xb0: {  	[dreg:$0x4] =	wrdreg $0x9  }
0xb1: {  	_ =	task.clear_ibuf [dreg:s6], $0x5FFFF;
	_ =	strace $0x90000049  }
0xb2: {  	s29 =	simm.s32 $0x9;
	_ =	strace $0x8000004B  }
0xb3: {  	_ =	swait.ge [sflag:s29], $0x1  }
0xb4: {  	[sflag:s29] =	ssyncadd.s32 $0xFFFFFFFF  }
0xb5: {  	_ =	strace $0x9000004B  }
0xb6: {  	_ =	sfence  }
0xb7: {  	s30 =	sld [smem:$0x0];
	_ =	sdelay $0x2  }
0xb8: {  	s31 =	sshll.u32 s1, $0xD;
	s1 =	sshrl.u32 s1, $0x2  }
0xb9: {  	s3 =	sand.u32 $0x4000, s31;
	s1 =	sadd.s32 s1, s30  }
0xba: {  	s0 =	sor.u32 s3, s0;
	s1 =	sshll.u32 s1, $0x11  }
0xbb: {  	s0 =	sor.u32 s1, s0  }
0xbc: {  	s0 =	sadd.s32 $0x8F2B, s0  }
0xbd: {  	[sflag:s0] =	ssyncadd.remote.s32 $0x1  }
0xbe: {  	_ =	sfence.sel $0xFFFF  }
0xbf: {  	[dreg:$0x0] =	wrdreg $0xFFFFFFFF;
	(pc) =	sbr.abs _section_cstart, $3  }
0xc0: {  	[dreg:$0x1] =	wrdreg $0xFFFFFFFF  }
0xc1: {  	_ =	task.clear_ibuf [dreg:s6], $0x2FFFF;
	_ =	strace $0x9FFFFFFF  }
0xc2: {  	(tm) =	ssettm $0x7FFFFFFF  }
0xc3: {  	_ =	shalt  }
tec
execute0_lowered:
.L_overlay_start_1:
0x0: {  	(tag) =	ssettag $0x1  }
0x1: {  	s1 =	srdreg.scid;
	s6 =	rddreg [dreg:$0x0]  }
0x2: {  	s0 =	stileid.u32;
	s2 =	rddreg [dreg:$0x1]  }
0x3: {  	s3 =	simm.s32 $0x0;
	s17 =	simm.s32 $0x80;
	s4 =	smul.u32 $0x280000, s0  }
0x4: {  	s5 =	sand.u32 $0x1, s1;
	s1 =	rddreg [dreg:$0x2];
	s26 =	smul.u32 $0x2800, s0  }
0x5: {  	s18 =	simm.s32 $0x0;
	[smem:$0x7FF] =	sst s3;
	s9 =	smul.u32 $0x50000, s0  }
0x6: {  	s10 =	sadd.s32 $0x58400, s6;
	s14 =	sshll.u32 s0, $0x1;
	s15 =	smul.u32 $0x14000, s0  }
0x7: {  	s16 =	sadd.s32 $0x12C000, s2;
	p0 =	seq.s32 s0, $0xF;
	s7 =	smul.u32 $0x140000, s5  }
0x8: {  	_ =	strace $0x8000004A;
	s8 =	ssub.s32 $0x2, s5;
	s13 =	smul.u32 $0x138800, s5  }
0x9: {  	s28 =	sor.u32 s5, s14;
	s12 =	sshrl.u32 s8, $0x1;
	s9 =	sshrl.u32 s9, $0x2  }
0xa: {  	s4 =	sadd.s32 s7, s4;
	s7 =	sadd.s32 s26, s6;
	s12 =	ssub.s32 s8, s12  }
0xb: {  	s14 =	sadd.s32 s9, s2;
	s29 =	sadd.s32 s15, s13;
	s13 =	sshrl.u32 s13, $0x3  }
0xc: {  	s15 =	simm.s32 $0x1;
	s4 =	sshrl.u32 s4, $0x3;
	s5 =	sadd.s32 $0x31200, s7  }
0xd: {  	s30 =	sshrl.u32 s29, $0x3;
	s7 =	smul.u32 $0x50, s28;
	s31 =	sadd.s32 s10, s13  }
0xe: {  	s13 =	sshll.u32 @!p0 s0, $0x6;
	s14 =	sshrl.u32 @!p0 s14, $0x3;
	s11 =	sadd.s32 s4, s6  }
0xf: {  	s4 =	sadd.s32 $0x1D200, s6;
	s6 =	sadd.s32 $0x56A00, s6;
	s8 =	sadd.s32 s10, s30  }
0x10: {  	s9 =	sadd.s32 $0x25800, s31;
	s10 =	smax.u32 s12, $0x1;
	s12 =	sshrl.u32 @p0 s16, $0x3  }
0x11: {  	s13 =	sor.u32 @!p0 $0x1C01, s13;
	s16 =	simm.s32 $0x800;
	s11 =	sadd.s32 $0x14B3200, s11  }
.LBB2_1:
0x12: {  	s19 =	simm.s32 @p0 $0x1FC1  }
0x13: {  	[spmem:s12], [sflag:s19] =	dma.local @p0 [hbm:s6], $0x1900  }
0x14: {  	s19 =	simm.s32 @p0 $0x1  }
0x15: {  	_ =	swait.ge @p0 [sflag:s19], $0x1900  }
0x16: {  	[sflag:s19] =	ssyncset.done @p0 $0x0  }
0x17: {  	[sflag:s19] =	ssyncadd.s32 @p0 $0xFFFFE700;
	s19 =	simm.s32 @!p0 $0x1  }
0x18: {  	[spmem:s14], [sflag:s13] =	dma.local @!p0 [hbm:s5], $0x2800  }
0x19: {  	_ =	swait.ge @!p0 [sflag:s19], $0x2800  }
0x1a: {  	[sflag:s19] =	ssyncset.done @!p0 $0x0  }
0x1b: {  	[sflag:s19] =	ssyncadd.s32 @!p0 $0xFFFFD800  }
0x1c: {  	s20 =	simm.s32 $0x0;
	s19 =	smov.u32 s11;
	[bflag:$0x0] =	sbarrier.arrive $0xFFFF  }
.LBB2_2:
0x1d: {  	s21 =	sshll.u32 s20, $0x4  }
0x1e: {  	s21 =	sadd.s32 s7, s21  }
0x1f: {  	s21 =	sshll.u32 s21, $0x4  }
0x20: {  	s22 =	simm.s32 $0x0;
	s21 =	sadd.s32 s4, s21  }
0x21: {  	[tilespmem:s22], [sflag:$0x1] =	stream.linear.gather [hbm4b:s21+s22], $0x800, $0x38;
	[tilespmem:$0x18080] =	vst v63  }
0x22: {  	_ =	swait.ge [sflag:s15], $0x800  }
0x23: {  	[sflag:s15] =	ssyncset.done $0x0  }
0x24: {  	[sflag:s15] =	ssyncadd.s32 $0xFFFFF800  }
0x25: {  	[tilespmem:s16], [sflag:$0x1] =	stream.linear.gather [hbm4b:s19+s3], $0x4000, $0x38;
	[tilespmem:$0x18080] =	vst v63  }
0x26: {  	_ =	swait.ge [sflag:s15], $0x4000  }
0x27: {  	[sflag:s15] =	ssyncset.done $0x0  }
0x28: {  	s31 =	simm.s32 $0x0;
	[sflag:s15] =	ssyncadd.s32 $0xFFFFC000  }
0x29: {  	[spmem:s2] =	stream.indirect.scatter.add.f32 [tilespmem:s16], [sflag:$0x1], $0x80, s31, s17, $0xb8;
	[tilespmem:$0x18080] =	vst v63  }
0x2a: {  	_ =	swait.ge [sflag:s15], $0x4000  }
0x2b: {  	s21 =	simm.s32 $0x200;
	s22 =	smov.u32 s19;
	[sflag:s15] =	ssyncset.done $0x0  }
.LBB2_3:
0x2c: {  	p1 =	sne.s32 s21, $0x1E00;
	[sflag:s15] =	ssyncadd.s32 $0xFFFFC000;
	s22 =	sadd.s32 $0x800, s22  }
0x2d: {  	[tilespmem:s16], [sflag:$0x1] =	stream.linear.gather [hbm4b:s22+s3], $0x4000, $0x38;
	[tilespmem:$0x18080] =	vst v63  }
0x2e: {  	s23 =	smov.u32 s21;
	s21 =	sadd.s32 $0x200, s21;
	_ =	swait.ge [sflag:s15], $0x4000  }
.Ltmp0:
0x2f: {  	[sflag:s15] =	ssyncset.done $0x0;
	(pc) =	sbr.rel @p1 .LBB2_3-.Ltmp0, $4  }
0x30: {  	s23 =	sshra.s32 s23, $0x2;
	[sflag:s15] =	ssyncadd.s32 $0xFFFFC000  }
0x31: {  	[spmem:s2] =	stream.indirect.scatter.add.f32 [tilespmem:s16], [sflag:$0x1], $0x80, s23, s17, $0xb8;
	[tilespmem:$0x18080] =	vst v63  }
0x32: {  	_ =	swait.ge [sflag:s15], $0x4000  }
0x33: {  	[sflag:s15] =	ssyncset.done $0x0  }
0x34: {  	s20 =	sadd.s32 $0x1, s20  }
0x35: {  	p1 =	sne.s32 s20, $0x5  }
.Ltmp1:
0x36: {  	_ = 	snop;
	(pc) =	sbr.rel @p1 .LBB2_2-.Ltmp1, $2  }
0x37: {  	_ =	sdelay $0x2  }
0x38: {  	[sflag:s15] =	ssyncadd.s32 $0xFFFFC000;
	s19 =	sadd.s32 $0x8000, s19  }
0x39: {  	[bflag:$0x0] =	sbarrier.arrive $0xFFFF;
	s19 =	simm.s32 @p0 $0x1FC1  }
0x3a: {  	[hbm:s9], [sflag:s19] =	dma.local @p0 [spmem:s12], $0x1900  }
0x3b: {  	s19 =	simm.s32 @p0 $0x1  }
0x3c: {  	s18 =	sadd.s32 $0x1, s18;
	_ =	swait.ge @p0 [sflag:s19], $0x1900  }
0x3d: {  	p1 =	sne.s32 s18, s10;
	[sflag:s19] =	ssyncset.done @p0 $0x0  }
.Ltmp2:
0x3e: {  	[sflag:s19] =	ssyncadd.s32 @p0 $0xFFFFE700;
	s19 =	simm.s32 @!p0 $0x1;
	(pc) =	sbr.rel @p1 .LBB2_1-.Ltmp2, $4  }
0x3f: {  	[hbm:s8], [sflag:s13] =	dma.local @!p0 [spmem:s14], $0x2800  }
0x40: {  	_ =	swait.ge @!p0 [sflag:s19], $0x2800  }
0x41: {  	[sflag:s19] =	ssyncset.done @!p0 $0x0  }
0x42: {  	[sflag:s19] =	ssyncadd.s32 @!p0 $0xFFFFD800  }
0x43: {  	_ =	sfence.sel $0x180000  }
0x44: {  	[bflag:$0x0] =	sbarrier.arrive $0xFFFF  }
0x45: {  	p0 =	sne.s32 s0, $0x0;
	_ =	strace $0x9000004A  }
0x46: {  	s0 =	sadd.s32 @!p0 $0x100000, s1;
	[bflag:$0x2] =	sbarrier.arrive $0xFFFF  }
0x47: {  	[sflag:s0] =	ssyncadd.tile.s32 @!p0 $0x1;
	_ =	shalt  }
.Lfunc_end2:
_tile_overlayer_lowered:
.L_overlay_start_2:
0x48: {  	(tag) =	ssettag $0x2  }
0x49: {  	s0 =	rddreg [dreg:$0x0];
	s2 =	stileid.u32  }
0x4a: {  	s1 =	rddreg [dreg:$0x1];
	p0 =	sne.s32 s2, $0x0  }
0x4b: {  	s3 =	rddreg [dreg:$0x2];
	[bflag:$0x3] =	sbarrier.arrive $0xFFFF;
	s2 =	simm.s32 @!p0 $0x1C01  }
0x4c: {  	[timem:s3], [sflag:s2] =	dma.local @!p0 [hbm:s0], s1  }
0x4d: {  	s0 =	simm.s32 @!p0 $0x1  }
0x4e: {  	_ =	swait.ge @!p0 [sflag:s0], s1  }
0x4f: {  	s1 =	ssub.s32 @!p0 $0x0, s1;
	[sflag:s0] =	ssyncset.done @!p0 $0x0  }
0x50: {  	[sflag:s0] =	ssyncadd.s32 @!p0 s1  }
0x51: {  	[bflag:$0x3] =	sbarrier.arrive $0xFFFF  }
0x52: {  	_ =	shalt  }

// kernel: kernel.15.cloned.1.call-start
scs
__scs_entry_jumppad:
0x0: {  	(pc) =	sbr.rel $0x88, $3  }
0x1: {  	(tag) =	ssettag $0x0;
	lr =	simm.s32 $0x1  }
0x2: {  	[smem:$0x3F91] =	sst lr;
	_ =	strace $0xD0000000  }
0x3: {  	_ = 	snop  }
0x4: {  	_ = 	snop  }
0x5: {  	_ = 	snop  }
0x6: {  	_ = 	snop  }
0x7: {  	_ = 	snop  }
__scs_overlays_trampoline_lowered:
0x8: {  	[smem:$0x3FA0] =	sst s0  }
0x9: {  	[smem:$0x3FA1] =	sst s1  }
0xa: {  	[smem:$0x3FA2] =	sst s2  }
0xb: {  	[smem:$0x3FA3] =	sst s3  }
0xc: {  	[smem:$0x3FA4] =	sst s4  }
0xd: {  	[smem:$0x3FA5] =	sst s5  }
0xe: {  	[smem:$0x3FA6] =	sst s6  }
0xf: {  	[smem:$0x3FA7] =	sst s7  }
0x10: {  	[smem:$0x3FA8] =	sst s8  }
0x11: {  	[smem:$0x3FA9] =	sst s9;
	s0 =	simm.s32 @!p0 $0x0  }
0x12: {  	s1 =	sld [smem:$0x3F8F];
	s0 =	simm.s32 @p0 $0x1  }
0x13: {  	[smem:$0x3FAA] =	sst s0;
	s0 =	simm.s32 @!p1 $0x0  }
0x14: {  	s2 =	sld [smem:$0x3F8E];
	s0 =	simm.s32 @p1 $0x1  }
0x15: {  	[smem:$0x3FAB] =	sst s0;
	s0 =	simm.s32 @!p2 $0x0  }
0x16: {  	s3 =	sld [smem:$0x3FDB];
	s0 =	simm.s32 @p2 $0x1  }
0x17: {  	s4 =	simm.s32 $0x1BF5;
	[smem:$0x3FAD] =	sst s0  }
0x18: {  	s0 =	sld [smem:$0x3F90];
	_ =	swait.ge [sflag:s4], $0x0  }
0x19: {  	s7 =	sld [smem:$0x3F91]  }
0x1a: {  	s8 =	sadd.s32 $0xFFFFE003, lr  }
0x1b: {  	s9 =	sadd.s32 $0xFFFFFEF7, lr;
	s5 =	simm.s32 $0xFFFFFFFF;
	p2 =	slt.u32 s8, $0xFFFFF086  }
0x1c: {  	p1 =	slt.u32 s9, $0xF7A;
	s5 =	simm.s32 @!p2 $0x0  }
0x1d: {  	s5 =	simm.s32 @p1 $0x1;
	p0 =	seq.s32 s7, s2  }
0x1e: {  	s7 =	smul.u32 @!p0 $0xF7A, s2;
	p2 =	seq.s32 @!p0 s5, $0x0  }
0x1f: {  	s9 =	smul.u32 $0xF7A, s1;
	s8 =	simm.s32 @!p0 $0x1BF5;
	p2 =	por !p2, p0  }
0x20: {  	[sflag:s8] =	ssyncset.s32 @!p0 $0xFFFFF086;
	s6 =	sadd.s32 @!p0 s3, s7;
	s7 =	simm.s32 @!p0 $0x108  }
0x21: {  	s3 =	sadd.s32 s3, s9;
	s6 =	sadd.s32 @!p0 $0x88, s6;
	s7 =	simm.s32 @p2 $0x1082  }
0x22: {  	[simem:s7], [sflag:s8] =	dma.local @!p0 [hbm:s6], $0xF7A  }
0x23: {  	s9 =	sor.u32 $0xD0000000, s2;
	s6 =	simm.s32 $0x108;
	_ =	swait.ge @!p0 [sflag:s8], $0x0  }
0x24: {  	s3 =	sadd.s32 $0x88, s3;
	s6 =	simm.s32 @!p1 $0x1082;
	[sflag:s4] =	ssyncset.s32 $0xFFFFF086  }
0x25: {  	[simem:s6], [sflag:s4] =	dma.local [hbm:s3], $0xF7A  }
0x26: {  	[smem:$0x3F91] =	sst s1;
	(tag) =	ssettag s2;
	_ =	strace s9  }
0x27: {  	s1 =	sld [smem:$0x3FA1]  }
0x28: {  	s2 =	sld [smem:$0x3FA2]  }
0x29: {  	s4 =	sld [smem:$0x3FA4]  }
0x2a: {  	p0 =	seq.s32 s5, $0x0;
	s5 =	sld [smem:$0x3FA5]  }
0x2b: {  	s6 =	sld [smem:$0x3FA6]  }
0x2c: {  	s7 =	sld [smem:$0x3FA7]  }
0x2d: {  	s3 =	simm.s32 $0x108;
	s8 =	sld [smem:$0x3FA8]  }
0x2e: {  	s3 =	simm.s32 @!p0 $0x1082;
	s9 =	sld [smem:$0x3FA9]  }
0x2f: {  	lr =	sadd.s32 s0, s3;
	s0 =	sld [smem:$0x3FA0]  }
0x30: {  	s3 =	sld [smem:$0x3FA3]  }
0x31: {  	[smem:$0x3FAC] =	sst s10  }
0x32: {  	s10 =	sld [smem:$0x3FAA];
	_ =	sdelay $0x3  }
0x33: {  	p0 =	seq.s32 s10, $0x1;
	s10 =	sld [smem:$0x3FAC];
	_ =	sdelay $0x3  }
0x34: {  	[smem:$0x3FAC] =	sst s10  }
0x35: {  	s10 =	sld [smem:$0x3FAB];
	_ =	sdelay $0x3  }
0x36: {  	p1 =	seq.s32 s10, $0x1;
	s10 =	sld [smem:$0x3FAC];
	_ =	sdelay $0x3  }
0x37: {  	[smem:$0x3FAC] =	sst s10  }
0x38: {  	s10 =	sld [smem:$0x3FAD]  }
0x39: {  	_ = 	snop;
	(pc) =	sbr.ind lr, $3  }
0x3a: {  	_ = 	snop  }
0x3b: {  	_ = 	snop  }
0x3c: {  	p2 =	seq.s32 s10, $0x1;
	s10 =	sld [smem:$0x3FAC]  }
0x3d: {  	_ =	shalt  }
0x3e: {  	_ =	shalt  }
0x3f: {  	_ =	shalt  }
0x40: {  	_ =	shalt  }
0x41: {  	_ =	shalt  }
0x42: {  	_ =	shalt  }
0x43: {  	_ =	shalt  }
0x44: {  	_ =	shalt  }
0x45: {  	_ =	shalt  }
0x46: {  	_ =	shalt  }
0x47: {  	_ =	shalt  }
0x48: {  	_ =	shalt  }
0x49: {  	_ =	shalt  }
0x4a: {  	_ =	shalt  }
0x4b: {  	_ =	shalt  }
0x4c: {  	_ =	shalt  }
0x4d: {  	_ =	shalt  }
0x4e: {  	_ =	shalt  }
0x4f: {  	_ =	shalt  }
0x50: {  	_ =	shalt  }
0x51: {  	_ =	shalt  }
0x52: {  	_ =	shalt  }
0x53: {  	_ =	shalt  }
0x54: {  	_ =	shalt  }
0x55: {  	_ =	shalt  }
0x56: {  	_ =	shalt  }
0x57: {  	_ =	shalt  }
0x58: {  	_ =	shalt  }
0x59: {  	_ =	shalt  }
0x5a: {  	_ =	shalt  }
0x5b: {  	_ =	shalt  }
0x5c: {  	_ =	shalt  }
0x5d: {  	_ =	shalt  }
0x5e: {  	_ =	shalt  }
0x5f: {  	_ =	shalt  }
0x60: {  	_ =	shalt  }
0x61: {  	_ =	shalt  }
0x62: {  	_ =	shalt  }
0x63: {  	_ =	shalt  }
0x64: {  	_ =	shalt  }
0x65: {  	_ =	shalt  }
0x66: {  	_ =	shalt  }
0x67: {  	_ =	shalt  }
0x68: {  	_ =	shalt  }
0x69: {  	_ =	shalt  }
0x6a: {  	_ =	shalt  }
0x6b: {  	_ =	shalt  }
0x6c: {  	_ =	shalt  }
0x6d: {  	_ =	shalt  }
0x6e: {  	_ =	shalt  }
0x6f: {  	_ =	shalt  }
0x70: {  	_ =	shalt  }
0x71: {  	_ =	shalt  }
0x72: {  	_ =	shalt  }
0x73: {  	_ =	shalt  }
0x74: {  	_ =	shalt  }
0x75: {  	_ =	shalt  }
0x76: {  	_ =	shalt  }
0x77: {  	_ =	shalt  }
0x78: {  	_ =	shalt  }
0x79: {  	_ =	shalt  }
0x7a: {  	_ =	shalt  }
0x7b: {  	_ =	shalt  }
0x7c: {  	_ =	shalt  }
0x7d: {  	_ =	shalt  }
0x7e: {  	_ =	shalt  }
0x7f: {  	_ =	shalt  }
0x80: {  	_ =	shalt  }
0x81: {  	_ =	shalt  }
0x82: {  	_ =	shalt  }
0x83: {  	_ =	shalt  }
0x84: {  	_ =	shalt  }
0x85: {  	_ =	shalt  }
0x86: {  	_ =	shalt  }
0x87: {  	_ =	shalt  }
.Lfunc_end0:
.L_simem_size_0:
called_computation.2_lowered:
.L_overlay_start_0:
0x88: {  	s2 =	sld [smem:$0x3FD9]  }
0x89: {  	s3 =	sld [smem:$0x3FFE];
	_ =	sdelay $0x1  }
0x8a: {  	s1 =	srdreg.scid  }
0x8b: {  	s0 =	sand.u32 $0x1, s1  }
0x8c: {  	s16 =	sshll.u32 s0, $0xA;
	s2 =	sadd.s32 s3, s2  }
0x8d: {  	s2 =	sadd.s32 s2, s16  }
0x8e: {  	[smem:$0x3FB8] =	sst s2  }
0x8f: {  	_ = 	snop  }
0x90: {  	(tm) =	ssettm $0x1  }
0x91: {  	s17 =	sld [smem:$0x3FFB];
	_ =	sdelay $0x3  }
0x92: {  	_ =	strace s17  }
0x93: {  	s2 =	sld [smem:$0x3FFC];
	_ =	sdelay $0x3  }
0x94: {  	_ =	strace s2  }
0x95: {  	s2 =	sld [smem:$0x3FFD];
	_ =	sdelay $0x3  }
0x96: {  	_ =	strace s2  }
0x97: {  	_ =	strace $0x8FFFFFFF  }
0x98: {  	s18 =	sld [smem:$0x3FDB];
	_ =	sdelay $0x1  }
0x99: {  	s19 =	simm.s32 $_scs_section_size  }
0x9a: {  	s4 =	simm.s32 $_size__tile_overlayer_lowered;
	s5 =	simm.s32 $_tile_overlayer_lowered  }
0x9b: {  	s22 =	simm.s32 $0x1BFF;
	s21 =	sshll.u32 s5, $0x1;
	s2 =	sadd.s32 s19, s18  }
0x9c: {  	s6 =	simm.s32 $0x0;
	s20 =	sshll.u32 s4, $0x1;
	s4 =	sadd.s32 s21, s2  }
0x9d: {  	[timem:s6], [sflag:s22] =	dma.local [hbm:s4], s20  }
0x9e: {  	_ =	swait.ge [sflag:s22], s20  }
0x9f: {  	s3 =	ssub.s32 $0x0, s20;
	[sflag:s22] =	ssyncset.done $0x0  }
0xa0: {  	[sflag:s22] =	ssyncadd.s32 s3;
	_ =	sdelay $0x1  }
0xa1: {  	s23 =	simm.s32 $0x1B8B  }
0xa2: {  	_ =	swait.ge [sflag:s23], $0x1  }
0xa3: {  	[sflag:s23] =	ssyncset.done $0x0  }
0xa4: {  	s25 =	simm.s32 $0x1B8E;
	s24 =	sld [smem:$0x3FFE];
	[sflag:s23] =	ssyncadd.s32 $0xFFFFFFFF  }
0xa5: {  	s26 =	simm.s32 $execute0_lowered;
	[smem:$0x3FD2] =	sst s25  }
0xa6: {  	s4 =	sshll.u32 s26, $0x1;
	_ =	strace $0x8000004C;
	[dreg:$0x1] =	wrdreg $0xFFFFFFFF  }
0xa7: {  	s28 =	simm.s32 $_size_execute0_lowered;
	s2 =	sadd.s32 s2, s4;
	[dreg:$0x0] =	wrdreg $0x0  }
0xa8: {  	s4 =	sshll.u32 s28, $0x1;
	[dreg:$0x2] =	wrdreg s2  }
0xa9: {  	[dreg:$0x3] =	wrdreg s4  }
0xaa: {  	[dreg:$0x4] =	wrdreg $0xC0  }
0xab: {  	_ =	task [dreg:s6], $0x5FFFF  }
0xac: {  	[dreg:$0x1] =	wrdreg $0xFFFFFFFF  }
0xad: {  	[dreg:$0x0] =	wrdreg $0x60  }
0xae: {  	[dreg:$0x2] =	wrdreg s24  }
0xaf: {  	[dreg:$0x3] =	wrdreg $0x90000  }
0xb0: {  	[dreg:$0x4] =	wrdreg $0x9  }
0xb1: {  	_ =	task.clear_ibuf [dreg:s6], $0x5FFFF;
	_ =	strace $0x9000004C  }
0xb2: {  	s29 =	simm.s32 $0x9;
	_ =	strace $0x8000004E  }
0xb3: {  	_ =	swait.ge [sflag:s29], $0x1  }
0xb4: {  	[sflag:s29] =	ssyncadd.s32 $0xFFFFFFFF  }
0xb5: {  	_ =	strace $0x9000004E  }
0xb6: {  	_ =	sfence  }
0xb7: {  	s30 =	sld [smem:$0x0];
	_ =	sdelay $0x2  }
0xb8: {  	s31 =	sshll.u32 s1, $0xD;
	s1 =	sshrl.u32 s1, $0x2  }
0xb9: {  	s3 =	sand.u32 $0x4000, s31;
	s1 =	sadd.s32 s1, s30  }
0xba: {  	s0 =	sor.u32 s3, s0;
	s1 =	sshll.u32 s1, $0x11  }
0xbb: {  	s0 =	sor.u32 s1, s0  }
0xbc: {  	s0 =	sadd.s32 $0x8F2B, s0  }
0xbd: {  	[sflag:s0] =	ssyncadd.remote.s32 $0x1  }
0xbe: {  	_ =	sfence.sel $0xFFFF  }
0xbf: {  	[dreg:$0x0] =	wrdreg $0xFFFFFFFF;
	(pc) =	sbr.abs _section_cstart, $3  }
0xc0: {  	[dreg:$0x1] =	wrdreg $0xFFFFFFFF  }
0xc1: {  	_ =	task.clear_ibuf [dreg:s6], $0x2FFFF;
	_ =	strace $0x9FFFFFFF  }
0xc2: {  	(tm) =	ssettm $0x7FFFFFFF  }
0xc3: {  	_ =	shalt  }
tec
execute0_lowered:
.L_overlay_start_1:
0x0: {  	(tag) =	ssettag $0x1  }
0x1: {  	s9 =	rddreg [dreg:$0x0]  }
0x2: {  	s1 =	rddreg [dreg:$0x1];
	s3 =	simm.s32 $0x0  }
0x3: {  	s2 =	stileid.u32;
	s7 =	srdreg.scid;
	s19 =	simm.s32 $0x800  }
0x4: {  	s20 =	simm.s32 $0x80;
	s21 =	simm.s32 $0x1000;
	s22 =	simm.s32 $0x5000  }
0x5: {  	s23 =	simm.s32 $0x1;
	[smem:$0x7FF] =	sst s3;
	s4 =	sadd.s32 $0x58400, s9  }
0x6: {  	s8 =	smul.u32 $0x2800, s2;
	s5 =	sadd.s32 $0x19B3200, s9;
	s6 =	sadd.s32 $0x27200, s9  }
0x7: {  	s10 =	sand.u32 $0x1, s7;
	s7 =	sadd.s32 $0x1D200, s9;
	s14 =	smul.u32 $0x50000, s2  }
0x8: {  	s13 =	sadd.s32 $0xF8A00, s9;
	s28 =	sshll.u32 s2, $0x1;
	s31 =	smul.u32 $0x14000, s2  }
0x9: {  	s16 =	sadd.s32 $0x12C000, s1;
	p0 =	seq.s32 s2, $0xF;
	_ =	strace $0x8000004D  }
0xa: {  	s11 =	ssub.s32 $0x2, s10;
	s29 =	smul.u32 $0x138800, s10;
	s8 =	sadd.s32 s8, s9  }
0xb: {  	s12 =	sshrl.u32 s11, $0x1;
	s30 =	sshrl.u32 s14, $0x2;
	s9 =	sadd.s32 $0x56A00, s9  }
0xc: {  	s15 =	ssub.s32 s11, s12;
	s11 =	sor.u32 s10, s28;
	s17 =	sadd.s32 s30, s1  }
0xd: {  	s8 =	sadd.s32 $0x31200, s8;
	s14 =	sadd.s32 s31, s29;
	s10 =	smul.u32 $0x50, s11  }
0xe: {  	s18 =	sshrl.u32 s29, $0x3;
	s11 =	smul.u32 $0x140000, s11;
	s14 =	sshrl.u32 s14, $0x3  }
0xf: {  	s17 =	sshrl.u32 @!p0 s17, $0x3;
	s12 =	sadd.s32 s13, s14;
	s13 =	sadd.s32 s13, s18  }
0x10: {  	s14 =	smax.u32 s15, $0x1;
	s18 =	sshll.u32 @!p0 s2, $0x6;
	s15 =	sshrl.u32 @p0 s16, $0x3  }
0x11: {  	s13 =	sadd.s32 $0x25800, s13;
	s16 =	sor.u32 @!p0 $0x1C02, s18;
	s18 =	simm.s32 $0x2  }
.LBB2_1:
0x12: {  	s24 =	simm.s32 @p0 $0x1FC2  }
0x13: {  	[spmem:s15], [sflag:s24] =	dma.local @p0 [hbm:s9], $0x1900  }
0x14: {  	s24 =	simm.s32 @p0 $0x2  }
0x15: {  	_ =	swait.ge @p0 [sflag:s24], $0x1900  }
0x16: {  	[sflag:s24] =	ssyncset.done @p0 $0x0  }
0x17: {  	[sflag:s24] =	ssyncadd.s32 @p0 $0xFFFFE700;
	s24 =	simm.s32 @!p0 $0x2  }
0x18: {  	[spmem:s17], [sflag:s16] =	dma.local @!p0 [hbm:s8], $0x2800  }
0x19: {  	_ =	swait.ge @!p0 [sflag:s24], $0x2800  }
0x1a: {  	[sflag:s24] =	ssyncset.done @!p0 $0x0  }
0x1b: {  	[sflag:s24] =	ssyncadd.s32 @!p0 $0xFFFFD800  }
0x1c: {  	s24 =	simm.s32 $0x0;
	[bflag:$0x0] =	sbarrier.arrive $0xFFFF  }
.LBB2_2:
0x1d: {  	s25 =	sshll.u32 s24, $0x4  }
0x1e: {  	s26 =	sadd.s32 s10, s25  }
0x1f: {  	s28 =	sshll.u32 s26, $0x4  }
0x20: {  	s26 =	simm.s32 $0x0;
	s29 =	sadd.s32 s6, s28  }
0x21: {  	[tilespmem:s26], [sflag:$0x2] =	stream.linear.gather [hbm4b:s29+s26], $0x800, $0x38;
	[tilespmem:$0x1C880] =	vst v63  }
0x22: {  	_ =	swait.ge [sflag:s18], $0x800  }
0x23: {  	[sflag:s18] =	ssyncset.done $0x0  }
0x24: {  	s28 =	sadd.s32 s7, s28;
	[sflag:s18] =	ssyncadd.s32 $0xFFFFF800  }
0x25: {  	[tilespmem:s19], [sflag:$0x2] =	stream.linear.gather [hbm4b:s28+s26], $0x800, $0x38;
	[tilespmem:$0x1C880] =	vst v63  }
0x26: {  	_ =	swait.ge [sflag:s18], $0x800  }
0x27: {  	[sflag:s18] =	ssyncset.done $0x0  }
0x28: {  	s28 =	simm.s32 $0x0;
	[sflag:s18] =	ssyncadd.s32 $0xFFFFF800  }
.LBB2_3:
0x29: {  	s29 =	sshll.u32 s28, $0x7;
	s30 =	sadd.s32 s25, s28  }
0x2a: {  	[tilespmem:s21], [sflag:$0x1] =	stream.indirect.gather [hbm4b:s4+s20], $0x80, s29, s20, $0xb8;
	[tilespmem:$0x1C880] =	vst v63  }
0x2b: {  	s30 =	sshll.u32 s30, $0xE  }
0x2c: {  	s30 =	sadd.s32 s11, s30  }
0x2d: {  	s30 =	sshrl.u32 s30, $0x3  }
0x2e: {  	s30 =	sadd.s32 s5, s30  }
0x2f: {  	[tilespmem:s22], [sflag:$0x2] =	stream.linear.gather [hbm4b:s30+s26], $0x4000, $0x38;
	[tilespmem:$0x1C880] =	vst v63  }
0x30: {  	_ =	swait.ge [sflag:s18], $0x4000  }
0x31: {  	[sflag:s18] =	ssyncset.done $0x0  }
0x32: {  	[sflag:s18] =	ssyncadd.s32 $0xFFFFC000  }
0x33: {  	_ =	swait.ge [sflag:s23], $0x4000  }
0x34: {  	[sflag:s23] =	ssyncset.done $0x0  }
0x35: {  	s30 =	simm.s32 $0x0;
	[sflag:s23] =	ssyncadd.s32 $0xFFFFC000  }
0x36: {  	v7 =	vld [tilespmem:s30+$0x5000]  }
0x37: {  	v11 =	vld [tilespmem:s30+$0x5010]  }
0x38: {  	v5 =	vld [tilespmem:s30+$0x5020]  }
0x39: {  	v4 =	vld [tilespmem:s30+$0x5030]  }
0x3a: {  	v3 =	vld [tilespmem:s30+$0x5040]  }
0x3b: {  	v2 =	vld [tilespmem:s30+$0x5050]  }
0x3c: {  	v1 =	vld [tilespmem:s30+$0x5060]  }
0x3d: {  	v0 =	vld [tilespmem:s30+$0x5070]  }
0x3e: {  	v12 =	vld [tilespmem:s30+$0x1000]  }
0x3f: {  	v13 =	vld [tilespmem:s30+$0x1010]  }
0x40: {  	v10 =	vld [tilespmem:s30+$0x1020]  }
0x41: {  	v9 =	vld [tilespmem:s30+$0x1030]  }
0x42: {  	v8 =	vld [tilespmem:s30+$0x1040]  }
0x43: {  	v6 =	vld [tilespmem:s30+$0x1050];
	v12 =	vmul.f32 v7, v12  }
0x44: {  	s31 =	simm.s32 $0x200;
	v11 =	vmul.f32 v11, v13;
	v7 =	vld [tilespmem:s30+$0x1060]  }
.LBB2_4:
0x45: {  	s0 =	sshra.s32 s31, $0x2;
	p1 =	sne.s32 s31, $0xFE00;
	[tilespmem:s30+$0x1000] =	vst v12;
	v5 =	vmul.f32 v5, v10;
	v10 =	vld [tilespmem:s30+$0x1070]  }
0x46: {  	v12 =	vld [tilespmem:s0+$0x5000];
	[tilespmem:s30+$0x1010] =	vst v11;
	v4 =	vmul.f32 v4, v9  }
0x47: {  	v11 =	vld [tilespmem:s0+$0x5010];
	[tilespmem:s30+$0x1020] =	vst v5;
	v3 =	vmul.f32 v3, v8  }
0x48: {  	v5 =	vld [tilespmem:s0+$0x5020];
	[tilespmem:s30+$0x1030] =	vst v4;
	v2 =	vmul.f32 v2, v6  }
0x49: {  	v4 =	vld [tilespmem:s0+$0x5030];
	[tilespmem:s30+$0x1040] =	vst v3;
	v1 =	vmul.f32 v1, v7  }
0x4a: {  	v3 =	vld [tilespmem:s0+$0x5040];
	[tilespmem:s30+$0x1050] =	vst v2;
	v0 =	vmul.f32 v0, v10  }
0x4b: {  	v2 =	vld [tilespmem:s0+$0x5050];
	[tilespmem:s30+$0x1060] =	vst v1  }
0x4c: {  	v1 =	vld [tilespmem:s0+$0x5060];
	[tilespmem:s30+$0x1070] =	vst v0;
	s30 =	smov.u32 s0  }
0x4d: {  	v0 =	vld [tilespmem:s30+$0x5070]  }
0x4e: {  	v6 =	vld [tilespmem:s30+$0x1000]  }
0x4f: {  	v7 =	vld [tilespmem:s30+$0x1010]  }
.Ltmp0:
0x50: {  	v10 =	vld [tilespmem:s30+$0x1020];
	(pc) =	sbr.rel @p1 .LBB2_4-.Ltmp0, $4  }
0x51: {  	v9 =	vld [tilespmem:s30+$0x1030]  }
0x52: {  	v8 =	vld [tilespmem:s30+$0x1040]  }
0x53: {  	v12 =	vmul.f32 v12, v6;
	v6 =	vld [tilespmem:s30+$0x1050]  }
0x54: {  	s31 =	sadd.s32 $0x200, s31;
	v11 =	vmul.f32 v11, v7;
	v7 =	vld [tilespmem:s30+$0x1060]  }
0x55: {  	[tilespmem:s30+$0x1000] =	vst v12;
	v5 =	vmul.f32 v5, v10;
	v63 =	vld [tilespmem:s30+$0x1070]  }
0x56: {  	[tilespmem:s30+$0x1010] =	vst v11;
	v4 =	vmul.f32 v4, v9  }
0x57: {  	[tilespmem:s30+$0x1020] =	vst v5;
	v3 =	vmul.f32 v3, v8  }
0x58: {  	[tilespmem:s30+$0x1030] =	vst v4;
	v2 =	vmul.f32 v2, v6  }
0x59: {  	[tilespmem:s30+$0x1040] =	vst v3;
	v1 =	vmul.f32 v1, v7  }
0x5a: {  	s28 =	sadd.s32 $0x1, s28;
	[tilespmem:s30+$0x1050] =	vst v2;
	v0 =	vmul.f32 v0, v63  }
0x5b: {  	p1 =	sne.s32 s28, $0x10;
	[tilespmem:s30+$0x1060] =	vst v1  }
.Ltmp1:
0x5c: {  	s0 =	sadd.s32 $0x800, s29;
	[tilespmem:s30+$0x1070] =	vst v0;
	(pc) =	sbr.rel @p1 .LBB2_3-.Ltmp1, $4  }
0x5d: {  	[spmem:s1] =	stream.indirect.scatter.add.f32 [tilespmem:s21], [sflag:$0x2], $0x80, s0, s20, $0xb8;
	[tilespmem:$0x1C880] =	vst v63  }
0x5e: {  	_ =	swait.ge [sflag:s18], $0x4000  }
0x5f: {  	[sflag:s18] =	ssyncset.done $0x0  }
0x60: {  	[sflag:s18] =	ssyncadd.s32 $0xFFFFC000  }
0x61: {  	s24 =	sadd.s32 $0x1, s24  }
0x62: {  	p1 =	sne.s32 s24, $0x5  }
.Ltmp2:
0x63: {  	_ = 	snop;
	(pc) =	sbr.rel @p1 .LBB2_2-.Ltmp2, $1  }
0x64: {  	_ =	sdelay $0x3  }
0x65: {  	[bflag:$0x0] =	sbarrier.arrive $0xFFFF;
	s0 =	simm.s32 @p0 $0x1FC2  }
0x66: {  	[hbm:s13], [sflag:s0] =	dma.local @p0 [spmem:s15], $0x1900  }
0x67: {  	s0 =	simm.s32 @p0 $0x2  }
0x68: {  	s3 =	sadd.s32 $0x1, s3;
	_ =	swait.ge @p0 [sflag:s0], $0x1900  }
0x69: {  	p1 =	sne.s32 s3, s14;
	[sflag:s0] =	ssyncset.done @p0 $0x0  }
.Ltmp3:
0x6a: {  	[sflag:s0] =	ssyncadd.s32 @p0 $0xFFFFE700;
	s0 =	simm.s32 @!p0 $0x2;
	(pc) =	sbr.rel @p1 .LBB2_1-.Ltmp3, $4  }
0x6b: {  	[hbm:s12], [sflag:s16] =	dma.local @!p0 [spmem:s17], $0x2800  }
0x6c: {  	_ =	swait.ge @!p0 [sflag:s0], $0x2800  }
0x6d: {  	[sflag:s0] =	ssyncset.done @!p0 $0x0  }
0x6e: {  	[sflag:s0] =	ssyncadd.s32 @!p0 $0xFFFFD800  }
0x6f: {  	_ =	sfence.sel $0x180000  }
0x70: {  	[bflag:$0x0] =	sbarrier.arrive $0xFFFF  }
0x71: {  	_ =	strace $0x9000004D  }
0x72: {  	[bflag:$0x2] =	sbarrier.arrive $0xFFFF  }
0x73: {  	p0 =	sne.s32 s2, $0x0;
	s0 =	rddreg [dreg:$0x2]  }
0x74: {  	s0 =	sadd.s32 @!p0 $0x100000, s0  }
0x75: {  	[sflag:s0] =	ssyncadd.tile.s32 @!p0 $0x1;
	_ =	shalt  }
.Lfunc_end2:
_tile_overlayer_lowered:
.L_overlay_start_2:
0x76: {  	(tag) =	ssettag $0x2  }
0x77: {  	s0 =	rddreg [dreg:$0x0];
	s2 =	stileid.u32  }
0x78: {  	s1 =	rddreg [dreg:$0x1];
	p0 =	sne.s32 s2, $0x0  }
0x79: {  	s3 =	rddreg [dreg:$0x2];
	[bflag:$0x3] =	sbarrier.arrive $0xFFFF;
	s2 =	simm.s32 @!p0 $0x1C02  }
0x7a: {  	[timem:s3], [sflag:s2] =	dma.local @!p0 [hbm:s0], s1  }
0x7b: {  	s0 =	simm.s32 @!p0 $0x2  }
0x7c: {  	_ =	swait.ge @!p0 [sflag:s0], s1  }
0x7d: {  	s1 =	ssub.s32 @!p0 $0x0, s1;
	[sflag:s0] =	ssyncset.done @!p0 $0x0  }
0x7e: {  	[sflag:s0] =	ssyncadd.s32 @!p0 s1  }
0x7f: {  	[bflag:$0x3] =	sbarrier.arrive $0xFFFF  }
0x80: {  	_ =	shalt  }

// kernel: kernel.9.cloned.1.call-start
scs
__scs_entry_jumppad:
0x0: {  	(pc) =	sbr.rel $0x88, $3  }
0x1: {  	(tag) =	ssettag $0x0;
	lr =	simm.s32 $0x1  }
0x2: {  	[smem:$0x3F91] =	sst lr;
	_ =	strace $0xD0000000  }
0x3: {  	_ = 	snop  }
0x4: {  	_ = 	snop  }
0x5: {  	_ = 	snop  }
0x6: {  	_ = 	snop  }
0x7: {  	_ = 	snop  }
__scs_overlays_trampoline_lowered:
0x8: {  	[smem:$0x3FA0] =	sst s0  }
0x9: {  	[smem:$0x3FA1] =	sst s1  }
0xa: {  	[smem:$0x3FA2] =	sst s2  }
0xb: {  	[smem:$0x3FA3] =	sst s3  }
0xc: {  	[smem:$0x3FA4] =	sst s4  }
0xd: {  	[smem:$0x3FA5] =	sst s5  }
0xe: {  	[smem:$0x3FA6] =	sst s6  }
0xf: {  	[smem:$0x3FA7] =	sst s7  }
0x10: {  	[smem:$0x3FA8] =	sst s8  }
0x11: {  	[smem:$0x3FA9] =	sst s9;
	s0 =	simm.s32 @!p0 $0x0  }
0x12: {  	s1 =	sld [smem:$0x3F8F];
	s0 =	simm.s32 @p0 $0x1  }
0x13: {  	[smem:$0x3FAA] =	sst s0;
	s0 =	simm.s32 @!p1 $0x0  }
0x14: {  	s2 =	sld [smem:$0x3F8E];
	s0 =	simm.s32 @p1 $0x1  }
0x15: {  	[smem:$0x3FAB] =	sst s0;
	s0 =	simm.s32 @!p2 $0x0  }
0x16: {  	s3 =	sld [smem:$0x3FDB];
	s0 =	simm.s32 @p2 $0x1  }
0x17: {  	s4 =	simm.s32 $0x1BF5;
	[smem:$0x3FAD] =	sst s0  }
0x18: {  	s0 =	sld [smem:$0x3F90];
	_ =	swait.ge [sflag:s4], $0x0  }
0x19: {  	s7 =	sld [smem:$0x3F91]  }
0x1a: {  	s8 =	sadd.s32 $0xFFFFE003, lr  }
0x1b: {  	s9 =	sadd.s32 $0xFFFFFEF7, lr;
	s5 =	simm.s32 $0xFFFFFFFF;
	p2 =	slt.u32 s8, $0xFFFFF086  }
0x1c: {  	p1 =	slt.u32 s9, $0xF7A;
	s5 =	simm.s32 @!p2 $0x0  }
0x1d: {  	s5 =	simm.s32 @p1 $0x1;
	p0 =	seq.s32 s7, s2  }
0x1e: {  	s7 =	smul.u32 @!p0 $0xF7A, s2;
	p2 =	seq.s32 @!p0 s5, $0x0  }
0x1f: {  	s9 =	smul.u32 $0xF7A, s1;
	s8 =	simm.s32 @!p0 $0x1BF5;
	p2 =	por !p2, p0  }
0x20: {  	[sflag:s8] =	ssyncset.s32 @!p0 $0xFFFFF086;
	s6 =	sadd.s32 @!p0 s3, s7;
	s7 =	simm.s32 @!p0 $0x108  }
0x21: {  	s3 =	sadd.s32 s3, s9;
	s6 =	sadd.s32 @!p0 $0x88, s6;
	s7 =	simm.s32 @p2 $0x1082  }
0x22: {  	[simem:s7], [sflag:s8] =	dma.local @!p0 [hbm:s6], $0xF7A  }
0x23: {  	s9 =	sor.u32 $0xD0000000, s2;
	s6 =	simm.s32 $0x108;
	_ =	swait.ge @!p0 [sflag:s8], $0x0  }
0x24: {  	s3 =	sadd.s32 $0x88, s3;
	s6 =	simm.s32 @!p1 $0x1082;
	[sflag:s4] =	ssyncset.s32 $0xFFFFF086  }
0x25: {  	[simem:s6], [sflag:s4] =	dma.local [hbm:s3], $0xF7A  }
0x26: {  	[smem:$0x3F91] =	sst s1;
	(tag) =	ssettag s2;
	_ =	strace s9  }
0x27: {  	s1 =	sld [smem:$0x3FA1]  }
0x28: {  	s2 =	sld [smem:$0x3FA2]  }
0x29: {  	s4 =	sld [smem:$0x3FA4]  }
0x2a: {  	p0 =	seq.s32 s5, $0x0;
	s5 =	sld [smem:$0x3FA5]  }
0x2b: {  	s6 =	sld [smem:$0x3FA6]  }
0x2c: {  	s7 =	sld [smem:$0x3FA7]  }
0x2d: {  	s3 =	simm.s32 $0x108;
	s8 =	sld [smem:$0x3FA8]  }
0x2e: {  	s3 =	simm.s32 @!p0 $0x1082;
	s9 =	sld [smem:$0x3FA9]  }
0x2f: {  	lr =	sadd.s32 s0, s3;
	s0 =	sld [smem:$0x3FA0]  }
0x30: {  	s3 =	sld [smem:$0x3FA3]  }
0x31: {  	[smem:$0x3FAC] =	sst s10  }
0x32: {  	s10 =	sld [smem:$0x3FAA];
	_ =	sdelay $0x3  }
0x33: {  	p0 =	seq.s32 s10, $0x1;
	s10 =	sld [smem:$0x3FAC];
	_ =	sdelay $0x3  }
0x34: {  	[smem:$0x3FAC] =	sst s10  }
0x35: {  	s10 =	sld [smem:$0x3FAB];
	_ =	sdelay $0x3  }
0x36: {  	p1 =	seq.s32 s10, $0x1;
	s10 =	sld [smem:$0x3FAC];
	_ =	sdelay $0x3  }
0x37: {  	[smem:$0x3FAC] =	sst s10  }
0x38: {  	s10 =	sld [smem:$0x3FAD]  }
0x39: {  	_ = 	snop;
	(pc) =	sbr.ind lr, $3  }
0x3a: {  	_ = 	snop  }
0x3b: {  	_ = 	snop  }
0x3c: {  	p2 =	seq.s32 s10, $0x1;
	s10 =	sld [smem:$0x3FAC]  }
0x3d: {  	_ =	shalt  }
0x3e: {  	_ =	shalt  }
0x3f: {  	_ =	shalt  }
0x40: {  	_ =	shalt  }
0x41: {  	_ =	shalt  }
0x42: {  	_ =	shalt  }
0x43: {  	_ =	shalt  }
0x44: {  	_ =	shalt  }
0x45: {  	_ =	shalt  }
0x46: {  	_ =	shalt  }
0x47: {  	_ =	shalt  }
0x48: {  	_ =	shalt  }
0x49: {  	_ =	shalt  }
0x4a: {  	_ =	shalt  }
0x4b: {  	_ =	shalt  }
0x4c: {  	_ =	shalt  }
0x4d: {  	_ =	shalt  }
0x4e: {  	_ =	shalt  }
0x4f: {  	_ =	shalt  }
0x50: {  	_ =	shalt  }
0x51: {  	_ =	shalt  }
0x52: {  	_ =	shalt  }
0x53: {  	_ =	shalt  }
0x54: {  	_ =	shalt  }
0x55: {  	_ =	shalt  }
0x56: {  	_ =	shalt  }
0x57: {  	_ =	shalt  }
0x58: {  	_ =	shalt  }
0x59: {  	_ =	shalt  }
0x5a: {  	_ =	shalt  }
0x5b: {  	_ =	shalt  }
0x5c: {  	_ =	shalt  }
0x5d: {  	_ =	shalt  }
0x5e: {  	_ =	shalt  }
0x5f: {  	_ =	shalt  }
0x60: {  	_ =	shalt  }
0x61: {  	_ =	shalt  }
0x62: {  	_ =	shalt  }
0x63: {  	_ =	shalt  }
0x64: {  	_ =	shalt  }
0x65: {  	_ =	shalt  }
0x66: {  	_ =	shalt  }
0x67: {  	_ =	shalt  }
0x68: {  	_ =	shalt  }
0x69: {  	_ =	shalt  }
0x6a: {  	_ =	shalt  }
0x6b: {  	_ =	shalt  }
0x6c: {  	_ =	shalt  }
0x6d: {  	_ =	shalt  }
0x6e: {  	_ =	shalt  }
0x6f: {  	_ =	shalt  }
0x70: {  	_ =	shalt  }
0x71: {  	_ =	shalt  }
0x72: {  	_ =	shalt  }
0x73: {  	_ =	shalt  }
0x74: {  	_ =	shalt  }
0x75: {  	_ =	shalt  }
0x76: {  	_ =	shalt  }
0x77: {  	_ =	shalt  }
0x78: {  	_ =	shalt  }
0x79: {  	_ =	shalt  }
0x7a: {  	_ =	shalt  }
0x7b: {  	_ =	shalt  }
0x7c: {  	_ =	shalt  }
0x7d: {  	_ =	shalt  }
0x7e: {  	_ =	shalt  }
0x7f: {  	_ =	shalt  }
0x80: {  	_ =	shalt  }
0x81: {  	_ =	shalt  }
0x82: {  	_ =	shalt  }
0x83: {  	_ =	shalt  }
0x84: {  	_ =	shalt  }
0x85: {  	_ =	shalt  }
0x86: {  	_ =	shalt  }
0x87: {  	_ =	shalt  }
.Lfunc_end0:
.L_simem_size_0:
called_computation_lowered:
.L_overlay_start_0:
0x88: {  	s2 =	sld [smem:$0x3FD9]  }
0x89: {  	s3 =	sld [smem:$0x3FFE];
	_ =	sdelay $0x1  }
0x8a: {  	s1 =	srdreg.scid  }
0x8b: {  	s0 =	sand.u32 $0x1, s1  }
0x8c: {  	s16 =	sshll.u32 s0, $0xA;
	s2 =	sadd.s32 s3, s2  }
0x8d: {  	s2 =	sadd.s32 s2, s16  }
0x8e: {  	[smem:$0x3FB8] =	sst s2  }
0x8f: {  	_ = 	snop  }
0x90: {  	(tm) =	ssettm $0x1  }
0x91: {  	s17 =	sld [smem:$0x3FFB];
	_ =	sdelay $0x3  }
0x92: {  	_ =	strace s17  }
0x93: {  	s2 =	sld [smem:$0x3FFC];
	_ =	sdelay $0x3  }
0x94: {  	_ =	strace s2  }
0x95: {  	s2 =	sld [smem:$0x3FFD];
	_ =	sdelay $0x3  }
0x96: {  	_ =	strace s2  }
0x97: {  	_ =	strace $0x8FFFFFFF  }
0x98: {  	s18 =	sld [smem:$0x3FDB];
	_ =	sdelay $0x1  }
0x99: {  	s19 =	simm.s32 $_scs_section_size  }
0x9a: {  	s4 =	simm.s32 $_size__tile_overlayer_lowered;
	s5 =	simm.s32 $_tile_overlayer_lowered  }
0x9b: {  	s22 =	simm.s32 $0x1BFF;
	s21 =	sshll.u32 s5, $0x1;
	s2 =	sadd.s32 s19, s18  }
0x9c: {  	s6 =	simm.s32 $0x0;
	s20 =	sshll.u32 s4, $0x1;
	s4 =	sadd.s32 s21, s2  }
0x9d: {  	[timem:s6], [sflag:s22] =	dma.local [hbm:s4], s20  }
0x9e: {  	_ =	swait.ge [sflag:s22], s20  }
0x9f: {  	s3 =	ssub.s32 $0x0, s20;
	[sflag:s22] =	ssyncset.done $0x0  }
0xa0: {  	[sflag:s22] =	ssyncadd.s32 s3;
	_ =	sdelay $0x1  }
0xa1: {  	s23 =	simm.s32 $0x1B8B  }
0xa2: {  	_ =	swait.ge [sflag:s23], $0x1  }
0xa3: {  	[sflag:s23] =	ssyncset.done $0x0  }
0xa4: {  	s25 =	simm.s32 $0x1B8E;
	s24 =	sld [smem:$0x3FFE];
	[sflag:s23] =	ssyncadd.s32 $0xFFFFFFFF  }
0xa5: {  	s26 =	simm.s32 $execute0_lowered;
	[smem:$0x3FD2] =	sst s25  }
0xa6: {  	s4 =	sshll.u32 s26, $0x1;
	_ =	strace $0x80000046;
	[dreg:$0x1] =	wrdreg $0xFFFFFFFF  }
0xa7: {  	s28 =	simm.s32 $_size_execute0_lowered;
	s2 =	sadd.s32 s2, s4;
	[dreg:$0x0] =	wrdreg $0x0  }
0xa8: {  	s4 =	sshll.u32 s28, $0x1;
	[dreg:$0x2] =	wrdreg s2  }
0xa9: {  	[dreg:$0x3] =	wrdreg s4  }
0xaa: {  	[dreg:$0x4] =	wrdreg $0xC0  }
0xab: {  	_ =	task [dreg:s6], $0x5FFFF  }
0xac: {  	[dreg:$0x1] =	wrdreg $0xFFFFFFFF  }
0xad: {  	[dreg:$0x0] =	wrdreg $0x60  }
0xae: {  	[dreg:$0x2] =	wrdreg s24  }
0xaf: {  	[dreg:$0x3] =	wrdreg $0x9  }
0xb0: {  	_ =	task.clear_ibuf [dreg:s6], $0x4FFFF;
	_ =	strace $0x90000046  }
0xb1: {  	s29 =	simm.s32 $0x9;
	_ =	strace $0x80000048  }
0xb2: {  	_ =	swait.ge [sflag:s29], $0x1  }
0xb3: {  	[sflag:s29] =	ssyncadd.s32 $0xFFFFFFFF  }
0xb4: {  	_ =	strace $0x90000048  }
0xb5: {  	_ =	sfence  }
0xb6: {  	s30 =	sld [smem:$0x0];
	_ =	sdelay $0x2  }
0xb7: {  	s31 =	sshll.u32 s1, $0xD;
	s1 =	sshrl.u32 s1, $0x2  }
0xb8: {  	s3 =	sand.u32 $0x4000, s31;
	s1 =	sadd.s32 s1, s30  }
0xb9: {  	s0 =	sor.u32 s3, s0;
	s1 =	sshll.u32 s1, $0x11  }
0xba: {  	s0 =	sor.u32 s1, s0  }
0xbb: {  	s0 =	sadd.s32 $0x8F2B, s0  }
0xbc: {  	[sflag:s0] =	ssyncadd.remote.s32 $0x1  }
0xbd: {  	_ =	sfence.sel $0xFFFF  }
0xbe: {  	[dreg:$0x0] =	wrdreg $0xFFFFFFFF;
	(pc) =	sbr.abs _section_cstart, $3  }
0xbf: {  	[dreg:$0x1] =	wrdreg $0xFFFFFFFF  }
0xc0: {  	_ =	task.clear_ibuf [dreg:s6], $0x2FFFF;
	_ =	strace $0x9FFFFFFF  }
0xc1: {  	(tm) =	ssettm $0x7FFFFFFF  }
tec
execute0_lowered:
.L_overlay_start_1:
0x0: {  	(tag) =	ssettag $0x1  }
0x1: {  	s0 =	srdreg.scid  }
0x2: {  	s1 =	stileid.u32;
	s4 =	rddreg [dreg:$0x0]  }
0x3: {  	s15 =	simm.s32 $0xC00;
	s0 =	sand.u32 $0x1, s0;
	s1 =	smul.u32 $0x5000, s1  }
0x4: {  	s16 =	simm.s32 $0x480;
	s18 =	simm.s32 $0x2C00;
	s2 =	smul.u32 $0x2800, s0  }
0x5: {  	s19 =	simm.s32 $0x100;
	s20 =	simm.s32 $0x1000;
	s22 =	simm.s32 $0x500  }
0x6: {  	s23 =	simm.s32 $0x3000;
	s1 =	sadd.s32 s2, s1;
	s2 =	simm.s32 $0x0  }
0x7: {  	s7 =	simm.s32 $0x2;
	s0 =	ssub.s32 $0x2, s0;
	[smem:$0x7FF] =	sst s2  }
0x8: {  	s17 =	sshrl.u32 s0, $0x1;
	_ =	strace $0x80000047;
	[dreg:$0x4] =	wrdreg s15  }
0x9: {  	s24 =	simm.s32 $0x180;
	s0 =	ssub.s32 s0, s17;
	[dreg:$0x5] =	wrdreg s16  }
0xa: {  	s8 =	simm.s32 $0x400;
	s0 =	smax.u32 s0, $0x1;
	[dreg:$0x6] =	wrdreg s18  }
0xb: {  	s25 =	simm.s32 $0x1400;
	s9 =	simm.s32 $0x80;
	[dreg:$0x10] =	wrdreg s0  }
0xc: {  	s26 =	simm.s32 $0x580;
	s10 =	simm.s32 $0x800;
	[dreg:$0x7] =	wrdreg s19  }
0xd: {  	s30 =	simm.s32 $0x3400;
	s11 =	simm.s32 $0x1;
	[dreg:$0x8] =	wrdreg s20  }
0xe: {  	s31 =	simm.s32 $0x200;
	s12 =	simm.s32 $0x2800;
	[dreg:$0x9] =	wrdreg s22  }
0xf: {  	s13 =	simm.s32 $0x1800;
	s14 =	simm.s32 $0x600;
	[dreg:$0xa] =	wrdreg s23  }
0x10: {  	s28 =	simm.s32 $0x4400;
	s29 =	simm.s32 $0x0;
	[dreg:$0xb] =	wrdreg s24  }
0x11: {  	s17 =	simm.s32 $0x1C00;
	s3 =	sshrl.u32 s1, $0x3;
	[dreg:$0xc] =	wrdreg s25  }
0x12: {  	s1 =	sadd.s32 s1, s4;
	s5 =	sadd.s32 s3, s4;
	[dreg:$0xd] =	wrdreg s26  }
0x13: {  	s3 =	sadd.s32 $0x6A00, s4;
	s21 =	sadd.s32 $0x81200, s1;
	[dreg:$0xe] =	wrdreg s30  }
0x14: {  	s1 =	sadd.s32 $0x31200, s1;
	[dreg:$0xf] =	wrdreg s31;
	s15 =	simm.s32 $0x3800  }
0x15: {  	s16 =	simm.s32 $0x280;
	s18 =	simm.s32 $0x680;
	s19 =	simm.s32 $0x3C00  }
0x16: {  	s20 =	simm.s32 $0x300;
	s22 =	simm.s32 $0x700;
	s23 =	simm.s32 $0x4000  }
0x17: {  	s24 =	simm.s32 $0x380;
	s6 =	sadd.s32 $0x9200, s5;
	[dreg:$0x11] =	wrdreg s21  }
0x18: {  	s25 =	simm.s32 $0x2400;
	s5 =	sadd.s32 $0x13200, s5;
	[dreg:$0x2] =	wrdreg s6  }
0x19: {  	s26 =	simm.s32 $0x780;
	s21 =	simm.s32 $0x2000;
	[dreg:$0x3] =	wrdreg s5  }
.LBB2_1:
0x1a: {  	s5 =	rddreg [dreg:$0x3]  }
0x1b: {  	s5 =	sadd.s32 $0x0, s5  }
0x1c: {  	[tilespmem:s2], [sflag:$0x2] =	stream.linear.gather [hbm4b:s5+s2], $0x400, $0x38;
	[tilespmem:$0x4800] =	vst v63  }
0x1d: {  	_ =	swait.ge [sflag:s7], $0x400  }
0x1e: {  	s6 =	rddreg [dreg:$0x2];
	[sflag:s7] =	ssyncset.done $0x0  }
0x1f: {  	[sflag:s7] =	ssyncadd.s32 $0xFFFFFC00;
	s5 =	sadd.s32 $0x0, s6  }
0x20: {  	[tilespmem:s8], [sflag:$0x2] =	stream.linear.gather [hbm4b:s5+s2], $0x400, $0x38;
	[tilespmem:$0x4800] =	vst v63  }
0x21: {  	_ =	swait.ge [sflag:s7], $0x400  }
0x22: {  	[sflag:s7] =	ssyncset.done $0x0  }
0x23: {  	[sflag:s7] =	ssyncadd.s32 $0xFFFFFC00  }
0x24: {  	[tilespmem:s10], [sflag:$0x1] =	stream.indirect.gather [hbm4b:s3+s9], $0x4, s2, s9, $0xb8;
	[tilespmem:$0x4800] =	vst v63  }
0x25: {  	_ =	swait.ge [sflag:s11], $0x200  }
0x26: {  	[sflag:s11] =	ssyncset.done $0x0  }
0x27: {  	[sflag:s11] =	ssyncadd.s32 $0xFFFFFE00  }
0x28: {  	[tilespmem:s12], [sflag:$0x1] =	stream.indirect.gather [hbm4b:s3+s9], $0x4, s8, s9, $0xb8;
	[tilespmem:$0x4800] =	vst v63  }
0x29: {  	_ =	swait.ge [sflag:s11], $0x200  }
0x2a: {  	[sflag:s11] =	ssyncset.done $0x0  }
0x2b: {  	s0 =	rddreg [dreg:$0x4];
	[sflag:s11] =	ssyncadd.s32 $0xFFFFFE00  }
0x2c: {  	[tilespmem:s0], [sflag:$0x1] =	stream.indirect.gather [hbm4b:s3+s9], $0x4, s9, s9, $0xb8;
	[tilespmem:$0x4800] =	vst v63  }
0x2d: {  	_ =	swait.ge [sflag:s11], $0x200  }
0x2e: {  	s4 =	rddreg [dreg:$0x5];
	[sflag:s11] =	ssyncset.done $0x0  }
0x2f: {  	s6 =	rddreg [dreg:$0x6];
	[sflag:s11] =	ssyncadd.s32 $0xFFFFFE00  }
0x30: {  	[tilespmem:s6], [sflag:$0x1] =	stream.indirect.gather [hbm4b:s3+s9], $0x4, s4, s9, $0xb8;
	[tilespmem:$0x4800] =	vst v63  }
0x31: {  	_ =	swait.ge [sflag:s11], $0x200  }
0x32: {  	s0 =	rddreg [dreg:$0x7];
	[sflag:s11] =	ssyncset.done $0x0  }
0x33: {  	s4 =	rddreg [dreg:$0x8];
	[sflag:s11] =	ssyncadd.s32 $0xFFFFFE00  }
0x34: {  	[tilespmem:s4], [sflag:$0x1] =	stream.indirect.gather [hbm4b:s3+s9], $0x4, s0, s9, $0xb8;
	[tilespmem:$0x4800] =	vst v63  }
0x35: {  	_ =	swait.ge [sflag:s11], $0x200  }
0x36: {  	s0 =	rddreg [dreg:$0x9];
	[sflag:s11] =	ssyncset.done $0x0  }
0x37: {  	s4 =	rddreg [dreg:$0xa];
	[sflag:s11] =	ssyncadd.s32 $0xFFFFFE00  }
0x38: {  	[tilespmem:s4], [sflag:$0x1] =	stream.indirect.gather [hbm4b:s3+s9], $0x4, s0, s9, $0xb8;
	[tilespmem:$0x4800] =	vst v63  }
0x39: {  	_ =	swait.ge [sflag:s11], $0x200  }
0x3a: {  	s0 =	rddreg [dreg:$0xb];
	[sflag:s11] =	ssyncset.done $0x0  }
0x3b: {  	s4 =	rddreg [dreg:$0xc];
	[sflag:s11] =	ssyncadd.s32 $0xFFFFFE00  }
0x3c: {  	[tilespmem:s4], [sflag:$0x1] =	stream.indirect.gather [hbm4b:s3+s9], $0x4, s0, s9, $0xb8;
	[tilespmem:$0x4800] =	vst v63  }
0x3d: {  	_ =	swait.ge [sflag:s11], $0x200  }
0x3e: {  	s0 =	rddreg [dreg:$0xd];
	[sflag:s11] =	ssyncset.done $0x0  }
0x3f: {  	s4 =	rddreg [dreg:$0xe];
	[sflag:s11] =	ssyncadd.s32 $0xFFFFFE00  }
0x40: {  	[tilespmem:s4], [sflag:$0x1] =	stream.indirect.gather [hbm4b:s3+s9], $0x4, s0, s9, $0xb8;
	[tilespmem:$0x4800] =	vst v63  }
0x41: {  	_ =	swait.ge [sflag:s11], $0x200  }
0x42: {  	[sflag:s11] =	ssyncset.done $0x0  }
0x43: {  	s6 =	rddreg [dreg:$0xf];
	[sflag:s11] =	ssyncadd.s32 $0xFFFFFE00  }
0x44: {  	[tilespmem:s13], [sflag:$0x1] =	stream.indirect.gather [hbm4b:s3+s9], $0x4, s6, s9, $0xb8;
	[tilespmem:$0x4800] =	vst v63  }
0x45: {  	_ =	swait.ge [sflag:s11], $0x200  }
0x46: {  	[sflag:s11] =	ssyncset.done $0x0  }
0x47: {  	[sflag:s11] =	ssyncadd.s32 $0xFFFFFE00  }
0x48: {  	[tilespmem:s15], [sflag:$0x1] =	stream.indirect.gather [hbm4b:s3+s9], $0x4, s14, s9, $0xb8;
	[tilespmem:$0x4800] =	vst v63  }
0x49: {  	_ =	swait.ge [sflag:s11], $0x200  }
0x4a: {  	[sflag:s11] =	ssyncset.done $0x0  }
0x4b: {  	[sflag:s11] =	ssyncadd.s32 $0xFFFFFE00  }
0x4c: {  	[tilespmem:s17], [sflag:$0x1] =	stream.indirect.gather [hbm4b:s3+s9], $0x4, s16, s9, $0xb8;
	[tilespmem:$0x4800] =	vst v63  }
0x4d: {  	_ =	swait.ge [sflag:s11], $0x200  }
0x4e: {  	[sflag:s11] =	ssyncset.done $0x0  }
0x4f: {  	[sflag:s11] =	ssyncadd.s32 $0xFFFFFE00  }
0x50: {  	[tilespmem:s19], [sflag:$0x1] =	stream.indirect.gather [hbm4b:s3+s9], $0x4, s18, s9, $0xb8;
	[tilespmem:$0x4800] =	vst v63  }
0x51: {  	_ =	swait.ge [sflag:s11], $0x200  }
0x52: {  	[sflag:s11] =	ssyncset.done $0x0  }
0x53: {  	[sflag:s11] =	ssyncadd.s32 $0xFFFFFE00  }
0x54: {  	[tilespmem:s21], [sflag:$0x1] =	stream.indirect.gather [hbm4b:s3+s9], $0x4, s20, s9, $0xb8;
	[tilespmem:$0x4800] =	vst v63  }
0x55: {  	_ =	swait.ge [sflag:s11], $0x200  }
0x56: {  	[sflag:s11] =	ssyncset.done $0x0  }
0x57: {  	[sflag:s11] =	ssyncadd.s32 $0xFFFFFE00  }
0x58: {  	[tilespmem:s23], [sflag:$0x1] =	stream.indirect.gather [hbm4b:s3+s9], $0x4, s22, s9, $0xb8;
	[tilespmem:$0x4800] =	vst v63  }
0x59: {  	_ =	swait.ge [sflag:s11], $0x200  }
0x5a: {  	[sflag:s11] =	ssyncset.done $0x0  }
0x5b: {  	[sflag:s11] =	ssyncadd.s32 $0xFFFFFE00  }
0x5c: {  	[tilespmem:s25], [sflag:$0x1] =	stream.indirect.gather [hbm4b:s3+s9], $0x4, s24, s9, $0xb8;
	[tilespmem:$0x4800] =	vst v63  }
0x5d: {  	_ =	swait.ge [sflag:s11], $0x200  }
0x5e: {  	[sflag:s11] =	ssyncset.done $0x0  }
0x5f: {  	[sflag:s11] =	ssyncadd.s32 $0xFFFFFE00  }
0x60: {  	[tilespmem:s28], [sflag:$0x1] =	stream.indirect.gather [hbm4b:s3+s9], $0x4, s26, s9, $0xb8;
	[tilespmem:$0x4800] =	vst v63  }
0x61: {  	_ =	swait.ge [sflag:s11], $0x200  }
0x62: {  	[sflag:s11] =	ssyncset.done $0x0  }
0x63: {  	[sflag:s11] =	ssyncadd.s32 $0xFFFFFE00  }
0x64: {  	[hbm4b:s1+s2] =	stream.linear.scatter [tilespmem:s10], [sflag:$0x2], $0x2000, $0x38;
	[tilespmem:$0x4800] =	vst v63  }
0x65: {  	_ =	swait.ge [sflag:s7], $0x2000  }
0x66: {  	s5 =	rddreg [dreg:$0x11]  }
0x67: {  	s30 =	simm.s32 $0x80;
	s6 =	smov.u32 s1;
	s31 =	smov.u32 s5  }
.LBB2_2:
0x68: {  	[sflag:s7] =	ssyncset.done $0x0  }
0x69: {  	[sflag:s7] =	ssyncadd.s32 $0xFFFFE000  }
0x6a: {  	[hbm4b:s5+s2] =	stream.linear.scatter [tilespmem:s12], [sflag:$0x2], $0x2000, $0x38;
	[tilespmem:$0x4800] =	vst v63  }
0x6b: {  	_ =	swait.ge [sflag:s7], $0x2000  }
0x6c: {  	s4 =	smov.u32 s30;
	s0 =	rddreg [dreg:$0x3];
	[sflag:s7] =	ssyncset.done $0x0  }
0x6d: {  	[sflag:s7] =	ssyncadd.s32 $0xFFFFE000;
	s0 =	sadd.s32 s4, s0  }
0x6e: {  	[tilespmem:s2], [sflag:$0x2] =	stream.linear.gather [hbm4b:s0+s2], $0x400, $0x38;
	[tilespmem:$0x4800] =	vst v63  }
0x6f: {  	_ =	swait.ge [sflag:s7], $0x400  }
0x70: {  	s0 =	rddreg [dreg:$0x2];
	[sflag:s7] =	ssyncset.done $0x0  }
0x71: {  	[sflag:s7] =	ssyncadd.s32 $0xFFFFFC00;
	s0 =	sadd.s32 s4, s0  }
0x72: {  	[tilespmem:s8], [sflag:$0x2] =	stream.linear.gather [hbm4b:s0+s2], $0x400, $0x38;
	[tilespmem:$0x4800] =	vst v63  }
0x73: {  	_ =	swait.ge [sflag:s7], $0x400  }
0x74: {  	[sflag:s7] =	ssyncset.done $0x0  }
0x75: {  	[sflag:s7] =	ssyncadd.s32 $0xFFFFFC00  }
0x76: {  	[tilespmem:s10], [sflag:$0x1] =	stream.indirect.gather [hbm4b:s3+s9], $0x4, s2, s9, $0xb8;
	[tilespmem:$0x4800] =	vst v63  }
0x77: {  	_ =	swait.ge [sflag:s11], $0x200  }
0x78: {  	[sflag:s11] =	ssyncset.done $0x0  }
0x79: {  	[sflag:s11] =	ssyncadd.s32 $0xFFFFFE00  }
0x7a: {  	[tilespmem:s12], [sflag:$0x1] =	stream.indirect.gather [hbm4b:s3+s9], $0x4, s8, s9, $0xb8;
	[tilespmem:$0x4800] =	vst v63  }
0x7b: {  	_ =	swait.ge [sflag:s11], $0x200  }
0x7c: {  	[sflag:s11] =	ssyncset.done $0x0  }
0x7d: {  	s4 =	rddreg [dreg:$0x4];
	[sflag:s11] =	ssyncadd.s32 $0xFFFFFE00  }
0x7e: {  	[tilespmem:s4], [sflag:$0x1] =	stream.indirect.gather [hbm4b:s3+s9], $0x4, s9, s9, $0xb8;
	[tilespmem:$0x4800] =	vst v63  }
0x7f: {  	_ =	swait.ge [sflag:s11], $0x200  }
0x80: {  	s0 =	rddreg [dreg:$0x5];
	[sflag:s11] =	ssyncset.done $0x0  }
0x81: {  	s4 =	rddreg [dreg:$0x6];
	[sflag:s11] =	ssyncadd.s32 $0xFFFFFE00  }
0x82: {  	[tilespmem:s4], [sflag:$0x1] =	stream.indirect.gather [hbm4b:s3+s9], $0x4, s0, s9, $0xb8;
	[tilespmem:$0x4800] =	vst v63  }
0x83: {  	_ =	swait.ge [sflag:s11], $0x200  }
0x84: {  	[sflag:s11] =	ssyncset.done $0x0;
	s0 =	rddreg [dreg:$0x7]  }
0x85: {  	s4 =	rddreg [dreg:$0x8];
	[sflag:s11] =	ssyncadd.s32 $0xFFFFFE00  }
0x86: {  	[tilespmem:s4], [sflag:$0x1] =	stream.indirect.gather [hbm4b:s3+s9], $0x4, s0, s9, $0xb8;
	[tilespmem:$0x4800] =	vst v63  }
0x87: {  	_ =	swait.ge [sflag:s11], $0x200  }
0x88: {  	[sflag:s11] =	ssyncset.done $0x0;
	s0 =	rddreg [dreg:$0x9]  }
0x89: {  	s4 =	rddreg [dreg:$0xa];
	[sflag:s11] =	ssyncadd.s32 $0xFFFFFE00  }
0x8a: {  	[tilespmem:s4], [sflag:$0x1] =	stream.indirect.gather [hbm4b:s3+s9], $0x4, s0, s9, $0xb8;
	[tilespmem:$0x4800] =	vst v63  }
0x8b: {  	_ =	swait.ge [sflag:s11], $0x200  }
0x8c: {  	[sflag:s11] =	ssyncset.done $0x0;
	s0 =	rddreg [dreg:$0xb]  }
0x8d: {  	s4 =	rddreg [dreg:$0xc];
	[sflag:s11] =	ssyncadd.s32 $0xFFFFFE00  }
0x8e: {  	[tilespmem:s4], [sflag:$0x1] =	stream.indirect.gather [hbm4b:s3+s9], $0x4, s0, s9, $0xb8;
	[tilespmem:$0x4800] =	vst v63  }
0x8f: {  	_ =	swait.ge [sflag:s11], $0x200  }
0x90: {  	[sflag:s11] =	ssyncset.done $0x0;
	s0 =	rddreg [dreg:$0xd]  }
0x91: {  	s4 =	rddreg [dreg:$0xe];
	[sflag:s11] =	ssyncadd.s32 $0xFFFFFE00  }
0x92: {  	[tilespmem:s4], [sflag:$0x1] =	stream.indirect.gather [hbm4b:s3+s9], $0x4, s0, s9, $0xb8;
	[tilespmem:$0x4800] =	vst v63  }
0x93: {  	_ =	swait.ge [sflag:s11], $0x200  }
0x94: {  	[sflag:s11] =	ssyncset.done $0x0  }
0x95: {  	s4 =	rddreg [dreg:$0xf];
	[sflag:s11] =	ssyncadd.s32 $0xFFFFFE00  }
0x96: {  	[tilespmem:s13], [sflag:$0x1] =	stream.indirect.gather [hbm4b:s3+s9], $0x4, s4, s9, $0xb8;
	[tilespmem:$0x4800] =	vst v63  }
0x97: {  	_ =	swait.ge [sflag:s11], $0x200  }
0x98: {  	[sflag:s11] =	ssyncset.done $0x0  }
0x99: {  	[sflag:s11] =	ssyncadd.s32 $0xFFFFFE00  }
0x9a: {  	[tilespmem:s15], [sflag:$0x1] =	stream.indirect.gather [hbm4b:s3+s9], $0x4, s14, s9, $0xb8;
	[tilespmem:$0x4800] =	vst v63  }
0x9b: {  	_ =	swait.ge [sflag:s11], $0x200  }
0x9c: {  	[sflag:s11] =	ssyncset.done $0x0  }
0x9d: {  	[sflag:s11] =	ssyncadd.s32 $0xFFFFFE00  }
0x9e: {  	[tilespmem:s17], [sflag:$0x1] =	stream.indirect.gather [hbm4b:s3+s9], $0x4, s16, s9, $0xb8;
	[tilespmem:$0x4800] =	vst v63  }
0x9f: {  	_ =	swait.ge [sflag:s11], $0x200  }
0xa0: {  	[sflag:s11] =	ssyncset.done $0x0  }
0xa1: {  	[sflag:s11] =	ssyncadd.s32 $0xFFFFFE00  }
0xa2: {  	[tilespmem:s19], [sflag:$0x1] =	stream.indirect.gather [hbm4b:s3+s9], $0x4, s18, s9, $0xb8;
	[tilespmem:$0x4800] =	vst v63  }
0xa3: {  	_ =	swait.ge [sflag:s11], $0x200  }
0xa4: {  	[sflag:s11] =	ssyncset.done $0x0  }
0xa5: {  	[sflag:s11] =	ssyncadd.s32 $0xFFFFFE00  }
0xa6: {  	[tilespmem:s21], [sflag:$0x1] =	stream.indirect.gather [hbm4b:s3+s9], $0x4, s20, s9, $0xb8;
	[tilespmem:$0x4800] =	vst v63  }
0xa7: {  	_ =	swait.ge [sflag:s11], $0x200  }
0xa8: {  	[sflag:s11] =	ssyncset.done $0x0  }
0xa9: {  	[sflag:s11] =	ssyncadd.s32 $0xFFFFFE00  }
0xaa: {  	[tilespmem:s23], [sflag:$0x1] =	stream.indirect.gather [hbm4b:s3+s9], $0x4, s22, s9, $0xb8;
	[tilespmem:$0x4800] =	vst v63  }
0xab: {  	_ =	swait.ge [sflag:s11], $0x200  }
0xac: {  	[sflag:s11] =	ssyncset.done $0x0  }
0xad: {  	[sflag:s11] =	ssyncadd.s32 $0xFFFFFE00  }
0xae: {  	[tilespmem:s25], [sflag:$0x1] =	stream.indirect.gather [hbm4b:s3+s9], $0x4, s24, s9, $0xb8;
	[tilespmem:$0x4800] =	vst v63  }
0xaf: {  	_ =	swait.ge [sflag:s11], $0x200  }
0xb0: {  	[sflag:s11] =	ssyncset.done $0x0  }
0xb1: {  	p0 =	sne.s32 s30, $0x480;
	[sflag:s11] =	ssyncadd.s32 $0xFFFFFE00  }
0xb2: {  	[tilespmem:s28], [sflag:$0x1] =	stream.indirect.gather [hbm4b:s3+s9], $0x4, s26, s9, $0xb8;
	[tilespmem:$0x4800] =	vst v63  }
.Ltmp0:
0xb3: {  	_ =	swait.ge [sflag:s11], $0x200;
	(pc) =	sbr.rel @p0 .LBB2_2-.Ltmp0, $4  }
0xb4: {  	[sflag:s11] =	ssyncset.done $0x0  }
0xb5: {  	s31 =	sadd.s32 $0x400, s31;
	s6 =	sadd.s32 $0x400, s6;
	[sflag:s11] =	ssyncadd.s32 $0xFFFFFE00  }
0xb6: {  	[hbm4b:s6+s2] =	stream.linear.scatter [tilespmem:s10], [sflag:$0x2], $0x2000, $0x38;
	[tilespmem:$0x4800] =	vst v63  }
0xb7: {  	s30 =	sadd.s32 $0x80, s30;
	s5 =	smov.u32 s31;
	_ =	swait.ge [sflag:s7], $0x2000  }
0xb8: {  	[sflag:s7] =	ssyncset.done $0x0  }
0xb9: {  	[sflag:s7] =	ssyncadd.s32 $0xFFFFE000  }
0xba: {  	[hbm4b:s5+s2] =	stream.linear.scatter [tilespmem:s12], [sflag:$0x2], $0x2000, $0x38;
	[tilespmem:$0x4800] =	vst v63  }
0xbb: {  	_ =	swait.ge [sflag:s7], $0x2000  }
0xbc: {  	s29 =	sadd.s32 $0x1, s29;
	s0 =	rddreg [dreg:$0x10]  }
0xbd: {  	p0 =	sne.s32 s29, s0  }
.Ltmp1:
0xbe: {  	_ = 	snop;
	(pc) =	sbr.rel @p0 .LBB2_1-.Ltmp1, $3  }
0xbf: {  	_ =	sdelay $0x1  }
0xc0: {  	[sflag:s7] =	ssyncset.done $0x0  }
0xc1: {  	[sflag:s7] =	ssyncadd.s32 $0xFFFFE000  }
0xc2: {  	_ =	sfence.sel $0x180000  }
0xc3: {  	[bflag:$0x0] =	sbarrier.arrive $0xFFFF  }
0xc4: {  	_ =	strace $0x90000047  }
0xc5: {  	s0 =	stileid.u32;
	[bflag:$0x2] =	sbarrier.arrive $0xFFFF  }
0xc6: {  	p0 =	sne.s32 s0, $0x0;
	s0 =	rddreg [dreg:$0x1]  }
0xc7: {  	s0 =	sadd.s32 @!p0 $0x100000, s0  }
0xc8: {  	[sflag:s0] =	ssyncadd.tile.s32 @!p0 $0x1;
	_ =	shalt  }
.Lfunc_end2:
_tile_overlayer_lowered:
.L_overlay_start_2:
0xc9: {  	(tag) =	ssettag $0x2  }
0xca: {  	s0 =	rddreg [dreg:$0x0];
	s2 =	stileid.u32  }
0xcb: {  	s1 =	rddreg [dreg:$0x1];
	p0 =	sne.s32 s2, $0x0  }
0xcc: {  	s3 =	rddreg [dreg:$0x2];
	[bflag:$0x3] =	sbarrier.arrive $0xFFFF;
	s2 =	simm.s32 @!p0 $0x1C02  }
0xcd: {  	[timem:s3], [sflag:s2] =	dma.local @!p0 [hbm:s0], s1  }
0xce: {  	s0 =	simm.s32 @!p0 $0x2  }
0xcf: {  	_ =	swait.ge @!p0 [sflag:s0], s1  }
0xd0: {  	s1 =	ssub.s32 @!p0 $0x0, s1;
	[sflag:s0] =	ssyncset.done @!p0 $0x0  }
0xd1: {  	[sflag:s0] =	ssyncadd.s32 @!p0 s1  }
0xd2: {  	[bflag:$0x3] =	sbarrier.arrive $0xFFFF  }
0xd3: {  	_ =	shalt  }

</sc_bundles>
